<compile_context>
chip_gen: v7x
topology: tpu7x:2x2x1
jax: 0.10.2.dev20260603
libtpu: 0.0.44.dev20260713+nightly
codegen_flags: <defaults>
</compile_context>

<pallas_src>
import functools

import jax
import jax.numpy as jnp
from jax import lax
from jax.experimental import pallas as pl
from jax.experimental.pallas import tpu as pltpu
from jax.experimental.pallas import tpu_sc as plsc

N = 10000
E = 320000
D = 128
NREL = 200
Q = 500
NC, NS = 2, 16
K = 80
KE = 128
RCH = N // K
ZCH_PER_TILE = (RCH + NS - 1) // NS

@functools.cache
def _mesh():
    return plsc.VectorSubcoreMesh(core_axis_name="c", subcore_axis_name="s",
                                  num_cores=NC, num_subcores=NS)


def _fill_const(ref, nrow, ncol, val):
    @pl.loop(0, nrow)
    def _(r):
        @pl.loop(0, ncol // 16)
        def _(c):
            ref[r, pl.ds(c * 16, 16)] = jnp.full((16,), val, jnp.float32)


def _zero_acc_chunks(sid, zv, zdv, acc_s, acc_d):
    @pl.loop(0, ZCH_PER_TILE)
    def _(k):
        ch = sid + k * NS
        @pl.when(ch < RCH)
        def _():
            pltpu.sync_copy(zv, acc_s.at[pl.ds(ch * K, K)])
            if acc_d is not None:
                pltpu.sync_copy(zdv, acc_d.at[pl.ds(ch * K, K)])


def _edge_loop(table, src_hbm, dst_hbm, ebase, ept, acc, idxg, idxs,
               idxgr, idxsr, rows, semi, semi2, semg):
    n_full = ept // KE
    rem = ept % KE
    assert n_full % 2 == 0

    def issue_idx(slot, chunk):
        off = ebase + chunk * KE
        pltpu.async_copy(src_hbm.at[pl.ds(off, KE)], idxg[slot], semi[slot])
        pltpu.async_copy(dst_hbm.at[pl.ds(off, KE)], idxs[slot], semi2[slot])

    def wait_idx(slot, chunk):
        off = ebase + chunk * KE
        pltpu.make_async_copy(src_hbm.at[pl.ds(off, KE)], idxg[slot],
                              semi[slot]).wait()
        pltpu.make_async_copy(dst_hbm.at[pl.ds(off, KE)], idxs[slot],
                              semi2[slot]).wait()

    def do_chunk(slot):
        pltpu.async_copy(table.at[idxg[slot]], rows, semg).wait()
        pltpu.sync_copy(rows, acc.at[idxs[slot]], add=True)

    issue_idx(0, 0)
    @pl.loop(0, n_full // 2)
    def _(p):
        c0 = 2 * p
        issue_idx(1, c0 + 1)
        wait_idx(0, c0)
        do_chunk(0)
        @pl.when(c0 + 2 < n_full)
        def _():
            issue_idx(0, c0 + 2)
        wait_idx(1, c0 + 1)
        do_chunk(1)
    if rem:
        off = ebase + n_full * KE
        pltpu.sync_copy(src_hbm.at[pl.ds(off, rem)], idxgr)
        pltpu.sync_copy(dst_hbm.at[pl.ds(off, rem)], idxsr)
        pltpu.async_copy(table.at[idxgr], rows.at[pl.ds(0, rem)], semg).wait()
        pltpu.sync_copy(rows.at[pl.ds(0, rem)], acc.at[idxsr], add=True)


def _sc_deg_body(dst, dega, degb, acc_d, idxs, idxsr, onesv, semi):
    cid = lax.axis_index("c")
    sid = lax.axis_index("s")
    stg = onesv.at[pl.ds(0, K)]
    _fill_const(onesv, K, D, 0.0)
    @pl.loop(0, ZCH_PER_TILE)
    def _(k):
        ch = sid + k * NS
        @pl.when(ch < RCH)
        def _():
            pltpu.sync_copy(stg, acc_d.at[pl.ds(ch * K, K)])
    plsc.subcore_barrier()
    _fill_const(onesv, KE, D, 1.0)
    ebase = cid * (E // NC) + sid * EPT2
    n_full = EPT2 // KE
    rem = EPT2 % KE

    def issue_idx(slot, chunk):
        pltpu.async_copy(dst.at[pl.ds(ebase + chunk * KE, KE)], idxs[slot],
                         semi[slot])

    def wait_idx(slot, chunk):
        pltpu.make_async_copy(dst.at[pl.ds(ebase + chunk * KE, KE)],
                              idxs[slot], semi[slot]).wait()

    issue_idx(0, 0)
    @pl.loop(0, n_full // 2)
    def _(p):
        c0 = 2 * p
        issue_idx(1, c0 + 1)
        wait_idx(0, c0)
        pltpu.sync_copy(onesv, acc_d.at[idxs[0]], add=True)
        @pl.when(c0 + 2 < n_full)
        def _():
            issue_idx(0, c0 + 2)
        wait_idx(1, c0 + 1)
        pltpu.sync_copy(onesv, acc_d.at[idxs[1]], add=True)
    if rem:
        pltpu.sync_copy(dst.at[pl.ds(ebase + n_full * KE, rem)], idxsr)
        pltpu.sync_copy(onesv.at[pl.ds(0, rem)], acc_d.at[idxsr], add=True)
    plsc.subcore_barrier()
    @pl.loop(0, ZCH_PER_TILE)
    def _(k):
        ch = sid + k * NS
        @pl.when(ch < RCH)
        def _():
            r0 = ch * K
            pltpu.sync_copy(acc_d.at[pl.ds(r0, K)], stg)
            @pl.when(cid == 0)
            def _():
                pltpu.sync_copy(stg, dega.at[pl.ds(r0, K)])
            @pl.when(cid == 1)
            def _():
                pltpu.sync_copy(stg, degb.at[pl.ds(r0, K)])


@functools.cache
def _sc_deg():
  return pl.kernel(
    _sc_deg_body,
    out_type=(
        jax.ShapeDtypeStruct((N, D), jnp.float32),
        jax.ShapeDtypeStruct((N, D), jnp.float32),
    ),
    mesh=_mesh(),
    scratch_types=[
        pltpu.VMEM_SHARED((N, D), jnp.float32),
        [pltpu.VMEM((KE,), jnp.int32) for _ in range(2)],
        pltpu.VMEM((EPT2 % KE,), jnp.int32),
        pltpu.VMEM((KE, D), jnp.float32),
        [pltpu.SemaphoreType.DMA for _ in range(2)],
    ],
)


EPT1 = E // NS
EPT2 = E // NC // NS


def _sc_pass1_body(ent, rel, src, dst, et,
                   g1, cr, acc_s, idxg, idxs, idxgr, idxsr, rows,
                   semi, semi2, semg):
    cid = lax.axis_index("c")
    sid = lax.axis_index("s")
    zv = rows.at[pl.ds(0, K)]
    _fill_const(rows, K, D, 0.0)
    _zero_acc_chunks(sid, zv, None, acc_s, None)
    plsc.subcore_barrier()
    ebase = sid * EPT1
    @pl.when(cid == 0)
    def _():
        _edge_loop(ent, src, dst, ebase, EPT1, acc_s, idxg, idxs,
                   idxgr, idxsr, rows, semi, semi2, semg)
    @pl.when(cid == 1)
    def _():
        _edge_loop(rel, et, dst, ebase, EPT1, acc_s, idxg, idxs,
                   idxgr, idxsr, rows, semi, semi2, semg)
    plsc.subcore_barrier()
    @pl.loop(0, ZCH_PER_TILE)
    def _(k):
        ch = sid + k * NS
        @pl.when(ch < RCH)
        def _():
            r0 = ch * K
            pltpu.sync_copy(acc_s.at[pl.ds(r0, K)], zv)
            @pl.when(cid == 0)
            def _():
                pltpu.sync_copy(zv, g1.at[pl.ds(r0, K)])
            @pl.when(cid == 1)
            def _():
                pltpu.sync_copy(zv, cr.at[pl.ds(r0, K)])


@functools.cache
def _sc_pass1():
  return pl.kernel(
    _sc_pass1_body,
    out_type=(
        jax.ShapeDtypeStruct((N, D), jnp.float32),
        jax.ShapeDtypeStruct((N, D), jnp.float32),
    ),
    mesh=_mesh(),
    scratch_types=[
        pltpu.VMEM_SHARED((N, D), jnp.float32),
        [pltpu.VMEM((KE,), jnp.int32) for _ in range(2)],
        [pltpu.VMEM((KE,), jnp.int32) for _ in range(2)],
        pltpu.VMEM((EPT1 % KE,), jnp.int32),
        pltpu.VMEM((EPT1 % KE,), jnp.int32),
        pltpu.VMEM((KE, D), jnp.float32),
        [pltpu.SemaphoreType.DMA for _ in range(2)],
        [pltpu.SemaphoreType.DMA for _ in range(2)],
        pltpu.SemaphoreType.DMA,
    ],
)


def _sc_pass2_body(h1, src, dst, g2a, g2b, acc_s, idxg, idxs, idxgr, idxsr,
                   rows, semi, semi2, semg):
    cid = lax.axis_index("c")
    sid = lax.axis_index("s")
    zv = rows.at[pl.ds(0, K)]
    _fill_const(rows, K, D, 0.0)
    _zero_acc_chunks(sid, zv, None, acc_s, None)
    plsc.subcore_barrier()
    ebase = cid * (E // NC) + sid * EPT2
    _edge_loop(h1, src, dst, ebase, EPT2, acc_s, idxg, idxs,
               idxgr, idxsr, rows, semi, semi2, semg)
    plsc.subcore_barrier()
    @pl.loop(0, ZCH_PER_TILE)
    def _(k):
        ch = sid + k * NS
        @pl.when(ch < RCH)
        def _():
            r0 = ch * K
            pltpu.sync_copy(acc_s.at[pl.ds(r0, K)], zv)
            @pl.when(cid == 0)
            def _():
                pltpu.sync_copy(zv, g2a.at[pl.ds(r0, K)])
            @pl.when(cid == 1)
            def _():
                pltpu.sync_copy(zv, g2b.at[pl.ds(r0, K)])


@functools.cache
def _sc_pass2():
  return pl.kernel(
    _sc_pass2_body,
    out_type=(
        jax.ShapeDtypeStruct((N, D), jnp.float32),
        jax.ShapeDtypeStruct((N, D), jnp.float32),
    ),
    mesh=_mesh(),
    scratch_types=[
        pltpu.VMEM_SHARED((N, D), jnp.float32),
        [pltpu.VMEM((KE,), jnp.int32) for _ in range(2)],
        [pltpu.VMEM((KE,), jnp.int32) for _ in range(2)],
        pltpu.VMEM((EPT2 % KE,), jnp.int32),
        pltpu.VMEM((EPT2 % KE,), jnp.int32),
        pltpu.VMEM((KE, D), jnp.float32),
        [pltpu.SemaphoreType.DMA for _ in range(2)],
        [pltpu.SemaphoreType.DMA for _ in range(2)],
        pltpu.SemaphoreType.DMA,
    ],
)


QP = 512


def _sc_readout_body(x2, bidx, out, acc_q, idxs, rows, zqv):
    cid = lax.axis_index("c")
    sid = lax.axis_index("s")
    @pl.when((cid == 0) & (sid < 4))
    def _():
        _fill_const(zqv, 128, D, 0.0)
        pltpu.sync_copy(zqv, acc_q.at[pl.ds(sid * 128, 128)])
    plsc.subcore_barrier()
    @pl.when(cid == 0)
    def _():
        @pl.loop(0, ZCH_PER_TILE)
        def _(k):
            ch = sid + k * NS
            @pl.when(ch < RCH)
            def _():
                base = ch * K
                pltpu.sync_copy(x2.at[pl.ds(base, K)], rows)
                pltpu.sync_copy(bidx.at[pl.ds(base, K)], idxs)
                pltpu.sync_copy(rows, acc_q.at[idxs], add=True)
    plsc.subcore_barrier()
    @pl.when((cid == 0) & (sid < 4))
    def _():
        q0 = sid * 128
        pltpu.sync_copy(acc_q.at[pl.ds(q0, 128)], zqv)
        pltpu.sync_copy(zqv, out.at[pl.ds(q0, 128)])


@functools.cache
def _sc_readout():
  return pl.kernel(
    _sc_readout_body,
    out_type=jax.ShapeDtypeStruct((QP, D), jnp.float32),
    mesh=_mesh(),
    scratch_types=[
        pltpu.VMEM_SHARED((QP, D), jnp.float32),
        pltpu.VMEM((K,), jnp.int32),
        pltpu.VMEM((K, D), jnp.float32),
        pltpu.VMEM((128, D), jnp.float32),
    ],
)


BM = 1000


def _tc1_body(g1, cr, dga, dgb, x, w, wl, bb, o):
    invd = 1.0 / jnp.maximum(dga[:, 0:1] + dgb[:, 0:1], 1.0)
    pre = (g1[...] - cr[...]) * invd
    acc = jnp.dot(pre, w[...], preferred_element_type=jnp.float32)
    acc += jnp.dot(x[...], wl[...], preferred_element_type=jnp.float32)
    o[...] = jnp.maximum(acc + bb[...], 0.0)


def _tc2_body(g2a, g2b, cr, dga, dgb, h1, w, wr, wl, bb, o):
    invd = 1.0 / jnp.maximum(dga[:, 0:1] + dgb[:, 0:1], 1.0)
    crw = jnp.dot(cr[...], wr[...], preferred_element_type=jnp.float32)
    pre = (g2a[...] + g2b[...] - crw) * invd
    acc = jnp.dot(pre, w[...], preferred_element_type=jnp.float32)
    acc += jnp.dot(h1[...], wl[...], preferred_element_type=jnp.float32)
    o[...] = acc + bb[...]


def _row_spec(cols):
    return pl.BlockSpec((BM, cols), lambda i: (i, 0))


def _full_spec(r, c):
    return pl.BlockSpec((r, c), lambda i: (0, 0))


_tc1 = pl.pallas_call(
    _tc1_body,
    grid=(N // BM,),
    in_specs=[_row_spec(D), _row_spec(D), _row_spec(D), _row_spec(D),
              _row_spec(D), _full_spec(D, D), _full_spec(D, D),
              _full_spec(1, D)],
    out_specs=_row_spec(D),
    out_shape=jax.ShapeDtypeStruct((N, D), jnp.float32),
)

_tc2 = pl.pallas_call(
    _tc2_body,
    grid=(N // BM,),
    in_specs=[_row_spec(D), _row_spec(D), _row_spec(D), _row_spec(D),
              _row_spec(D), _row_spec(D), _full_spec(D, D),
              _full_spec(D, D), _full_spec(D, D), _full_spec(1, D)],
    out_specs=_row_spec(D),
    out_shape=jax.ShapeDtypeStruct((N, D), jnp.float32),
)


def kernel(ent_embed, rel_embed, edge_index, edge_type, batch_idx, W, W_loop,
           W_rel, b):
    src = edge_index[0]
    dst = edge_index[1]
    b2 = b.reshape(1, D)

    dega, degb = _sc_deg()(dst)
    g1, cr = _sc_pass1()(ent_embed, rel_embed, src, dst, edge_type)
    h1 = _tc1(g1, cr, dega, degb, ent_embed, W, W_loop, b2)
    g2a, g2b = _sc_pass2()(h1, src, dst)
    x2 = _tc2(g2a, g2b, cr, dega, degb, h1, W, W_rel, W_loop, b2)
    return _sc_readout()(x2, batch_idx)[:Q]

# --- scband reference (transcript-rebuilt; emitter-appended) ---
"""Pipeline reference for scband-gcnmodel-2293512536184 (READ-ONLY COPY).

The authoritative reference and input builder live on the scoring server;
editing this copy changes nothing except your own understanding.
"""

import jax, jax.numpy as jnp
import numpy as np

N_NODES = 10000
N_EDGES = 320000
D = 128
N_REL = 200
N_QUERIES = 500


def setup_inputs(seed: int = 0) -> dict:
    key = jax.random.key(seed)
    ks = jax.random.split(key, 10)
    scale = 1.0 / np.sqrt(D)
    return {
        "ent_embed": jax.random.normal(ks[0], (N_NODES, D), dtype=jnp.float32),
        "rel_embed": jax.random.normal(ks[1], (N_REL, D), dtype=jnp.float32),
        "edge_index": jax.random.randint(ks[2], (2, N_EDGES), 0, N_NODES, dtype=jnp.int32),
        "edge_type": jax.random.randint(ks[3], (N_EDGES,), 0, N_REL, dtype=jnp.int32),
        "batch_idx": jnp.sort(jax.random.randint(ks[4], (N_NODES,), 0, N_QUERIES, dtype=jnp.int32)),
        "W": jax.random.normal(ks[5], (D, D), dtype=jnp.float32) * scale,
        "W_loop": jax.random.normal(ks[6], (D, D), dtype=jnp.float32) * scale,
        "W_rel": jax.random.normal(ks[7], (D, D), dtype=jnp.float32) * scale,
        "b": jnp.zeros((D,), dtype=jnp.float32),
    }


def compgcn_conv(x, r, src, dst, etype, W, W_loop, W_rel, b):
    # Composition op 'sub': comp(h_src, h_rel) = h_src - h_rel
    m = x[src] - r[etype]           # gather entity + relation embeddings per edge
    m = m @ W                        # transform messages
    deg = jax.ops.segment_sum(jnp.ones((src.shape[0],), x.dtype), dst, num_segments=x.shape[0])
    agg = jax.ops.segment_sum(m, dst, num_segments=x.shape[0])  # scatter-add to dst nodes
    agg = agg / jnp.clip(deg, 1.0)[:, None]                     # mean normalization
    out = agg + x @ W_loop + b       # self-loop transform + bias
    r_out = r @ W_rel                # relation update
    return out, r_out


def reference(ent_embed, rel_embed, edge_index, edge_type, batch_idx, W, W_loop, W_rel, b):
    src = edge_index[0]
    dst = edge_index[1]
    x, r = ent_embed, rel_embed
    # num_layers=2; NOTE: the torch model appends the SAME conv instance for every
    # layer, so weights are shared across layers.
    x, r = compgcn_conv(x, r, src, dst, edge_type, W, W_loop, W_rel, b)
    x = jax.nn.relu(x)
    x, r = compgcn_conv(x, r, src, dst, edge_type, W, W_loop, W_rel, b)
    # sum readout over query graphs
    out = jax.ops.segment_sum(x, batch_idx, num_segments=N_QUERIES)
    return out

if __name__ == "__main__":
    import jax
    _d = setup_inputs()
    print(jax.jit(kernel)(*tuple(_d.values())))

</pallas_src>

<mosaic_0001>
#map = affine_map<(d0, d1) -> (0, 0)>
#map1 = affine_map<(d0, d1) -> (0)>
module attributes {stable_mosaic.version = 14 : i64} {
  func.func @_sc_pass1_body(%arg0: i32, %arg1: i32, %arg2: memref<10000x128xf32, #tpu.memory_space<hbm>>, %arg3: memref<200x128xf32, #tpu.memory_space<hbm>>, %arg4: memref<320000xi32, #tpu.memory_space<hbm>>, %arg5: memref<320000xi32, #tpu.memory_space<hbm>>, %arg6: memref<320000xi32, #tpu.memory_space<hbm>>, %arg7: memref<10000x128xf32, #tpu.memory_space<hbm>>, %arg8: memref<10000x128xf32, #tpu.memory_space<hbm>>, %arg9: memref<10000x128xf32, #tpu.memory_space<vmem_shared>>, %arg10: memref<128xi32, #tpu.memory_space<vmem>>, %arg11: memref<128xi32, #tpu.memory_space<vmem>>, %arg12: memref<128xi32, #tpu.memory_space<vmem>>, %arg13: memref<128xi32, #tpu.memory_space<vmem>>, %arg14: memref<32xi32, #tpu.memory_space<vmem>>, %arg15: memref<32xi32, #tpu.memory_space<vmem>>, %arg16: memref<128x128xf32, #tpu.memory_space<vmem>>, %arg17: memref<!tpu.dma_semaphore, #tpu.memory_space<semaphore_mem>>, %arg18: memref<!tpu.dma_semaphore, #tpu.memory_space<semaphore_mem>>, %arg19: memref<!tpu.dma_semaphore, #tpu.memory_space<semaphore_mem>>, %arg20: memref<!tpu.dma_semaphore, #tpu.memory_space<semaphore_mem>>, %arg21: memref<!tpu.dma_semaphore, #tpu.memory_space<semaphore_mem>>) attributes {dimension_semantics = [#tpu.dimension_semantics<core_parallel>, #tpu.dimension_semantics<subcore_parallel>], iteration_bounds = array<i64: 2, 16>, scalar_prefetch = 0 : i64, scratch_operands = 13 : i64, tpu.core_type = #tpu.core_type<sc_vector_subcore>, window_params = [{transform_indices = #map}, {transform_indices = #map}, {transform_indices = #map1}, {transform_indices = #map1}, {transform_indices = #map1}, {transform_indices = #map}, {transform_indices = #map}]} {
    %scan3A = arith.constant 0 : i32
    %scan3A_0 = arith.constant 80 : i32
    %scan3A_1 = arith.addi %scan3A, %scan3A_0 : i32
    %scan3A_2 = arith.constant 1 : i32
    scf.for %scan3A_23 = %scan3A to %scan3A_1 step %scan3A_2  : i32 {
      %mul3A_24 = arith.constant 1 : i32
      %mul3A_25 = arith.muli %scan3A_23, %mul3A_24 : i32
      %add3A = arith.constant 0 : i32
      %add3A_26 = arith.addi %add3A, %mul3A_25 : i32
      %scan3A_27 = arith.constant 0 : i32
      %scan3A_28 = arith.constant 8 : i32
      %scan3A_29 = arith.addi %scan3A_27, %scan3A_28 : i32
      %scan3A_30 = arith.constant 1 : i32
      scf.for %scan3A_32 = %scan3A_27 to %scan3A_29 step %scan3A_30  : i32 {
        %mul3A_33 = arith.constant 1 : i32
        %mul3A_34 = arith.muli %scan3A_32, %mul3A_33 : i32
        %add3A_35 = arith.constant 0 : i32
        %add3A_36 = arith.addi %add3A_35, %mul3A_34 : i32
        %broadcast_in_dim3A = arith.constant 0.000000e+00 : f32
        %broadcast_in_dim3A_37 = vector.broadcast %broadcast_in_dim3A : f32 to vector<16xf32>
        %mul3A_38 = arith.constant 16 : i32
        %mul3A_39 = arith.muli %add3A_36, %mul3A_38 : i32
        %swap3A = arith.index_cast %add3A_26 : i32 to index
        %swap3A_40 = arith.index_cast %mul3A_39 : i32 to index
        %swap3A_41 = tpu.vector_load %arg16[%swap3A, %swap3A_40] {strides = array<i32>} : memref<128x128xf32, #tpu.memory_space<vmem>>, vector<1x16xf32>,
        %swap3A_42 = vector.shape_cast %swap3A_41 : vector<1x16xf32> to vector<16xf32>
        %swap3A_43 = vector.shape_cast %broadcast_in_dim3A_37 : vector<16xf32> to vector<1x16xf32>
        tpu.vector_store %arg16[%swap3A, %swap3A_40], %swap3A_43 {strides = array<i32>} : memref<128x128xf32, #tpu.memory_space<vmem>>, vector<1x16xf32>,
      }
      %scan3A_31 = arith.constant 8 : i32
    }
    %scan3A_3 = arith.constant 80 : i32
    %scan3A_4 = arith.constant 0 : i32
    %scan3A_5 = arith.constant 8 : i32
    %scan3A_6 = arith.addi %scan3A_4, %scan3A_5 : i32
    %scan3A_7 = arith.constant 1 : i32
    scf.for %scan3A_23 = %scan3A_4 to %scan3A_6 step %scan3A_7  : i32 {
      %mul3A_24 = arith.constant 1 : i32
      %mul3A_25 = arith.muli %scan3A_23, %mul3A_24 : i32
      %add3A = arith.constant 0 : i32
      %add3A_26 = arith.addi %add3A, %mul3A_25 : i32
      %mul3A_27 = arith.constant 16 : i32
      %mul3A_28 = arith.muli %add3A_26, %mul3A_27 : i32
      %add3A_29 = arith.addi %arg1, %mul3A_28 : i32
      %lt3A = arith.constant 125 : i32
      %lt3A_30 = arith.cmpi slt, %add3A_29, %lt3A : i32
      %convert_element_type3A_31 = arith.extui %lt3A_30 : i1 to i32
      %cond3A_32 = arith.constant 0 : i32
      %cond3A_33 = arith.cmpi ne, %convert_element_type3A_31, %cond3A_32 : i32
      scf.if %cond3A_33 {
        %mul3A_34 = arith.constant 80 : i32
        %mul3A_35 = arith.muli %add3A_29, %mul3A_34 : i32
        "tpu.region"() ({
          %run_scoped3A = tpu.sem_alloc : memref<!tpu.dma_semaphore, #tpu.memory_space<semaphore_mem>>
          %dma_start3A = arith.constant 0 : i32
          %dma_start3A_36 = arith.constant 0 : i32
          %dma_start3A_37 = tpu.memref_slice %arg16[%dma_start3A, %dma_start3A_36] : memref<128x128xf32, #tpu.memory_space<vmem>> -> memref<80x128xf32, #tpu.memory_space<vmem>>
          %dma_start3A_38 = arith.constant 0 : i32
          %dma_start3A_39 = tpu.memref_slice %arg9[%mul3A_35, %dma_start3A_38] : memref<10000x128xf32, #tpu.memory_space<vmem_shared>> -> memref<80x128xf32, #tpu.memory_space<vmem_shared>>
          %dma_start3A_40 = arith.constant 0 : i32
          %dma_start3A_41 = tpu.memref_slice %arg9[%mul3A_35, %dma_start3A_40] : memref<10000x128xf32, #tpu.memory_space<vmem_shared>> -> memref<80x128xf32, #tpu.memory_space<vmem_shared>>
          %dma_start3A_42 = arith.constant 0 : i32
          %dma_start3A_43 = arith.constant 0 : i32
          %dma_start3A_44 = tpu.memref_slice %arg16[%dma_start3A_42, %dma_start3A_43] : memref<128x128xf32, #tpu.memory_space<vmem>> -> memref<80x128xf32, #tpu.memory_space<vmem>>
          tpu.enqueue_dma source(%dma_start3A_44 : memref<80x128xf32, #tpu.memory_space<vmem>>) target(%dma_start3A_41 : memref<80x128xf32, #tpu.memory_space<vmem_shared>>) target_semaphore(%run_scoped3A : memref<!tpu.dma_semaphore, #tpu.memory_space<semaphore_mem>>)
          %dma_wait3A = arith.constant 0 : i32
          %dma_wait3A_45 = arith.constant 0 : i32
          %dma_wait3A_46 = tpu.memref_slice %arg16[%dma_wait3A, %dma_wait3A_45] : memref<128x128xf32, #tpu.memory_space<vmem>> -> memref<80x128xf32, #tpu.memory_space<vmem>>
          %dma_wait3A_47 = arith.constant 0 : i32
          %dma_wait3A_48 = tpu.memref_slice %arg9[%mul3A_35, %dma_wait3A_47] : memref<10000x128xf32, #tpu.memory_space<vmem_shared>> -> memref<80x128xf32, #tpu.memory_space<vmem_shared>>
          %dma_wait3A_49 = arith.constant 0 : i32
          %dma_wait3A_50 = tpu.memref_slice %arg9[%mul3A_35, %dma_wait3A_49] : memref<10000x128xf32, #tpu.memory_space<vmem_shared>> -> memref<80x128xf32, #tpu.memory_space<vmem_shared>>
          %dma_wait3A_51 = arith.constant 0 : i32
          %dma_wait3A_52 = arith.constant 0 : i32
          %dma_wait3A_53 = tpu.memref_slice %arg16[%dma_wait3A_51, %dma_wait3A_52] : memref<128x128xf32, #tpu.memory_space<vmem>> -> memref<80x128xf32, #tpu.memory_space<vmem>>
          tpu.wait_dma2 semaphore(%run_scoped3A : memref<!tpu.dma_semaphore, #tpu.memory_space<semaphore_mem>>) src(%dma_wait3A_53 : memref<80x128xf32, #tpu.memory_space<vmem>>) dst(%dma_wait3A_50 : memref<80x128xf32, #tpu.memory_space<vmem_shared>>)
          tpu.yield
        }) : () -> ()
      } else {
      }
    }
    %scan3A_8 = arith.constant 8 : i32
    %barrier3A = arith.constant 0 : index
    tpu.barrier barrier_id(%barrier3A)
    %mul3A = arith.constant 20000 : i32
    %mul3A_9 = arith.muli %arg1, %mul3A : i32
    %eq3A = arith.constant 0 : i32
    %eq3A_10 = arith.cmpi eq, %arg0, %eq3A : i32
    %convert_element_type3A = arith.extui %eq3A_10 : i1 to i32
    %cond3A = arith.constant 0 : i32
    %cond3A_11 = arith.cmpi ne, %convert_element_type3A, %cond3A : i32
    scf.if %cond3A_11 {
      %add3A = arith.constant 0 : i32
      %add3A_23 = arith.addi %mul3A_9, %add3A : i32
      %dma_start3A = tpu.memref_slice %arg4[%add3A_23] : memref<320000xi32, #tpu.memory_space<hbm>> -> memref<128xi32, #tpu.memory_space<hbm>>
      %dma_start3A_24 = tpu.memref_slice %arg4[%add3A_23] : memref<320000xi32, #tpu.memory_space<hbm>> -> memref<128xi32, #tpu.memory_space<hbm>>
      tpu.enqueue_dma source(%dma_start3A_24 : memref<128xi32, #tpu.memory_space<hbm>>) target(%arg10 : memref<128xi32, #tpu.memory_space<vmem>>) target_semaphore(%arg17 : memref<!tpu.dma_semaphore, #tpu.memory_space<semaphore_mem>>)
      %dma_start3A_25 = tpu.memref_slice %arg5[%add3A_23] : memref<320000xi32, #tpu.memory_space<hbm>> -> memref<128xi32, #tpu.memory_space<hbm>>
      %dma_start3A_26 = tpu.memref_slice %arg5[%add3A_23] : memref<320000xi32, #tpu.memory_space<hbm>> -> memref<128xi32, #tpu.memory_space<hbm>>
      tpu.enqueue_dma source(%dma_start3A_26 : memref<128xi32, #tpu.memory_space<hbm>>) target(%arg12 : memref<128xi32, #tpu.memory_space<vmem>>) target_semaphore(%arg19 : memref<!tpu.dma_semaphore, #tpu.memory_space<semaphore_mem>>)
      %scan3A_27 = arith.constant 0 : i32
      %scan3A_28 = arith.constant 78 : i32
      %scan3A_29 = arith.addi %scan3A_27, %scan3A_28 : i32
      %scan3A_30 = arith.constant 1 : i32
      scf.for %scan3A_45 = %scan3A_27 to %scan3A_29 step %scan3A_30  : i32 {
        %mul3A_46 = arith.constant 1 : i32
        %mul3A_47 = arith.muli %scan3A_45, %mul3A_46 : i32
        %add3A_48 = arith.constant 0 : i32
        %add3A_49 = arith.addi %add3A_48, %mul3A_47 : i32
        %mul3A_50 = arith.constant 2 : i32
        %mul3A_51 = arith.muli %mul3A_50, %add3A_49 : i32
        %add3A_52 = arith.constant 1 : i32
        %add3A_53 = arith.addi %mul3A_51, %add3A_52 : i32
        %mul3A_54 = arith.constant 128 : i32
        %mul3A_55 = arith.muli %add3A_53, %mul3A_54 : i32
        %add3A_56 = arith.addi %mul3A_9, %mul3A_55 : i32
        %dma_start3A_57 = tpu.memref_slice %arg4[%add3A_56] : memref<320000xi32, #tpu.memory_space<hbm>> -> memref<128xi32, #tpu.memory_space<hbm>>
        %dma_start3A_58 = tpu.memref_slice %arg4[%add3A_56] : memref<320000xi32, #tpu.memory_space<hbm>> -> memref<128xi32, #tpu.memory_space<hbm>>
        tpu.enqueue_dma source(%dma_start3A_58 : memref<128xi32, #tpu.memory_space<hbm>>) target(%arg11 : memref<128xi32, #tpu.memory_space<vmem>>) target_semaphore(%arg18 : memref<!tpu.dma_semaphore, #tpu.memory_space<semaphore_mem>>)
        %dma_start3A_59 = tpu.memref_slice %arg5[%add3A_56] : memref<320000xi32, #tpu.memory_space<hbm>> -> memref<128xi32, #tpu.memory_space<hbm>>
        %dma_start3A_60 = tpu.memref_slice %arg5[%add3A_56] : memref<320000xi32, #tpu.memory_space<hbm>> -> memref<128xi32, #tpu.memory_space<hbm>>
        tpu.enqueue_dma source(%dma_start3A_60 : memref<128xi32, #tpu.memory_space<hbm>>) target(%arg13 : memref<128xi32, #tpu.memory_space<vmem>>) target_semaphore(%arg20 : memref<!tpu.dma_semaphore, #tpu.memory_space<semaphore_mem>>)
        %mul3A_61 = arith.constant 128 : i32
        %mul3A_62 = arith.muli %mul3A_51, %mul3A_61 : i32
        %add3A_63 = arith.addi %mul3A_9, %mul3A_62 : i32
        %dma_wait3A_64 = tpu.memref_slice %arg4[%add3A_63] : memref<320000xi32, #tpu.memory_space<hbm>> -> memref<128xi32, #tpu.memory_space<hbm>>
        %dma_wait3A_65 = tpu.memref_slice %arg4[%add3A_63] : memref<320000xi32, #tpu.memory_space<hbm>> -> memref<128xi32, #tpu.memory_space<hbm>>
        tpu.wait_dma2 semaphore(%arg17 : memref<!tpu.dma_semaphore, #tpu.memory_space<semaphore_mem>>) src(%dma_wait3A_65 : memref<128xi32, #tpu.memory_space<hbm>>) dst(%arg10 : memref<128xi32, #tpu.memory_space<vmem>>)
        %dma_wait3A_66 = tpu.memref_slice %arg5[%add3A_63] : memref<320000xi32, #tpu.memory_space<hbm>> -> memref<128xi32, #tpu.memory_space<hbm>>
        %dma_wait3A_67 = tpu.memref_slice %arg5[%add3A_63] : memref<320000xi32, #tpu.memory_space<hbm>> -> memref<128xi32, #tpu.memory_space<hbm>>
        tpu.wait_dma2 semaphore(%arg19 : memref<!tpu.dma_semaphore, #tpu.memory_space<semaphore_mem>>) src(%dma_wait3A_67 : memref<128xi32, #tpu.memory_space<hbm>>) dst(%arg12 : memref<128xi32, #tpu.memory_space<vmem>>)
        %dma_start3A_68 = arith.constant 0 : i32
        %dma_start3A_69 = arith.constant 0 : i32
        %dma_start3A_70 = tpu.memref_slice %arg2[%dma_start3A_68, %dma_start3A_69] : memref<10000x128xf32, #tpu.memory_space<hbm>> -> memref<10000x128xf32, #tpu.memory_space<hbm>>
        tpu.enqueue_indirect_dma source(%dma_start3A_70 : memref<10000x128xf32, #tpu.memory_space<hbm>>) target(%arg16 : memref<128x128xf32, #tpu.memory_space<vmem>>) offsets(%arg10 : memref<128xi32, #tpu.memory_space<vmem>>) semaphore(%arg21 : memref<!tpu.dma_semaphore, #tpu.memory_space<semaphore_mem>>)
        %dma_wait3A_71 = arith.constant 0 : i32
        %dma_wait3A_72 = arith.constant 0 : i32
        %dma_wait3A_73 = tpu.memref_slice %arg2[%dma_wait3A_71, %dma_wait3A_72] : memref<10000x128xf32, #tpu.memory_space<hbm>> -> memref<10000x128xf32, #tpu.memory_space<hbm>>
        tpu.wait_indirect_dma semaphore(%arg21 : memref<!tpu.dma_semaphore, #tpu.memory_space<semaphore_mem>>) src(%dma_wait3A_73 : memref<10000x128xf32, #tpu.memory_space<hbm>>) dst(%arg16 : memref<128x128xf32, #tpu.memory_space<vmem>>)
        "tpu.region"() ({
          %run_scoped3A = tpu.sem_alloc : memref<!tpu.dma_semaphore, #tpu.memory_space<semaphore_mem>>
          %dma_start3A_95 = arith.constant 0 : i32
          %dma_start3A_96 = arith.constant 0 : i32
          %dma_start3A_97 = tpu.memref_slice %arg9[%dma_start3A_95, %dma_start3A_96] : memref<10000x128xf32, #tpu.memory_space<vmem_shared>> -> memref<10000x128xf32, #tpu.memory_space<vmem_shared>>
          tpu.enqueue_indirect_dma source(%arg16 : memref<128x128xf32, #tpu.memory_space<vmem>>) target(%dma_start3A_97 : memref<10000x128xf32, #tpu.memory_space<vmem_shared>>) offsets(%arg12 : memref<128xi32, #tpu.memory_space<vmem>>) semaphore(%run_scoped3A : memref<!tpu.dma_semaphore, #tpu.memory_space<semaphore_mem>>) {add = true}
          %dma_wait3A_98 = arith.constant 0 : i32
          %dma_wait3A_99 = arith.constant 0 : i32
          %dma_wait3A_100 = tpu.memref_slice %arg9[%dma_wait3A_98, %dma_wait3A_99] : memref<10000x128xf32, #tpu.memory_space<vmem_shared>> -> memref<10000x128xf32, #tpu.memory_space<vmem_shared>>
          tpu.wait_indirect_dma semaphore(%run_scoped3A : memref<!tpu.dma_semaphore, #tpu.memory_space<semaphore_mem>>) src(%arg16 : memref<128x128xf32, #tpu.memory_space<vmem>>) dst(%dma_wait3A_100 : memref<10000x128xf32, #tpu.memory_space<vmem_shared>>)
          tpu.yield
        }) : () -> ()
        %add3A_74 = arith.constant 2 : i32
        %add3A_75 = arith.addi %mul3A_51, %add3A_74 : i32
        %lt3A = arith.constant 156 : i32
        %lt3A_76 = arith.cmpi slt, %add3A_75, %lt3A : i32
        %convert_element_type3A_77 = arith.extui %lt3A_76 : i1 to i32
        %cond3A_78 = arith.constant 0 : i32
        %cond3A_79 = arith.cmpi ne, %convert_element_type3A_77, %cond3A_78 : i32
        scf.if %cond3A_79 {
          %add3A_95 = arith.constant 2 : i32
          %add3A_96 = arith.addi %mul3A_51, %add3A_95 : i32
          %mul3A_97 = arith.constant 128 : i32
          %mul3A_98 = arith.muli %add3A_96, %mul3A_97 : i32
          %add3A_99 = arith.addi %mul3A_9, %mul3A_98 : i32
          %dma_start3A_100 = tpu.memref_slice %arg4[%add3A_99] : memref<320000xi32, #tpu.memory_space<hbm>> -> memref<128xi32, #tpu.memory_space<hbm>>
          %dma_start3A_101 = tpu.memref_slice %arg4[%add3A_99] : memref<320000xi32, #tpu.memory_space<hbm>> -> memref<128xi32, #tpu.memory_space<hbm>>
          tpu.enqueue_dma source(%dma_start3A_101 : memref<128xi32, #tpu.memory_space<hbm>>) target(%arg10 : memref<128xi32, #tpu.memory_space<vmem>>) target_semaphore(%arg17 : memref<!tpu.dma_semaphore, #tpu.memory_space<semaphore_mem>>)
          %dma_start3A_102 = tpu.memref_slice %arg5[%add3A_99] : memref<320000xi32, #tpu.memory_space<hbm>> -> memref<128xi32, #tpu.memory_space<hbm>>
          %dma_start3A_103 = tpu.memref_slice %arg5[%add3A_99] : memref<320000xi32, #tpu.memory_space<hbm>> -> memref<128xi32, #tpu.memory_space<hbm>>
          tpu.enqueue_dma source(%dma_start3A_103 : memref<128xi32, #tpu.memory_space<hbm>>) target(%arg12 : memref<128xi32, #tpu.memory_space<vmem>>) target_semaphore(%arg19 : memref<!tpu.dma_semaphore, #tpu.memory_space<semaphore_mem>>)
        } else {
        }
        %add3A_80 = arith.constant 1 : i32
        %add3A_81 = arith.addi %mul3A_51, %add3A_80 : i32
        %mul3A_82 = arith.constant 128 : i32
        %mul3A_83 = arith.muli %add3A_81, %mul3A_82 : i32
        %add3A_84 = arith.addi %mul3A_9, %mul3A_83 : i32
        %dma_wait3A_85 = tpu.memref_slice %arg4[%add3A_84] : memref<320000xi32, #tpu.memory_space<hbm>> -> memref<128xi32, #tpu.memory_space<hbm>>
        %dma_wait3A_86 = tpu.memref_slice %arg4[%add3A_84] : memref<320000xi32, #tpu.memory_space<hbm>> -> memref<128xi32, #tpu.memory_space<hbm>>
        tpu.wait_dma2 semaphore(%arg18 : memref<!tpu.dma_semaphore, #tpu.memory_space<semaphore_mem>>) src(%dma_wait3A_86 : memref<128xi32, #tpu.memory_space<hbm>>) dst(%arg11 : memref<128xi32, #tpu.memory_space<vmem>>)
        %dma_wait3A_87 = tpu.memref_slice %arg5[%add3A_84] : memref<320000xi32, #tpu.memory_space<hbm>> -> memref<128xi32, #tpu.memory_space<hbm>>
        %dma_wait3A_88 = tpu.memref_slice %arg5[%add3A_84] : memref<320000xi32, #tpu.memory_space<hbm>> -> memref<128xi32, #tpu.memory_space<hbm>>
        tpu.wait_dma2 semaphore(%arg20 : memref<!tpu.dma_semaphore, #tpu.memory_space<semaphore_mem>>) src(%dma_wait3A_88 : memref<128xi32, #tpu.memory_space<hbm>>) dst(%arg13 : memref<128xi32, #tpu.memory_space<vmem>>)
        %dma_start3A_89 = arith.constant 0 : i32
        %dma_start3A_90 = arith.constant 0 : i32
        %dma_start3A_91 = tpu.memref_slice %arg2[%dma_start3A_89, %dma_start3A_90] : memref<10000x128xf32, #tpu.memory_space<hbm>> -> memref<10000x128xf32, #tpu.memory_space<hbm>>
        tpu.enqueue_indirect_dma source(%dma_start3A_91 : memref<10000x128xf32, #tpu.memory_space<hbm>>) target(%arg16 : memref<128x128xf32, #tpu.memory_space<vmem>>) offsets(%arg11 : memref<128xi32, #tpu.memory_space<vmem>>) semaphore(%arg21 : memref<!tpu.dma_semaphore, #tpu.memory_space<semaphore_mem>>)
        %dma_wait3A_92 = arith.constant 0 : i32
        %dma_wait3A_93 = arith.constant 0 : i32
        %dma_wait3A_94 = tpu.memref_slice %arg2[%dma_wait3A_92, %dma_wait3A_93] : memref<10000x128xf32, #tpu.memory_space<hbm>> -> memref<10000x128xf32, #tpu.memory_space<hbm>>
        tpu.wait_indirect_dma semaphore(%arg21 : memref<!tpu.dma_semaphore, #tpu.memory_space<semaphore_mem>>) src(%dma_wait3A_94 : memref<10000x128xf32, #tpu.memory_space<hbm>>) dst(%arg16 : memref<128x128xf32, #tpu.memory_space<vmem>>)
        "tpu.region"() ({
          %run_scoped3A = tpu.sem_alloc : memref<!tpu.dma_semaphore, #tpu.memory_space<semaphore_mem>>
          %dma_start3A_95 = arith.constant 0 : i32
          %dma_start3A_96 = arith.constant 0 : i32
          %dma_start3A_97 = tpu.memref_slice %arg9[%dma_start3A_95, %dma_start3A_96] : memref<10000x128xf32, #tpu.memory_space<vmem_shared>> -> memref<10000x128xf32, #tpu.memory_space<vmem_shared>>
          tpu.enqueue_indirect_dma source(%arg16 : memref<128x128xf32, #tpu.memory_space<vmem>>) target(%dma_start3A_97 : memref<10000x128xf32, #tpu.memory_space<vmem_shared>>) offsets(%arg13 : memref<128xi32, #tpu.memory_space<vmem>>) semaphore(%run_scoped3A : memref<!tpu.dma_semaphore, #tpu.memory_space<semaphore_mem>>) {add = true}
          %dma_wait3A_98 = arith.constant 0 : i32
          %dma_wait3A_99 = arith.constant 0 : i32
          %dma_wait3A_100 = tpu.memref_slice %arg9[%dma_wait3A_98, %dma_wait3A_99] : memref<10000x128xf32, #tpu.memory_space<vmem_shared>> -> memref<10000x128xf32, #tpu.memory_space<vmem_shared>>
          tpu.wait_indirect_dma semaphore(%run_scoped3A : memref<!tpu.dma_semaphore, #tpu.memory_space<semaphore_mem>>) src(%arg16 : memref<128x128xf32, #tpu.memory_space<vmem>>) dst(%dma_wait3A_100 : memref<10000x128xf32, #tpu.memory_space<vmem_shared>>)
          tpu.yield
        }) : () -> ()
      }
      %scan3A_31 = arith.constant 78 : i32
      %add3A_32 = arith.constant 19968 : i32
      %add3A_33 = arith.addi %mul3A_9, %add3A_32 : i32
      "tpu.region"() ({
        %run_scoped3A = tpu.sem_alloc : memref<!tpu.dma_semaphore, #tpu.memory_space<semaphore_mem>>
        %dma_start3A_45 = tpu.memref_slice %arg4[%add3A_33] : memref<320000xi32, #tpu.memory_space<hbm>> -> memref<32xi32, #tpu.memory_space<hbm>>
        %dma_start3A_46 = tpu.memref_slice %arg4[%add3A_33] : memref<320000xi32, #tpu.memory_space<hbm>> -> memref<32xi32, #tpu.memory_space<hbm>>
        tpu.enqueue_dma source(%dma_start3A_46 : memref<32xi32, #tpu.memory_space<hbm>>) target(%arg14 : memref<32xi32, #tpu.memory_space<vmem>>) target_semaphore(%run_scoped3A : memref<!tpu.dma_semaphore, #tpu.memory_space<semaphore_mem>>)
        %dma_wait3A_47 = tpu.memref_slice %arg4[%add3A_33] : memref<320000xi32, #tpu.memory_space<hbm>> -> memref<32xi32, #tpu.memory_space<hbm>>
        %dma_wait3A_48 = tpu.memref_slice %arg4[%add3A_33] : memref<320000xi32, #tpu.memory_space<hbm>> -> memref<32xi32, #tpu.memory_space<hbm>>
        tpu.wait_dma2 semaphore(%run_scoped3A : memref<!tpu.dma_semaphore, #tpu.memory_space<semaphore_mem>>) src(%dma_wait3A_48 : memref<32xi32, #tpu.memory_space<hbm>>) dst(%arg14 : memref<32xi32, #tpu.memory_space<vmem>>)
        tpu.yield
      }) : () -> ()
      "tpu.region"() ({
        %run_scoped3A = tpu.sem_alloc : memref<!tpu.dma_semaphore, #tpu.memory_space<semaphore_mem>>
        %dma_start3A_45 = tpu.memref_slice %arg5[%add3A_33] : memref<320000xi32, #tpu.memory_space<hbm>> -> memref<32xi32, #tpu.memory_space<hbm>>
        %dma_start3A_46 = tpu.memref_slice %arg5[%add3A_33] : memref<320000xi32, #tpu.memory_space<hbm>> -> memref<32xi32, #tpu.memory_space<hbm>>
        tpu.enqueue_dma source(%dma_start3A_46 : memref<32xi32, #tpu.memory_space<hbm>>) target(%arg15 : memref<32xi32, #tpu.memory_space<vmem>>) target_semaphore(%run_scoped3A : memref<!tpu.dma_semaphore, #tpu.memory_space<semaphore_mem>>)
        %dma_wait3A_47 = tpu.memref_slice %arg5[%add3A_33] : memref<320000xi32, #tpu.memory_space<hbm>> -> memref<32xi32, #tpu.memory_space<hbm>>
        %dma_wait3A_48 = tpu.memref_slice %arg5[%add3A_33] : memref<320000xi32, #tpu.memory_space<hbm>> -> memref<32xi32, #tpu.memory_space<hbm>>
        tpu.wait_dma2 semaphore(%run_scoped3A : memref<!tpu.dma_semaphore, #tpu.memory_space<semaphore_mem>>) src(%dma_wait3A_48 : memref<32xi32, #tpu.memory_space<hbm>>) dst(%arg15 : memref<32xi32, #tpu.memory_space<vmem>>)
        tpu.yield
      }) : () -> ()
      %dma_start3A_34 = arith.constant 0 : i32
      %dma_start3A_35 = arith.constant 0 : i32
      %dma_start3A_36 = tpu.memref_slice %arg16[%dma_start3A_34, %dma_start3A_35] : memref<128x128xf32, #tpu.memory_space<vmem>> -> memref<32x128xf32, #tpu.memory_space<vmem>>
      %dma_start3A_37 = arith.constant 0 : i32
      %dma_start3A_38 = arith.constant 0 : i32
      %dma_start3A_39 = tpu.memref_slice %arg2[%dma_start3A_37, %dma_start3A_38] : memref<10000x128xf32, #tpu.memory_space<hbm>> -> memref<10000x128xf32, #tpu.memory_space<hbm>>
      tpu.enqueue_indirect_dma source(%dma_start3A_39 : memref<10000x128xf32, #tpu.memory_space<hbm>>) target(%dma_start3A_36 : memref<32x128xf32, #tpu.memory_space<vmem>>) offsets(%arg14 : memref<32xi32, #tpu.memory_space<vmem>>) semaphore(%arg21 : memref<!tpu.dma_semaphore, #tpu.memory_space<semaphore_mem>>)
      %dma_wait3A = arith.constant 0 : i32
      %dma_wait3A_40 = arith.constant 0 : i32
      %dma_wait3A_41 = tpu.memref_slice %arg16[%dma_wait3A, %dma_wait3A_40] : memref<128x128xf32, #tpu.memory_space<vmem>> -> memref<32x128xf32, #tpu.memory_space<vmem>>
      %dma_wait3A_42 = arith.constant 0 : i32
      %dma_wait3A_43 = arith.constant 0 : i32
      %dma_wait3A_44 = tpu.memref_slice %arg2[%dma_wait3A_42, %dma_wait3A_43] : memref<10000x128xf32, #tpu.memory_space<hbm>> -> memref<10000x128xf32, #tpu.memory_space<hbm>>
      tpu.wait_indirect_dma semaphore(%arg21 : memref<!tpu.dma_semaphore, #tpu.memory_space<semaphore_mem>>) src(%dma_wait3A_44 : memref<10000x128xf32, #tpu.memory_space<hbm>>) dst(%dma_wait3A_41 : memref<32x128xf32, #tpu.memory_space<vmem>>)
      "tpu.region"() ({
        %run_scoped3A = tpu.sem_alloc : memref<!tpu.dma_semaphore, #tpu.memory_space<semaphore_mem>>
        %dma_start3A_45 = arith.constant 0 : i32
        %dma_start3A_46 = arith.constant 0 : i32
        %dma_start3A_47 = tpu.memref_slice %arg16[%dma_start3A_45, %dma_start3A_46] : memref<128x128xf32, #tpu.memory_space<vmem>> -> memref<32x128xf32, #tpu.memory_space<vmem>>
        %dma_start3A_48 = arith.constant 0 : i32
        %dma_start3A_49 = arith.constant 0 : i32
        %dma_start3A_50 = tpu.memref_slice %arg9[%dma_start3A_48, %dma_start3A_49] : memref<10000x128xf32, #tpu.memory_space<vmem_shared>> -> memref<10000x128xf32, #tpu.memory_space<vmem_shared>>
        tpu.enqueue_indirect_dma source(%dma_start3A_47 : memref<32x128xf32, #tpu.memory_space<vmem>>) target(%dma_start3A_50 : memref<10000x128xf32, #tpu.memory_space<vmem_shared>>) offsets(%arg15 : memref<32xi32, #tpu.memory_space<vmem>>) semaphore(%run_scoped3A : memref<!tpu.dma_semaphore, #tpu.memory_space<semaphore_mem>>) {add = true}
        %dma_wait3A_51 = arith.constant 0 : i32
        %dma_wait3A_52 = arith.constant 0 : i32
        %dma_wait3A_53 = tpu.memref_slice %arg16[%dma_wait3A_51, %dma_wait3A_52] : memref<128x128xf32, #tpu.memory_space<vmem>> -> memref<32x128xf32, #tpu.memory_space<vmem>>
        %dma_wait3A_54 = arith.constant 0 : i32
        %dma_wait3A_55 = arith.constant 0 : i32
        %dma_wait3A_56 = tpu.memref_slice %arg9[%dma_wait3A_54, %dma_wait3A_55] : memref<10000x128xf32, #tpu.memory_space<vmem_shared>> -> memref<10000x128xf32, #tpu.memory_space<vmem_shared>>
        tpu.wait_indirect_dma semaphore(%run_scoped3A : memref<!tpu.dma_semaphore, #tpu.memory_space<semaphore_mem>>) src(%dma_wait3A_53 : memref<32x128xf32, #tpu.memory_space<vmem>>) dst(%dma_wait3A_56 : memref<10000x128xf32, #tpu.memory_space<vmem_shared>>)
        tpu.yield
      }) : () -> ()
    } else {
    }
    %eq3A_12 = arith.constant 1 : i32
    %eq3A_13 = arith.cmpi eq, %arg0, %eq3A_12 : i32
    %convert_element_type3A_14 = arith.extui %eq3A_13 : i1 to i32
    %cond3A_15 = arith.constant 0 : i32
    %cond3A_16 = arith.cmpi ne, %convert_element_type3A_14, %cond3A_15 : i32
    scf.if %cond3A_16 {
      %add3A = arith.constant 0 : i32
      %add3A_23 = arith.addi %mul3A_9, %add3A : i32
      %dma_start3A = tpu.memref_slice %arg6[%add3A_23] : memref<320000xi32, #tpu.memory_space<hbm>> -> memref<128xi32, #tpu.memory_space<hbm>>
      %dma_start3A_24 = tpu.memref_slice %arg6[%add3A_23] : memref<320000xi32, #tpu.memory_space<hbm>> -> memref<128xi32, #tpu.memory_space<hbm>>
      tpu.enqueue_dma source(%dma_start3A_24 : memref<128xi32, #tpu.memory_space<hbm>>) target(%arg10 : memref<128xi32, #tpu.memory_space<vmem>>) target_semaphore(%arg17 : memref<!tpu.dma_semaphore, #tpu.memory_space<semaphore_mem>>)
      %dma_start3A_25 = tpu.memref_slice %arg5[%add3A_23] : memref<320000xi32, #tpu.memory_space<hbm>> -> memref<128xi32, #tpu.memory_space<hbm>>
      %dma_start3A_26 = tpu.memref_slice %arg5[%add3A_23] : memref<320000xi32, #tpu.memory_space<hbm>> -> memref<128xi32, #tpu.memory_space<hbm>>
      tpu.enqueue_dma source(%dma_start3A_26 : memref<128xi32, #tpu.memory_space<hbm>>) target(%arg12 : memref<128xi32, #tpu.memory_space<vmem>>) target_semaphore(%arg19 : memref<!tpu.dma_semaphore, #tpu.memory_space<semaphore_mem>>)
      %scan3A_27 = arith.constant 0 : i32
      %scan3A_28 = arith.constant 78 : i32
      %scan3A_29 = arith.addi %scan3A_27, %scan3A_28 : i32
      %scan3A_30 = arith.constant 1 : i32
      scf.for %scan3A_45 = %scan3A_27 to %scan3A_29 step %scan3A_30  : i32 {
        %mul3A_46 = arith.constant 1 : i32
        %mul3A_47 = arith.muli %scan3A_45, %mul3A_46 : i32
        %add3A_48 = arith.constant 0 : i32
        %add3A_49 = arith.addi %add3A_48, %mul3A_47 : i32
        %mul3A_50 = arith.constant 2 : i32
        %mul3A_51 = arith.muli %mul3A_50, %add3A_49 : i32
        %add3A_52 = arith.constant 1 : i32
        %add3A_53 = arith.addi %mul3A_51, %add3A_52 : i32
        %mul3A_54 = arith.constant 128 : i32
        %mul3A_55 = arith.muli %add3A_53, %mul3A_54 : i32
        %add3A_56 = arith.addi %mul3A_9, %mul3A_55 : i32
        %dma_start3A_57 = tpu.memref_slice %arg6[%add3A_56] : memref<320000xi32, #tpu.memory_space<hbm>> -> memref<128xi32, #tpu.memory_space<hbm>>
        %dma_start3A_58 = tpu.memref_slice %arg6[%add3A_56] : memref<320000xi32, #tpu.memory_space<hbm>> -> memref<128xi32, #tpu.memory_space<hbm>>
        tpu.enqueue_dma source(%dma_start3A_58 : memref<128xi32, #tpu.memory_space<hbm>>) target(%arg11 : memref<128xi32, #tpu.memory_space<vmem>>) target_semaphore(%arg18 : memref<!tpu.dma_semaphore, #tpu.memory_space<semaphore_mem>>)
        %dma_start3A_59 = tpu.memref_slice %arg5[%add3A_56] : memref<320000xi32, #tpu.memory_space<hbm>> -> memref<128xi32, #tpu.memory_space<hbm>>
        %dma_start3A_60 = tpu.memref_slice %arg5[%add3A_56] : memref<320000xi32, #tpu.memory_space<hbm>> -> memref<128xi32, #tpu.memory_space<hbm>>
        tpu.enqueue_dma source(%dma_start3A_60 : memref<128xi32, #tpu.memory_space<hbm>>) target(%arg13 : memref<128xi32, #tpu.memory_space<vmem>>) target_semaphore(%arg20 : memref<!tpu.dma_semaphore, #tpu.memory_space<semaphore_mem>>)
        %mul3A_61 = arith.constant 128 : i32
        %mul3A_62 = arith.muli %mul3A_51, %mul3A_61 : i32
        %add3A_63 = arith.addi %mul3A_9, %mul3A_62 : i32
        %dma_wait3A_64 = tpu.memref_slice %arg6[%add3A_63] : memref<320000xi32, #tpu.memory_space<hbm>> -> memref<128xi32, #tpu.memory_space<hbm>>
        %dma_wait3A_65 = tpu.memref_slice %arg6[%add3A_63] : memref<320000xi32, #tpu.memory_space<hbm>> -> memref<128xi32, #tpu.memory_space<hbm>>
        tpu.wait_dma2 semaphore(%arg17 : memref<!tpu.dma_semaphore, #tpu.memory_space<semaphore_mem>>) src(%dma_wait3A_65 : memref<128xi32, #tpu.memory_space<hbm>>) dst(%arg10 : memref<128xi32, #tpu.memory_space<vmem>>)
        %dma_wait3A_66 = tpu.memref_slice %arg5[%add3A_63] : memref<320000xi32, #tpu.memory_space<hbm>> -> memref<128xi32, #tpu.memory_space<hbm>>
        %dma_wait3A_67 = tpu.memref_slice %arg5[%add3A_63] : memref<320000xi32, #tpu.memory_space<hbm>> -> memref<128xi32, #tpu.memory_space<hbm>>
        tpu.wait_dma2 semaphore(%arg19 : memref<!tpu.dma_semaphore, #tpu.memory_space<semaphore_mem>>) src(%dma_wait3A_67 : memref<128xi32, #tpu.memory_space<hbm>>) dst(%arg12 : memref<128xi32, #tpu.memory_space<vmem>>)
        %dma_start3A_68 = arith.constant 0 : i32
        %dma_start3A_69 = arith.constant 0 : i32
        %dma_start3A_70 = tpu.memref_slice %arg3[%dma_start3A_68, %dma_start3A_69] : memref<200x128xf32, #tpu.memory_space<hbm>> -> memref<200x128xf32, #tpu.memory_space<hbm>>
        tpu.enqueue_indirect_dma source(%dma_start3A_70 : memref<200x128xf32, #tpu.memory_space<hbm>>) target(%arg16 : memref<128x128xf32, #tpu.memory_space<vmem>>) offsets(%arg10 : memref<128xi32, #tpu.memory_space<vmem>>) semaphore(%arg21 : memref<!tpu.dma_semaphore, #tpu.memory_space<semaphore_mem>>)
        %dma_wait3A_71 = arith.constant 0 : i32
        %dma_wait3A_72 = arith.constant 0 : i32
        %dma_wait3A_73 = tpu.memref_slice %arg3[%dma_wait3A_71, %dma_wait3A_72] : memref<200x128xf32, #tpu.memory_space<hbm>> -> memref<200x128xf32, #tpu.memory_space<hbm>>
        tpu.wait_indirect_dma semaphore(%arg21 : memref<!tpu.dma_semaphore, #tpu.memory_space<semaphore_mem>>) src(%dma_wait3A_73 : memref<200x128xf32, #tpu.memory_space<hbm>>) dst(%arg16 : memref<128x128xf32, #tpu.memory_space<vmem>>)
        "tpu.region"() ({
          %run_scoped3A = tpu.sem_alloc : memref<!tpu.dma_semaphore, #tpu.memory_space<semaphore_mem>>
          %dma_start3A_95 = arith.constant 0 : i32
          %dma_start3A_96 = arith.constant 0 : i32
          %dma_start3A_97 = tpu.memref_slice %arg9[%dma_start3A_95, %dma_start3A_96] : memref<10000x128xf32, #tpu.memory_space<vmem_shared>> -> memref<10000x128xf32, #tpu.memory_space<vmem_shared>>
          tpu.enqueue_indirect_dma source(%arg16 : memref<128x128xf32, #tpu.memory_space<vmem>>) target(%dma_start3A_97 : memref<10000x128xf32, #tpu.memory_space<vmem_shared>>) offsets(%arg12 : memref<128xi32, #tpu.memory_space<vmem>>) semaphore(%run_scoped3A : memref<!tpu.dma_semaphore, #tpu.memory_space<semaphore_mem>>) {add = true}
          %dma_wait3A_98 = arith.constant 0 : i32
          %dma_wait3A_99 = arith.constant 0 : i32
          %dma_wait3A_100 = tpu.memref_slice %arg9[%dma_wait3A_98, %dma_wait3A_99] : memref<10000x128xf32, #tpu.memory_space<vmem_shared>> -> memref<10000x128xf32, #tpu.memory_space<vmem_shared>>
          tpu.wait_indirect_dma semaphore(%run_scoped3A : memref<!tpu.dma_semaphore, #tpu.memory_space<semaphore_mem>>) src(%arg16 : memref<128x128xf32, #tpu.memory_space<vmem>>) dst(%dma_wait3A_100 : memref<10000x128xf32, #tpu.memory_space<vmem_shared>>)
          tpu.yield
        }) : () -> ()
        %add3A_74 = arith.constant 2 : i32
        %add3A_75 = arith.addi %mul3A_51, %add3A_74 : i32
        %lt3A = arith.constant 156 : i32
        %lt3A_76 = arith.cmpi slt, %add3A_75, %lt3A : i32
        %convert_element_type3A_77 = arith.extui %lt3A_76 : i1 to i32
        %cond3A_78 = arith.constant 0 : i32
        %cond3A_79 = arith.cmpi ne, %convert_element_type3A_77, %cond3A_78 : i32
        scf.if %cond3A_79 {
          %add3A_95 = arith.constant 2 : i32
          %add3A_96 = arith.addi %mul3A_51, %add3A_95 : i32
          %mul3A_97 = arith.constant 128 : i32
          %mul3A_98 = arith.muli %add3A_96, %mul3A_97 : i32
          %add3A_99 = arith.addi %mul3A_9, %mul3A_98 : i32
          %dma_start3A_100 = tpu.memref_slice %arg6[%add3A_99] : memref<320000xi32, #tpu.memory_space<hbm>> -> memref<128xi32, #tpu.memory_space<hbm>>
          %dma_start3A_101 = tpu.memref_slice %arg6[%add3A_99] : memref<320000xi32, #tpu.memory_space<hbm>> -> memref<128xi32, #tpu.memory_space<hbm>>
          tpu.enqueue_dma source(%dma_start3A_101 : memref<128xi32, #tpu.memory_space<hbm>>) target(%arg10 : memref<128xi32, #tpu.memory_space<vmem>>) target_semaphore(%arg17 : memref<!tpu.dma_semaphore, #tpu.memory_space<semaphore_mem>>)
          %dma_start3A_102 = tpu.memref_slice %arg5[%add3A_99] : memref<320000xi32, #tpu.memory_space<hbm>> -> memref<128xi32, #tpu.memory_space<hbm>>
          %dma_start3A_103 = tpu.memref_slice %arg5[%add3A_99] : memref<320000xi32, #tpu.memory_space<hbm>> -> memref<128xi32, #tpu.memory_space<hbm>>
          tpu.enqueue_dma source(%dma_start3A_103 : memref<128xi32, #tpu.memory_space<hbm>>) target(%arg12 : memref<128xi32, #tpu.memory_space<vmem>>) target_semaphore(%arg19 : memref<!tpu.dma_semaphore, #tpu.memory_space<semaphore_mem>>)
        } else {
        }
        %add3A_80 = arith.constant 1 : i32
        %add3A_81 = arith.addi %mul3A_51, %add3A_80 : i32
        %mul3A_82 = arith.constant 128 : i32
        %mul3A_83 = arith.muli %add3A_81, %mul3A_82 : i32
        %add3A_84 = arith.addi %mul3A_9, %mul3A_83 : i32
        %dma_wait3A_85 = tpu.memref_slice %arg6[%add3A_84] : memref<320000xi32, #tpu.memory_space<hbm>> -> memref<128xi32, #tpu.memory_space<hbm>>
        %dma_wait3A_86 = tpu.memref_slice %arg6[%add3A_84] : memref<320000xi32, #tpu.memory_space<hbm>> -> memref<128xi32, #tpu.memory_space<hbm>>
        tpu.wait_dma2 semaphore(%arg18 : memref<!tpu.dma_semaphore, #tpu.memory_space<semaphore_mem>>) src(%dma_wait3A_86 : memref<128xi32, #tpu.memory_space<hbm>>) dst(%arg11 : memref<128xi32, #tpu.memory_space<vmem>>)
        %dma_wait3A_87 = tpu.memref_slice %arg5[%add3A_84] : memref<320000xi32, #tpu.memory_space<hbm>> -> memref<128xi32, #tpu.memory_space<hbm>>
        %dma_wait3A_88 = tpu.memref_slice %arg5[%add3A_84] : memref<320000xi32, #tpu.memory_space<hbm>> -> memref<128xi32, #tpu.memory_space<hbm>>
        tpu.wait_dma2 semaphore(%arg20 : memref<!tpu.dma_semaphore, #tpu.memory_space<semaphore_mem>>) src(%dma_wait3A_88 : memref<128xi32, #tpu.memory_space<hbm>>) dst(%arg13 : memref<128xi32, #tpu.memory_space<vmem>>)
        %dma_start3A_89 = arith.constant 0 : i32
        %dma_start3A_90 = arith.constant 0 : i32
        %dma_start3A_91 = tpu.memref_slice %arg3[%dma_start3A_89, %dma_start3A_90] : memref<200x128xf32, #tpu.memory_space<hbm>> -> memref<200x128xf32, #tpu.memory_space<hbm>>
        tpu.enqueue_indirect_dma source(%dma_start3A_91 : memref<200x128xf32, #tpu.memory_space<hbm>>) target(%arg16 : memref<128x128xf32, #tpu.memory_space<vmem>>) offsets(%arg11 : memref<128xi32, #tpu.memory_space<vmem>>) semaphore(%arg21 : memref<!tpu.dma_semaphore, #tpu.memory_space<semaphore_mem>>)
        %dma_wait3A_92 = arith.constant 0 : i32
        %dma_wait3A_93 = arith.constant 0 : i32
        %dma_wait3A_94 = tpu.memref_slice %arg3[%dma_wait3A_92, %dma_wait3A_93] : memref<200x128xf32, #tpu.memory_space<hbm>> -> memref<200x128xf32, #tpu.memory_space<hbm>>
        tpu.wait_indirect_dma semaphore(%arg21 : memref<!tpu.dma_semaphore, #tpu.memory_space<semaphore_mem>>) src(%dma_wait3A_94 : memref<200x128xf32, #tpu.memory_space<hbm>>) dst(%arg16 : memref<128x128xf32, #tpu.memory_space<vmem>>)
        "tpu.region"() ({
          %run_scoped3A = tpu.sem_alloc : memref<!tpu.dma_semaphore, #tpu.memory_space<semaphore_mem>>
          %dma_start3A_95 = arith.constant 0 : i32
          %dma_start3A_96 = arith.constant 0 : i32
          %dma_start3A_97 = tpu.memref_slice %arg9[%dma_start3A_95, %dma_start3A_96] : memref<10000x128xf32, #tpu.memory_space<vmem_shared>> -> memref<10000x128xf32, #tpu.memory_space<vmem_shared>>
          tpu.enqueue_indirect_dma source(%arg16 : memref<128x128xf32, #tpu.memory_space<vmem>>) target(%dma_start3A_97 : memref<10000x128xf32, #tpu.memory_space<vmem_shared>>) offsets(%arg13 : memref<128xi32, #tpu.memory_space<vmem>>) semaphore(%run_scoped3A : memref<!tpu.dma_semaphore, #tpu.memory_space<semaphore_mem>>) {add = true}
          %dma_wait3A_98 = arith.constant 0 : i32
          %dma_wait3A_99 = arith.constant 0 : i32
          %dma_wait3A_100 = tpu.memref_slice %arg9[%dma_wait3A_98, %dma_wait3A_99] : memref<10000x128xf32, #tpu.memory_space<vmem_shared>> -> memref<10000x128xf32, #tpu.memory_space<vmem_shared>>
          tpu.wait_indirect_dma semaphore(%run_scoped3A : memref<!tpu.dma_semaphore, #tpu.memory_space<semaphore_mem>>) src(%arg16 : memref<128x128xf32, #tpu.memory_space<vmem>>) dst(%dma_wait3A_100 : memref<10000x128xf32, #tpu.memory_space<vmem_shared>>)
          tpu.yield
        }) : () -> ()
      }
      %scan3A_31 = arith.constant 78 : i32
      %add3A_32 = arith.constant 19968 : i32
      %add3A_33 = arith.addi %mul3A_9, %add3A_32 : i32
      "tpu.region"() ({
        %run_scoped3A = tpu.sem_alloc : memref<!tpu.dma_semaphore, #tpu.memory_space<semaphore_mem>>
        %dma_start3A_45 = tpu.memref_slice %arg6[%add3A_33] : memref<320000xi32, #tpu.memory_space<hbm>> -> memref<32xi32, #tpu.memory_space<hbm>>
        %dma_start3A_46 = tpu.memref_slice %arg6[%add3A_33] : memref<320000xi32, #tpu.memory_space<hbm>> -> memref<32xi32, #tpu.memory_space<hbm>>
        tpu.enqueue_dma source(%dma_start3A_46 : memref<32xi32, #tpu.memory_space<hbm>>) target(%arg14 : memref<32xi32, #tpu.memory_space<vmem>>) target_semaphore(%run_scoped3A : memref<!tpu.dma_semaphore, #tpu.memory_space<semaphore_mem>>)
        %dma_wait3A_47 = tpu.memref_slice %arg6[%add3A_33] : memref<320000xi32, #tpu.memory_space<hbm>> -> memref<32xi32, #tpu.memory_space<hbm>>
        %dma_wait3A_48 = tpu.memref_slice %arg6[%add3A_33] : memref<320000xi32, #tpu.memory_space<hbm>> -> memref<32xi32, #tpu.memory_space<hbm>>
        tpu.wait_dma2 semaphore(%run_scoped3A : memref<!tpu.dma_semaphore, #tpu.memory_space<semaphore_mem>>) src(%dma_wait3A_48 : memref<32xi32, #tpu.memory_space<hbm>>) dst(%arg14 : memref<32xi32, #tpu.memory_space<vmem>>)
        tpu.yield
      }) : () -> ()
      "tpu.region"() ({
        %run_scoped3A = tpu.sem_alloc : memref<!tpu.dma_semaphore, #tpu.memory_space<semaphore_mem>>
        %dma_start3A_45 = tpu.memref_slice %arg5[%add3A_33] : memref<320000xi32, #tpu.memory_space<hbm>> -> memref<32xi32, #tpu.memory_space<hbm>>
        %dma_start3A_46 = tpu.memref_slice %arg5[%add3A_33] : memref<320000xi32, #tpu.memory_space<hbm>> -> memref<32xi32, #tpu.memory_space<hbm>>
        tpu.enqueue_dma source(%dma_start3A_46 : memref<32xi32, #tpu.memory_space<hbm>>) target(%arg15 : memref<32xi32, #tpu.memory_space<vmem>>) target_semaphore(%run_scoped3A : memref<!tpu.dma_semaphore, #tpu.memory_space<semaphore_mem>>)
        %dma_wait3A_47 = tpu.memref_slice %arg5[%add3A_33] : memref<320000xi32, #tpu.memory_space<hbm>> -> memref<32xi32, #tpu.memory_space<hbm>>
        %dma_wait3A_48 = tpu.memref_slice %arg5[%add3A_33] : memref<320000xi32, #tpu.memory_space<hbm>> -> memref<32xi32, #tpu.memory_space<hbm>>
        tpu.wait_dma2 semaphore(%run_scoped3A : memref<!tpu.dma_semaphore, #tpu.memory_space<semaphore_mem>>) src(%dma_wait3A_48 : memref<32xi32, #tpu.memory_space<hbm>>) dst(%arg15 : memref<32xi32, #tpu.memory_space<vmem>>)
        tpu.yield
      }) : () -> ()
      %dma_start3A_34 = arith.constant 0 : i32
      %dma_start3A_35 = arith.constant 0 : i32
      %dma_start3A_36 = tpu.memref_slice %arg16[%dma_start3A_34, %dma_start3A_35] : memref<128x128xf32, #tpu.memory_space<vmem>> -> memref<32x128xf32, #tpu.memory_space<vmem>>
      %dma_start3A_37 = arith.constant 0 : i32
      %dma_start3A_38 = arith.constant 0 : i32
      %dma_start3A_39 = tpu.memref_slice %arg3[%dma_start3A_37, %dma_start3A_38] : memref<200x128xf32, #tpu.memory_space<hbm>> -> memref<200x128xf32, #tpu.memory_space<hbm>>
      tpu.enqueue_indirect_dma source(%dma_start3A_39 : memref<200x128xf32, #tpu.memory_space<hbm>>) target(%dma_start3A_36 : memref<32x128xf32, #tpu.memory_space<vmem>>) offsets(%arg14 : memref<32xi32, #tpu.memory_space<vmem>>) semaphore(%arg21 : memref<!tpu.dma_semaphore, #tpu.memory_space<semaphore_mem>>)
      %dma_wait3A = arith.constant 0 : i32
      %dma_wait3A_40 = arith.constant 0 : i32
      %dma_wait3A_41 = tpu.memref_slice %arg16[%dma_wait3A, %dma_wait3A_40] : memref<128x128xf32, #tpu.memory_space<vmem>> -> memref<32x128xf32, #tpu.memory_space<vmem>>
      %dma_wait3A_42 = arith.constant 0 : i32
      %dma_wait3A_43 = arith.constant 0 : i32
      %dma_wait3A_44 = tpu.memref_slice %arg3[%dma_wait3A_42, %dma_wait3A_43] : memref<200x128xf32, #tpu.memory_space<hbm>> -> memref<200x128xf32, #tpu.memory_space<hbm>>
      tpu.wait_indirect_dma semaphore(%arg21 : memref<!tpu.dma_semaphore, #tpu.memory_space<semaphore_mem>>) src(%dma_wait3A_44 : memref<200x128xf32, #tpu.memory_space<hbm>>) dst(%dma_wait3A_41 : memref<32x128xf32, #tpu.memory_space<vmem>>)
      "tpu.region"() ({
        %run_scoped3A = tpu.sem_alloc : memref<!tpu.dma_semaphore, #tpu.memory_space<semaphore_mem>>
        %dma_start3A_45 = arith.constant 0 : i32
        %dma_start3A_46 = arith.constant 0 : i32
        %dma_start3A_47 = tpu.memref_slice %arg16[%dma_start3A_45, %dma_start3A_46] : memref<128x128xf32, #tpu.memory_space<vmem>> -> memref<32x128xf32, #tpu.memory_space<vmem>>
        %dma_start3A_48 = arith.constant 0 : i32
        %dma_start3A_49 = arith.constant 0 : i32
        %dma_start3A_50 = tpu.memref_slice %arg9[%dma_start3A_48, %dma_start3A_49] : memref<10000x128xf32, #tpu.memory_space<vmem_shared>> -> memref<10000x128xf32, #tpu.memory_space<vmem_shared>>
        tpu.enqueue_indirect_dma source(%dma_start3A_47 : memref<32x128xf32, #tpu.memory_space<vmem>>) target(%dma_start3A_50 : memref<10000x128xf32, #tpu.memory_space<vmem_shared>>) offsets(%arg15 : memref<32xi32, #tpu.memory_space<vmem>>) semaphore(%run_scoped3A : memref<!tpu.dma_semaphore, #tpu.memory_space<semaphore_mem>>) {add = true}
        %dma_wait3A_51 = arith.constant 0 : i32
        %dma_wait3A_52 = arith.constant 0 : i32
        %dma_wait3A_53 = tpu.memref_slice %arg16[%dma_wait3A_51, %dma_wait3A_52] : memref<128x128xf32, #tpu.memory_space<vmem>> -> memref<32x128xf32, #tpu.memory_space<vmem>>
        %dma_wait3A_54 = arith.constant 0 : i32
        %dma_wait3A_55 = arith.constant 0 : i32
        %dma_wait3A_56 = tpu.memref_slice %arg9[%dma_wait3A_54, %dma_wait3A_55] : memref<10000x128xf32, #tpu.memory_space<vmem_shared>> -> memref<10000x128xf32, #tpu.memory_space<vmem_shared>>
        tpu.wait_indirect_dma semaphore(%run_scoped3A : memref<!tpu.dma_semaphore, #tpu.memory_space<semaphore_mem>>) src(%dma_wait3A_53 : memref<32x128xf32, #tpu.memory_space<vmem>>) dst(%dma_wait3A_56 : memref<10000x128xf32, #tpu.memory_space<vmem_shared>>)
        tpu.yield
      }) : () -> ()
    } else {
    }
    %barrier3A_17 = arith.constant 0 : index
    tpu.barrier barrier_id(%barrier3A_17)
    %scan3A_18 = arith.constant 0 : i32
    %scan3A_19 = arith.constant 8 : i32
    %scan3A_20 = arith.addi %scan3A_18, %scan3A_19 : i32
    %scan3A_21 = arith.constant 1 : i32
    scf.for %scan3A_23 = %scan3A_18 to %scan3A_20 step %scan3A_21  : i32 {
      %mul3A_24 = arith.constant 1 : i32
      %mul3A_25 = arith.muli %scan3A_23, %mul3A_24 : i32
      %add3A = arith.constant 0 : i32
      %add3A_26 = arith.addi %add3A, %mul3A_25 : i32
      %mul3A_27 = arith.constant 16 : i32
      %mul3A_28 = arith.muli %add3A_26, %mul3A_27 : i32
      %add3A_29 = arith.addi %arg1, %mul3A_28 : i32
      %lt3A = arith.constant 125 : i32
      %lt3A_30 = arith.cmpi slt, %add3A_29, %lt3A : i32
      %convert_element_type3A_31 = arith.extui %lt3A_30 : i1 to i32
      %cond3A_32 = arith.constant 0 : i32
      %cond3A_33 = arith.cmpi ne, %convert_element_type3A_31, %cond3A_32 : i32
      scf.if %cond3A_33 {
        %mul3A_34 = arith.constant 80 : i32
        %mul3A_35 = arith.muli %add3A_29, %mul3A_34 : i32
        "tpu.region"() ({
          %run_scoped3A = tpu.sem_alloc : memref<!tpu.dma_semaphore, #tpu.memory_space<semaphore_mem>>
          %dma_start3A = arith.constant 0 : i32
          %dma_start3A_46 = arith.constant 0 : i32
          %dma_start3A_47 = tpu.memref_slice %arg16[%dma_start3A, %dma_start3A_46] : memref<128x128xf32, #tpu.memory_space<vmem>> -> memref<80x128xf32, #tpu.memory_space<vmem>>
          %dma_start3A_48 = arith.constant 0 : i32
          %dma_start3A_49 = tpu.memref_slice %arg9[%mul3A_35, %dma_start3A_48] : memref<10000x128xf32, #tpu.memory_space<vmem_shared>> -> memref<80x128xf32, #tpu.memory_space<vmem_shared>>
          %dma_start3A_50 = arith.constant 0 : i32
          %dma_start3A_51 = arith.constant 0 : i32
          %dma_start3A_52 = tpu.memref_slice %arg16[%dma_start3A_50, %dma_start3A_51] : memref<128x128xf32, #tpu.memory_space<vmem>> -> memref<80x128xf32, #tpu.memory_space<vmem>>
          %dma_start3A_53 = arith.constant 0 : i32
          %dma_start3A_54 = tpu.memref_slice %arg9[%mul3A_35, %dma_start3A_53] : memref<10000x128xf32, #tpu.memory_space<vmem_shared>> -> memref<80x128xf32, #tpu.memory_space<vmem_shared>>
          tpu.enqueue_dma source(%dma_start3A_54 : memref<80x128xf32, #tpu.memory_space<vmem_shared>>) target(%dma_start3A_52 : memref<80x128xf32, #tpu.memory_space<vmem>>) target_semaphore(%run_scoped3A : memref<!tpu.dma_semaphore, #tpu.memory_space<semaphore_mem>>)
          %dma_wait3A = arith.constant 0 : i32
          %dma_wait3A_55 = arith.constant 0 : i32
          %dma_wait3A_56 = tpu.memref_slice %arg16[%dma_wait3A, %dma_wait3A_55] : memref<128x128xf32, #tpu.memory_space<vmem>> -> memref<80x128xf32, #tpu.memory_space<vmem>>
          %dma_wait3A_57 = arith.constant 0 : i32
          %dma_wait3A_58 = tpu.memref_slice %arg9[%mul3A_35, %dma_wait3A_57] : memref<10000x128xf32, #tpu.memory_space<vmem_shared>> -> memref<80x128xf32, #tpu.memory_space<vmem_shared>>
          %dma_wait3A_59 = arith.constant 0 : i32
          %dma_wait3A_60 = arith.constant 0 : i32
          %dma_wait3A_61 = tpu.memref_slice %arg16[%dma_wait3A_59, %dma_wait3A_60] : memref<128x128xf32, #tpu.memory_space<vmem>> -> memref<80x128xf32, #tpu.memory_space<vmem>>
          %dma_wait3A_62 = arith.constant 0 : i32
          %dma_wait3A_63 = tpu.memref_slice %arg9[%mul3A_35, %dma_wait3A_62] : memref<10000x128xf32, #tpu.memory_space<vmem_shared>> -> memref<80x128xf32, #tpu.memory_space<vmem_shared>>
          tpu.wait_dma2 semaphore(%run_scoped3A : memref<!tpu.dma_semaphore, #tpu.memory_space<semaphore_mem>>) src(%dma_wait3A_63 : memref<80x128xf32, #tpu.memory_space<vmem_shared>>) dst(%dma_wait3A_61 : memref<80x128xf32, #tpu.memory_space<vmem>>)
          tpu.yield
        }) : () -> ()
        %eq3A_36 = arith.constant 0 : i32
        %eq3A_37 = arith.cmpi eq, %arg0, %eq3A_36 : i32
        %convert_element_type3A_38 = arith.extui %eq3A_37 : i1 to i32
        %cond3A_39 = arith.constant 0 : i32
        %cond3A_40 = arith.cmpi ne, %convert_element_type3A_38, %cond3A_39 : i32
        scf.if %cond3A_40 {
          "tpu.region"() ({
            %run_scoped3A = tpu.sem_alloc : memref<!tpu.dma_semaphore, #tpu.memory_space<semaphore_mem>>
            %dma_start3A = arith.constant 0 : i32
            %dma_start3A_46 = arith.constant 0 : i32
            %dma_start3A_47 = tpu.memref_slice %arg16[%dma_start3A, %dma_start3A_46] : memref<128x128xf32, #tpu.memory_space<vmem>> -> memref<80x128xf32, #tpu.memory_space<vmem>>
            %dma_start3A_48 = arith.constant 0 : i32
            %dma_start3A_49 = tpu.memref_slice %arg7[%mul3A_35, %dma_start3A_48] : memref<10000x128xf32, #tpu.memory_space<hbm>> -> memref<80x128xf32, #tpu.memory_space<hbm>>
            %dma_start3A_50 = arith.constant 0 : i32
            %dma_start3A_51 = tpu.memref_slice %arg7[%mul3A_35, %dma_start3A_50] : memref<10000x128xf32, #tpu.memory_space<hbm>> -> memref<80x128xf32, #tpu.memory_space<hbm>>
            %dma_start3A_52 = arith.constant 0 : i32
            %dma_start3A_53 = arith.constant 0 : i32
            %dma_start3A_54 = tpu.memref_slice %arg16[%dma_start3A_52, %dma_start3A_53] : memref<128x128xf32, #tpu.memory_space<vmem>> -> memref<80x128xf32, #tpu.memory_space<vmem>>
            tpu.enqueue_dma source(%dma_start3A_54 : memref<80x128xf32, #tpu.memory_space<vmem>>) target(%dma_start3A_51 : memref<80x128xf32, #tpu.memory_space<hbm>>) target_semaphore(%run_scoped3A : memref<!tpu.dma_semaphore, #tpu.memory_space<semaphore_mem>>)
            %dma_wait3A = arith.constant 0 : i32
            %dma_wait3A_55 = arith.constant 0 : i32
            %dma_wait3A_56 = tpu.memref_slice %arg16[%dma_wait3A, %dma_wait3A_55] : memref<128x128xf32, #tpu.memory_space<vmem>> -> memref<80x128xf32, #tpu.memory_space<vmem>>
            %dma_wait3A_57 = arith.constant 0 : i32
            %dma_wait3A_58 = tpu.memref_slice %arg7[%mul3A_35, %dma_wait3A_57] : memref<10000x128xf32, #tpu.memory_space<hbm>> -> memref<80x128xf32, #tpu.memory_space<hbm>>
            %dma_wait3A_59 = arith.constant 0 : i32
            %dma_wait3A_60 = tpu.memref_slice %arg7[%mul3A_35, %dma_wait3A_59] : memref<10000x128xf32, #tpu.memory_space<hbm>> -> memref<80x128xf32, #tpu.memory_space<hbm>>
            %dma_wait3A_61 = arith.constant 0 : i32
            %dma_wait3A_62 = arith.constant 0 : i32
            %dma_wait3A_63 = tpu.memref_slice %arg16[%dma_wait3A_61, %dma_wait3A_62] : memref<128x128xf32, #tpu.memory_space<vmem>> -> memref<80x128xf32, #tpu.memory_space<vmem>>
            tpu.wait_dma2 semaphore(%run_scoped3A : memref<!tpu.dma_semaphore, #tpu.memory_space<semaphore_mem>>) src(%dma_wait3A_63 : memref<80x128xf32, #tpu.memory_space<vmem>>) dst(%dma_wait3A_60 : memref<80x128xf32, #tpu.memory_space<hbm>>)
            tpu.yield
          }) : () -> ()
        } else {
        }
        %eq3A_41 = arith.constant 1 : i32
        %eq3A_42 = arith.cmpi eq, %arg0, %eq3A_41 : i32
        %convert_element_type3A_43 = arith.extui %eq3A_42 : i1 to i32
        %cond3A_44 = arith.constant 0 : i32
        %cond3A_45 = arith.cmpi ne, %convert_element_type3A_43, %cond3A_44 : i32
        scf.if %cond3A_45 {
          "tpu.region"() ({
            %run_scoped3A = tpu.sem_alloc : memref<!tpu.dma_semaphore, #tpu.memory_space<semaphore_mem>>
            %dma_start3A = arith.constant 0 : i32
            %dma_start3A_46 = arith.constant 0 : i32
            %dma_start3A_47 = tpu.memref_slice %arg16[%dma_start3A, %dma_start3A_46] : memref<128x128xf32, #tpu.memory_space<vmem>> -> memref<80x128xf32, #tpu.memory_space<vmem>>
            %dma_start3A_48 = arith.constant 0 : i32
            %dma_start3A_49 = tpu.memref_slice %arg8[%mul3A_35, %dma_start3A_48] : memref<10000x128xf32, #tpu.memory_space<hbm>> -> memref<80x128xf32, #tpu.memory_space<hbm>>
            %dma_start3A_50 = arith.constant 0 : i32
            %dma_start3A_51 = tpu.memref_slice %arg8[%mul3A_35, %dma_start3A_50] : memref<10000x128xf32, #tpu.memory_space<hbm>> -> memref<80x128xf32, #tpu.memory_space<hbm>>
            %dma_start3A_52 = arith.constant 0 : i32
            %dma_start3A_53 = arith.constant 0 : i32
            %dma_start3A_54 = tpu.memref_slice %arg16[%dma_start3A_52, %dma_start3A_53] : memref<128x128xf32, #tpu.memory_space<vmem>> -> memref<80x128xf32, #tpu.memory_space<vmem>>
            tpu.enqueue_dma source(%dma_start3A_54 : memref<80x128xf32, #tpu.memory_space<vmem>>) target(%dma_start3A_51 : memref<80x128xf32, #tpu.memory_space<hbm>>) target_semaphore(%run_scoped3A : memref<!tpu.dma_semaphore, #tpu.memory_space<semaphore_mem>>)
            %dma_wait3A = arith.constant 0 : i32
            %dma_wait3A_55 = arith.constant 0 : i32
            %dma_wait3A_56 = tpu.memref_slice %arg16[%dma_wait3A, %dma_wait3A_55] : memref<128x128xf32, #tpu.memory_space<vmem>> -> memref<80x128xf32, #tpu.memory_space<vmem>>
            %dma_wait3A_57 = arith.constant 0 : i32
            %dma_wait3A_58 = tpu.memref_slice %arg8[%mul3A_35, %dma_wait3A_57] : memref<10000x128xf32, #tpu.memory_space<hbm>> -> memref<80x128xf32, #tpu.memory_space<hbm>>
            %dma_wait3A_59 = arith.constant 0 : i32
            %dma_wait3A_60 = tpu.memref_slice %arg8[%mul3A_35, %dma_wait3A_59] : memref<10000x128xf32, #tpu.memory_space<hbm>> -> memref<80x128xf32, #tpu.memory_space<hbm>>
            %dma_wait3A_61 = arith.constant 0 : i32
            %dma_wait3A_62 = arith.constant 0 : i32
            %dma_wait3A_63 = tpu.memref_slice %arg16[%dma_wait3A_61, %dma_wait3A_62] : memref<128x128xf32, #tpu.memory_space<vmem>> -> memref<80x128xf32, #tpu.memory_space<vmem>>
            tpu.wait_dma2 semaphore(%run_scoped3A : memref<!tpu.dma_semaphore, #tpu.memory_space<semaphore_mem>>) src(%dma_wait3A_63 : memref<80x128xf32, #tpu.memory_space<vmem>>) dst(%dma_wait3A_60 : memref<80x128xf32, #tpu.memory_space<hbm>>)
            tpu.yield
          }) : () -> ()
        } else {
        }
      } else {
      }
    }
    %scan3A_22 = arith.constant 8 : i32
    return
  }
}

#map = affine_map<(d0, d1) -> (0, 0)>
#map1 = affine_map<(d0, d1) -> (0)>
module attributes {stable_mosaic.version = 14 : i64} {
  func.func @_sc_pass2_body(%arg0: i32, %arg1: i32, %arg2: memref<10000x128xf32, #tpu.memory_space<hbm>>, %arg3: memref<320000xi32, #tpu.memory_space<hbm>>, %arg4: memref<320000xi32, #tpu.memory_space<hbm>>, %arg5: memref<10000x128xf32, #tpu.memory_space<hbm>>, %arg6: memref<10000x128xf32, #tpu.memory_space<hbm>>, %arg7: memref<10000x128xf32, #tpu.memory_space<vmem_shared>>, %arg8: memref<128xi32, #tpu.memory_space<vmem>>, %arg9: memref<128xi32, #tpu.memory_space<vmem>>, %arg10: memref<128xi32, #tpu.memory_space<vmem>>, %arg11: memref<128xi32, #tpu.memory_space<vmem>>, %arg12: memref<16xi32, #tpu.memory_space<vmem>>, %arg13: memref<16xi32, #tpu.memory_space<vmem>>, %arg14: memref<128x128xf32, #tpu.memory_space<vmem>>, %arg15: memref<!tpu.dma_semaphore, #tpu.memory_space<semaphore_mem>>, %arg16: memref<!tpu.dma_semaphore, #tpu.memory_space<semaphore_mem>>, %arg17: memref<!tpu.dma_semaphore, #tpu.memory_space<semaphore_mem>>, %arg18: memref<!tpu.dma_semaphore, #tpu.memory_space<semaphore_mem>>, %arg19: memref<!tpu.dma_semaphore, #tpu.memory_space<semaphore_mem>>) attributes {dimension_semantics = [#tpu.dimension_semantics<core_parallel>, #tpu.dimension_semantics<subcore_parallel>], iteration_bounds = array<i64: 2, 16>, scalar_prefetch = 0 : i64, scratch_operands = 13 : i64, tpu.core_type = #tpu.core_type<sc_vector_subcore>, window_params = [{transform_indices = #map}, {transform_indices = #map1}, {transform_indices = #map1}, {transform_indices = #map}, {transform_indices = #map}]} {
    %scan3A = arith.constant 0 : i32
    %scan3A_0 = arith.constant 80 : i32
    %scan3A_1 = arith.addi %scan3A, %scan3A_0 : i32
    %scan3A_2 = arith.constant 1 : i32
    scf.for %scan3A_41 = %scan3A to %scan3A_1 step %scan3A_2  : i32 {
      %mul3A_42 = arith.constant 1 : i32
      %mul3A_43 = arith.muli %scan3A_41, %mul3A_42 : i32
      %add3A_44 = arith.constant 0 : i32
      %add3A_45 = arith.addi %add3A_44, %mul3A_43 : i32
      %scan3A_46 = arith.constant 0 : i32
      %scan3A_47 = arith.constant 8 : i32
      %scan3A_48 = arith.addi %scan3A_46, %scan3A_47 : i32
      %scan3A_49 = arith.constant 1 : i32
      scf.for %scan3A_51 = %scan3A_46 to %scan3A_48 step %scan3A_49  : i32 {
        %mul3A_52 = arith.constant 1 : i32
        %mul3A_53 = arith.muli %scan3A_51, %mul3A_52 : i32
        %add3A_54 = arith.constant 0 : i32
        %add3A_55 = arith.addi %add3A_54, %mul3A_53 : i32
        %broadcast_in_dim3A = arith.constant 0.000000e+00 : f32
        %broadcast_in_dim3A_56 = vector.broadcast %broadcast_in_dim3A : f32 to vector<16xf32>
        %mul3A_57 = arith.constant 16 : i32
        %mul3A_58 = arith.muli %add3A_55, %mul3A_57 : i32
        %swap3A = arith.index_cast %add3A_45 : i32 to index
        %swap3A_59 = arith.index_cast %mul3A_58 : i32 to index
        %swap3A_60 = tpu.vector_load %arg14[%swap3A, %swap3A_59] {strides = array<i32>} : memref<128x128xf32, #tpu.memory_space<vmem>>, vector<1x16xf32>,
        %swap3A_61 = vector.shape_cast %swap3A_60 : vector<1x16xf32> to vector<16xf32>
        %swap3A_62 = vector.shape_cast %broadcast_in_dim3A_56 : vector<16xf32> to vector<1x16xf32>
        tpu.vector_store %arg14[%swap3A, %swap3A_59], %swap3A_62 {strides = array<i32>} : memref<128x128xf32, #tpu.memory_space<vmem>>, vector<1x16xf32>,
      }
      %scan3A_50 = arith.constant 8 : i32
    }
    %scan3A_3 = arith.constant 80 : i32
    %scan3A_4 = arith.constant 0 : i32
    %scan3A_5 = arith.constant 8 : i32
    %scan3A_6 = arith.addi %scan3A_4, %scan3A_5 : i32
    %scan3A_7 = arith.constant 1 : i32
    scf.for %scan3A_41 = %scan3A_4 to %scan3A_6 step %scan3A_7  : i32 {
      %mul3A_42 = arith.constant 1 : i32
      %mul3A_43 = arith.muli %scan3A_41, %mul3A_42 : i32
      %add3A_44 = arith.constant 0 : i32
      %add3A_45 = arith.addi %add3A_44, %mul3A_43 : i32
      %mul3A_46 = arith.constant 16 : i32
      %mul3A_47 = arith.muli %add3A_45, %mul3A_46 : i32
      %add3A_48 = arith.addi %arg1, %mul3A_47 : i32
      %lt3A = arith.constant 125 : i32
      %lt3A_49 = arith.cmpi slt, %add3A_48, %lt3A : i32
      %convert_element_type3A = arith.extui %lt3A_49 : i1 to i32
      %cond3A = arith.constant 0 : i32
      %cond3A_50 = arith.cmpi ne, %convert_element_type3A, %cond3A : i32
      scf.if %cond3A_50 {
        %mul3A_51 = arith.constant 80 : i32
        %mul3A_52 = arith.muli %add3A_48, %mul3A_51 : i32
        "tpu.region"() ({
          %run_scoped3A = tpu.sem_alloc : memref<!tpu.dma_semaphore, #tpu.memory_space<semaphore_mem>>
          %dma_start3A_53 = arith.constant 0 : i32
          %dma_start3A_54 = arith.constant 0 : i32
          %dma_start3A_55 = tpu.memref_slice %arg14[%dma_start3A_53, %dma_start3A_54] : memref<128x128xf32, #tpu.memory_space<vmem>> -> memref<80x128xf32, #tpu.memory_space<vmem>>
          %dma_start3A_56 = arith.constant 0 : i32
          %dma_start3A_57 = tpu.memref_slice %arg7[%mul3A_52, %dma_start3A_56] : memref<10000x128xf32, #tpu.memory_space<vmem_shared>> -> memref<80x128xf32, #tpu.memory_space<vmem_shared>>
          %dma_start3A_58 = arith.constant 0 : i32
          %dma_start3A_59 = tpu.memref_slice %arg7[%mul3A_52, %dma_start3A_58] : memref<10000x128xf32, #tpu.memory_space<vmem_shared>> -> memref<80x128xf32, #tpu.memory_space<vmem_shared>>
          %dma_start3A_60 = arith.constant 0 : i32
          %dma_start3A_61 = arith.constant 0 : i32
          %dma_start3A_62 = tpu.memref_slice %arg14[%dma_start3A_60, %dma_start3A_61] : memref<128x128xf32, #tpu.memory_space<vmem>> -> memref<80x128xf32, #tpu.memory_space<vmem>>
          tpu.enqueue_dma source(%dma_start3A_62 : memref<80x128xf32, #tpu.memory_space<vmem>>) target(%dma_start3A_59 : memref<80x128xf32, #tpu.memory_space<vmem_shared>>) target_semaphore(%run_scoped3A : memref<!tpu.dma_semaphore, #tpu.memory_space<semaphore_mem>>)
          %dma_wait3A_63 = arith.constant 0 : i32
          %dma_wait3A_64 = arith.constant 0 : i32
          %dma_wait3A_65 = tpu.memref_slice %arg14[%dma_wait3A_63, %dma_wait3A_64] : memref<128x128xf32, #tpu.memory_space<vmem>> -> memref<80x128xf32, #tpu.memory_space<vmem>>
          %dma_wait3A_66 = arith.constant 0 : i32
          %dma_wait3A_67 = tpu.memref_slice %arg7[%mul3A_52, %dma_wait3A_66] : memref<10000x128xf32, #tpu.memory_space<vmem_shared>> -> memref<80x128xf32, #tpu.memory_space<vmem_shared>>
          %dma_wait3A_68 = arith.constant 0 : i32
          %dma_wait3A_69 = tpu.memref_slice %arg7[%mul3A_52, %dma_wait3A_68] : memref<10000x128xf32, #tpu.memory_space<vmem_shared>> -> memref<80x128xf32, #tpu.memory_space<vmem_shared>>
          %dma_wait3A_70 = arith.constant 0 : i32
          %dma_wait3A_71 = arith.constant 0 : i32
          %dma_wait3A_72 = tpu.memref_slice %arg14[%dma_wait3A_70, %dma_wait3A_71] : memref<128x128xf32, #tpu.memory_space<vmem>> -> memref<80x128xf32, #tpu.memory_space<vmem>>
          tpu.wait_dma2 semaphore(%run_scoped3A : memref<!tpu.dma_semaphore, #tpu.memory_space<semaphore_mem>>) src(%dma_wait3A_72 : memref<80x128xf32, #tpu.memory_space<vmem>>) dst(%dma_wait3A_69 : memref<80x128xf32, #tpu.memory_space<vmem_shared>>)
          tpu.yield
        }) : () -> ()
      } else {
      }
    }
    %scan3A_8 = arith.constant 8 : i32
    %barrier3A = arith.constant 0 : index
    tpu.barrier barrier_id(%barrier3A)
    %mul3A = arith.constant 160000 : i32
    %mul3A_9 = arith.muli %arg0, %mul3A : i32
    %mul3A_10 = arith.constant 10000 : i32
    %mul3A_11 = arith.muli %arg1, %mul3A_10 : i32
    %add3A = arith.addi %mul3A_9, %mul3A_11 : i32
    %add3A_12 = arith.constant 0 : i32
    %add3A_13 = arith.addi %add3A, %add3A_12 : i32
    %dma_start3A = tpu.memref_slice %arg3[%add3A_13] : memref<320000xi32, #tpu.memory_space<hbm>> -> memref<128xi32, #tpu.memory_space<hbm>>
    %dma_start3A_14 = tpu.memref_slice %arg3[%add3A_13] : memref<320000xi32, #tpu.memory_space<hbm>> -> memref<128xi32, #tpu.memory_space<hbm>>
    tpu.enqueue_dma source(%dma_start3A_14 : memref<128xi32, #tpu.memory_space<hbm>>) target(%arg8 : memref<128xi32, #tpu.memory_space<vmem>>) target_semaphore(%arg15 : memref<!tpu.dma_semaphore, #tpu.memory_space<semaphore_mem>>)
    %dma_start3A_15 = tpu.memref_slice %arg4[%add3A_13] : memref<320000xi32, #tpu.memory_space<hbm>> -> memref<128xi32, #tpu.memory_space<hbm>>
    %dma_start3A_16 = tpu.memref_slice %arg4[%add3A_13] : memref<320000xi32, #tpu.memory_space<hbm>> -> memref<128xi32, #tpu.memory_space<hbm>>
    tpu.enqueue_dma source(%dma_start3A_16 : memref<128xi32, #tpu.memory_space<hbm>>) target(%arg10 : memref<128xi32, #tpu.memory_space<vmem>>) target_semaphore(%arg17 : memref<!tpu.dma_semaphore, #tpu.memory_space<semaphore_mem>>)
    %scan3A_17 = arith.constant 0 : i32
    %scan3A_18 = arith.constant 39 : i32
    %scan3A_19 = arith.addi %scan3A_17, %scan3A_18 : i32
    %scan3A_20 = arith.constant 1 : i32
    scf.for %scan3A_41 = %scan3A_17 to %scan3A_19 step %scan3A_20  : i32 {
      %mul3A_42 = arith.constant 1 : i32
      %mul3A_43 = arith.muli %scan3A_41, %mul3A_42 : i32
      %add3A_44 = arith.constant 0 : i32
      %add3A_45 = arith.addi %add3A_44, %mul3A_43 : i32
      %mul3A_46 = arith.constant 2 : i32
      %mul3A_47 = arith.muli %mul3A_46, %add3A_45 : i32
      %add3A_48 = arith.constant 1 : i32
      %add3A_49 = arith.addi %mul3A_47, %add3A_48 : i32
      %mul3A_50 = arith.constant 128 : i32
      %mul3A_51 = arith.muli %add3A_49, %mul3A_50 : i32
      %add3A_52 = arith.addi %add3A, %mul3A_51 : i32
      %dma_start3A_53 = tpu.memref_slice %arg3[%add3A_52] : memref<320000xi32, #tpu.memory_space<hbm>> -> memref<128xi32, #tpu.memory_space<hbm>>
      %dma_start3A_54 = tpu.memref_slice %arg3[%add3A_52] : memref<320000xi32, #tpu.memory_space<hbm>> -> memref<128xi32, #tpu.memory_space<hbm>>
      tpu.enqueue_dma source(%dma_start3A_54 : memref<128xi32, #tpu.memory_space<hbm>>) target(%arg9 : memref<128xi32, #tpu.memory_space<vmem>>) target_semaphore(%arg16 : memref<!tpu.dma_semaphore, #tpu.memory_space<semaphore_mem>>)
      %dma_start3A_55 = tpu.memref_slice %arg4[%add3A_52] : memref<320000xi32, #tpu.memory_space<hbm>> -> memref<128xi32, #tpu.memory_space<hbm>>
      %dma_start3A_56 = tpu.memref_slice %arg4[%add3A_52] : memref<320000xi32, #tpu.memory_space<hbm>> -> memref<128xi32, #tpu.memory_space<hbm>>
      tpu.enqueue_dma source(%dma_start3A_56 : memref<128xi32, #tpu.memory_space<hbm>>) target(%arg11 : memref<128xi32, #tpu.memory_space<vmem>>) target_semaphore(%arg18 : memref<!tpu.dma_semaphore, #tpu.memory_space<semaphore_mem>>)
      %mul3A_57 = arith.constant 128 : i32
      %mul3A_58 = arith.muli %mul3A_47, %mul3A_57 : i32
      %add3A_59 = arith.addi %add3A, %mul3A_58 : i32
      %dma_wait3A_60 = tpu.memref_slice %arg3[%add3A_59] : memref<320000xi32, #tpu.memory_space<hbm>> -> memref<128xi32, #tpu.memory_space<hbm>>
      %dma_wait3A_61 = tpu.memref_slice %arg3[%add3A_59] : memref<320000xi32, #tpu.memory_space<hbm>> -> memref<128xi32, #tpu.memory_space<hbm>>
      tpu.wait_dma2 semaphore(%arg15 : memref<!tpu.dma_semaphore, #tpu.memory_space<semaphore_mem>>) src(%dma_wait3A_61 : memref<128xi32, #tpu.memory_space<hbm>>) dst(%arg8 : memref<128xi32, #tpu.memory_space<vmem>>)
      %dma_wait3A_62 = tpu.memref_slice %arg4[%add3A_59] : memref<320000xi32, #tpu.memory_space<hbm>> -> memref<128xi32, #tpu.memory_space<hbm>>
      %dma_wait3A_63 = tpu.memref_slice %arg4[%add3A_59] : memref<320000xi32, #tpu.memory_space<hbm>> -> memref<128xi32, #tpu.memory_space<hbm>>
      tpu.wait_dma2 semaphore(%arg17 : memref<!tpu.dma_semaphore, #tpu.memory_space<semaphore_mem>>) src(%dma_wait3A_63 : memref<128xi32, #tpu.memory_space<hbm>>) dst(%arg10 : memref<128xi32, #tpu.memory_space<vmem>>)
      %dma_start3A_64 = arith.constant 0 : i32
      %dma_start3A_65 = arith.constant 0 : i32
      %dma_start3A_66 = tpu.memref_slice %arg2[%dma_start3A_64, %dma_start3A_65] : memref<10000x128xf32, #tpu.memory_space<hbm>> -> memref<10000x128xf32, #tpu.memory_space<hbm>>
      tpu.enqueue_indirect_dma source(%dma_start3A_66 : memref<10000x128xf32, #tpu.memory_space<hbm>>) target(%arg14 : memref<128x128xf32, #tpu.memory_space<vmem>>) offsets(%arg8 : memref<128xi32, #tpu.memory_space<vmem>>) semaphore(%arg19 : memref<!tpu.dma_semaphore, #tpu.memory_space<semaphore_mem>>)
      %dma_wait3A_67 = arith.constant 0 : i32
      %dma_wait3A_68 = arith.constant 0 : i32
      %dma_wait3A_69 = tpu.memref_slice %arg2[%dma_wait3A_67, %dma_wait3A_68] : memref<10000x128xf32, #tpu.memory_space<hbm>> -> memref<10000x128xf32, #tpu.memory_space<hbm>>
      tpu.wait_indirect_dma semaphore(%arg19 : memref<!tpu.dma_semaphore, #tpu.memory_space<semaphore_mem>>) src(%dma_wait3A_69 : memref<10000x128xf32, #tpu.memory_space<hbm>>) dst(%arg14 : memref<128x128xf32, #tpu.memory_space<vmem>>)
      "tpu.region"() ({
        %run_scoped3A = tpu.sem_alloc : memref<!tpu.dma_semaphore, #tpu.memory_space<semaphore_mem>>
        %dma_start3A_89 = arith.constant 0 : i32
        %dma_start3A_90 = arith.constant 0 : i32
        %dma_start3A_91 = tpu.memref_slice %arg7[%dma_start3A_89, %dma_start3A_90] : memref<10000x128xf32, #tpu.memory_space<vmem_shared>> -> memref<10000x128xf32, #tpu.memory_space<vmem_shared>>
        tpu.enqueue_indirect_dma source(%arg14 : memref<128x128xf32, #tpu.memory_space<vmem>>) target(%dma_start3A_91 : memref<10000x128xf32, #tpu.memory_space<vmem_shared>>) offsets(%arg10 : memref<128xi32, #tpu.memory_space<vmem>>) semaphore(%run_scoped3A : memref<!tpu.dma_semaphore, #tpu.memory_space<semaphore_mem>>) {add = true}
        %dma_wait3A_92 = arith.constant 0 : i32
        %dma_wait3A_93 = arith.constant 0 : i32
        %dma_wait3A_94 = tpu.memref_slice %arg7[%dma_wait3A_92, %dma_wait3A_93] : memref<10000x128xf32, #tpu.memory_space<vmem_shared>> -> memref<10000x128xf32, #tpu.memory_space<vmem_shared>>
        tpu.wait_indirect_dma semaphore(%run_scoped3A : memref<!tpu.dma_semaphore, #tpu.memory_space<semaphore_mem>>) src(%arg14 : memref<128x128xf32, #tpu.memory_space<vmem>>) dst(%dma_wait3A_94 : memref<10000x128xf32, #tpu.memory_space<vmem_shared>>)
        tpu.yield
      }) : () -> ()
      %add3A_70 = arith.constant 2 : i32
      %add3A_71 = arith.addi %mul3A_47, %add3A_70 : i32
      %lt3A = arith.constant 78 : i32
      %lt3A_72 = arith.cmpi slt, %add3A_71, %lt3A : i32
      %convert_element_type3A = arith.extui %lt3A_72 : i1 to i32
      %cond3A = arith.constant 0 : i32
      %cond3A_73 = arith.cmpi ne, %convert_element_type3A, %cond3A : i32
      scf.if %cond3A_73 {
        %add3A_89 = arith.constant 2 : i32
        %add3A_90 = arith.addi %mul3A_47, %add3A_89 : i32
        %mul3A_91 = arith.constant 128 : i32
        %mul3A_92 = arith.muli %add3A_90, %mul3A_91 : i32
        %add3A_93 = arith.addi %add3A, %mul3A_92 : i32
        %dma_start3A_94 = tpu.memref_slice %arg3[%add3A_93] : memref<320000xi32, #tpu.memory_space<hbm>> -> memref<128xi32, #tpu.memory_space<hbm>>
        %dma_start3A_95 = tpu.memref_slice %arg3[%add3A_93] : memref<320000xi32, #tpu.memory_space<hbm>> -> memref<128xi32, #tpu.memory_space<hbm>>
        tpu.enqueue_dma source(%dma_start3A_95 : memref<128xi32, #tpu.memory_space<hbm>>) target(%arg8 : memref<128xi32, #tpu.memory_space<vmem>>) target_semaphore(%arg15 : memref<!tpu.dma_semaphore, #tpu.memory_space<semaphore_mem>>)
        %dma_start3A_96 = tpu.memref_slice %arg4[%add3A_93] : memref<320000xi32, #tpu.memory_space<hbm>> -> memref<128xi32, #tpu.memory_space<hbm>>
        %dma_start3A_97 = tpu.memref_slice %arg4[%add3A_93] : memref<320000xi32, #tpu.memory_space<hbm>> -> memref<128xi32, #tpu.memory_space<hbm>>
        tpu.enqueue_dma source(%dma_start3A_97 : memref<128xi32, #tpu.memory_space<hbm>>) target(%arg10 : memref<128xi32, #tpu.memory_space<vmem>>) target_semaphore(%arg17 : memref<!tpu.dma_semaphore, #tpu.memory_space<semaphore_mem>>)
      } else {
      }
      %add3A_74 = arith.constant 1 : i32
      %add3A_75 = arith.addi %mul3A_47, %add3A_74 : i32
      %mul3A_76 = arith.constant 128 : i32
      %mul3A_77 = arith.muli %add3A_75, %mul3A_76 : i32
      %add3A_78 = arith.addi %add3A, %mul3A_77 : i32
      %dma_wait3A_79 = tpu.memref_slice %arg3[%add3A_78] : memref<320000xi32, #tpu.memory_space<hbm>> -> memref<128xi32, #tpu.memory_space<hbm>>
      %dma_wait3A_80 = tpu.memref_slice %arg3[%add3A_78] : memref<320000xi32, #tpu.memory_space<hbm>> -> memref<128xi32, #tpu.memory_space<hbm>>
      tpu.wait_dma2 semaphore(%arg16 : memref<!tpu.dma_semaphore, #tpu.memory_space<semaphore_mem>>) src(%dma_wait3A_80 : memref<128xi32, #tpu.memory_space<hbm>>) dst(%arg9 : memref<128xi32, #tpu.memory_space<vmem>>)
      %dma_wait3A_81 = tpu.memref_slice %arg4[%add3A_78] : memref<320000xi32, #tpu.memory_space<hbm>> -> memref<128xi32, #tpu.memory_space<hbm>>
      %dma_wait3A_82 = tpu.memref_slice %arg4[%add3A_78] : memref<320000xi32, #tpu.memory_space<hbm>> -> memref<128xi32, #tpu.memory_space<hbm>>
      tpu.wait_dma2 semaphore(%arg18 : memref<!tpu.dma_semaphore, #tpu.memory_space<semaphore_mem>>) src(%dma_wait3A_82 : memref<128xi32, #tpu.memory_space<hbm>>) dst(%arg11 : memref<128xi32, #tpu.memory_space<vmem>>)
      %dma_start3A_83 = arith.constant 0 : i32
      %dma_start3A_84 = arith.constant 0 : i32
      %dma_start3A_85 = tpu.memref_slice %arg2[%dma_start3A_83, %dma_start3A_84] : memref<10000x128xf32, #tpu.memory_space<hbm>> -> memref<10000x128xf32, #tpu.memory_space<hbm>>
      tpu.enqueue_indirect_dma source(%dma_start3A_85 : memref<10000x128xf32, #tpu.memory_space<hbm>>) target(%arg14 : memref<128x128xf32, #tpu.memory_space<vmem>>) offsets(%arg9 : memref<128xi32, #tpu.memory_space<vmem>>) semaphore(%arg19 : memref<!tpu.dma_semaphore, #tpu.memory_space<semaphore_mem>>)
      %dma_wait3A_86 = arith.constant 0 : i32
      %dma_wait3A_87 = arith.constant 0 : i32
      %dma_wait3A_88 = tpu.memref_slice %arg2[%dma_wait3A_86, %dma_wait3A_87] : memref<10000x128xf32, #tpu.memory_space<hbm>> -> memref<10000x128xf32, #tpu.memory_space<hbm>>
      tpu.wait_indirect_dma semaphore(%arg19 : memref<!tpu.dma_semaphore, #tpu.memory_space<semaphore_mem>>) src(%dma_wait3A_88 : memref<10000x128xf32, #tpu.memory_space<hbm>>) dst(%arg14 : memref<128x128xf32, #tpu.memory_space<vmem>>)
      "tpu.region"() ({
        %run_scoped3A = tpu.sem_alloc : memref<!tpu.dma_semaphore, #tpu.memory_space<semaphore_mem>>
        %dma_start3A_89 = arith.constant 0 : i32
        %dma_start3A_90 = arith.constant 0 : i32
        %dma_start3A_91 = tpu.memref_slice %arg7[%dma_start3A_89, %dma_start3A_90] : memref<10000x128xf32, #tpu.memory_space<vmem_shared>> -> memref<10000x128xf32, #tpu.memory_space<vmem_shared>>
        tpu.enqueue_indirect_dma source(%arg14 : memref<128x128xf32, #tpu.memory_space<vmem>>) target(%dma_start3A_91 : memref<10000x128xf32, #tpu.memory_space<vmem_shared>>) offsets(%arg11 : memref<128xi32, #tpu.memory_space<vmem>>) semaphore(%run_scoped3A : memref<!tpu.dma_semaphore, #tpu.memory_space<semaphore_mem>>) {add = true}
        %dma_wait3A_92 = arith.constant 0 : i32
        %dma_wait3A_93 = arith.constant 0 : i32
        %dma_wait3A_94 = tpu.memref_slice %arg7[%dma_wait3A_92, %dma_wait3A_93] : memref<10000x128xf32, #tpu.memory_space<vmem_shared>> -> memref<10000x128xf32, #tpu.memory_space<vmem_shared>>
        tpu.wait_indirect_dma semaphore(%run_scoped3A : memref<!tpu.dma_semaphore, #tpu.memory_space<semaphore_mem>>) src(%arg14 : memref<128x128xf32, #tpu.memory_space<vmem>>) dst(%dma_wait3A_94 : memref<10000x128xf32, #tpu.memory_space<vmem_shared>>)
        tpu.yield
      }) : () -> ()
    }
    %scan3A_21 = arith.constant 39 : i32
    %add3A_22 = arith.constant 9984 : i32
    %add3A_23 = arith.addi %add3A, %add3A_22 : i32
    "tpu.region"() ({
      %run_scoped3A = tpu.sem_alloc : memref<!tpu.dma_semaphore, #tpu.memory_space<semaphore_mem>>
      %dma_start3A_41 = tpu.memref_slice %arg3[%add3A_23] : memref<320000xi32, #tpu.memory_space<hbm>> -> memref<16xi32, #tpu.memory_space<hbm>>
      %dma_start3A_42 = tpu.memref_slice %arg3[%add3A_23] : memref<320000xi32, #tpu.memory_space<hbm>> -> memref<16xi32, #tpu.memory_space<hbm>>
      tpu.enqueue_dma source(%dma_start3A_42 : memref<16xi32, #tpu.memory_space<hbm>>) target(%arg12 : memref<16xi32, #tpu.memory_space<vmem>>) target_semaphore(%run_scoped3A : memref<!tpu.dma_semaphore, #tpu.memory_space<semaphore_mem>>)
      %dma_wait3A_43 = tpu.memref_slice %arg3[%add3A_23] : memref<320000xi32, #tpu.memory_space<hbm>> -> memref<16xi32, #tpu.memory_space<hbm>>
      %dma_wait3A_44 = tpu.memref_slice %arg3[%add3A_23] : memref<320000xi32, #tpu.memory_space<hbm>> -> memref<16xi32, #tpu.memory_space<hbm>>
      tpu.wait_dma2 semaphore(%run_scoped3A : memref<!tpu.dma_semaphore, #tpu.memory_space<semaphore_mem>>) src(%dma_wait3A_44 : memref<16xi32, #tpu.memory_space<hbm>>) dst(%arg12 : memref<16xi32, #tpu.memory_space<vmem>>)
      tpu.yield
    }) : () -> ()
    "tpu.region"() ({
      %run_scoped3A = tpu.sem_alloc : memref<!tpu.dma_semaphore, #tpu.memory_space<semaphore_mem>>
      %dma_start3A_41 = tpu.memref_slice %arg4[%add3A_23] : memref<320000xi32, #tpu.memory_space<hbm>> -> memref<16xi32, #tpu.memory_space<hbm>>
      %dma_start3A_42 = tpu.memref_slice %arg4[%add3A_23] : memref<320000xi32, #tpu.memory_space<hbm>> -> memref<16xi32, #tpu.memory_space<hbm>>
      tpu.enqueue_dma source(%dma_start3A_42 : memref<16xi32, #tpu.memory_space<hbm>>) target(%arg13 : memref<16xi32, #tpu.memory_space<vmem>>) target_semaphore(%run_scoped3A : memref<!tpu.dma_semaphore, #tpu.memory_space<semaphore_mem>>)
      %dma_wait3A_43 = tpu.memref_slice %arg4[%add3A_23] : memref<320000xi32, #tpu.memory_space<hbm>> -> memref<16xi32, #tpu.memory_space<hbm>>
      %dma_wait3A_44 = tpu.memref_slice %arg4[%add3A_23] : memref<320000xi32, #tpu.memory_space<hbm>> -> memref<16xi32, #tpu.memory_space<hbm>>
      tpu.wait_dma2 semaphore(%run_scoped3A : memref<!tpu.dma_semaphore, #tpu.memory_space<semaphore_mem>>) src(%dma_wait3A_44 : memref<16xi32, #tpu.memory_space<hbm>>) dst(%arg13 : memref<16xi32, #tpu.memory_space<vmem>>)
      tpu.yield
    }) : () -> ()
    %dma_start3A_24 = arith.constant 0 : i32
    %dma_start3A_25 = arith.constant 0 : i32
    %dma_start3A_26 = tpu.memref_slice %arg14[%dma_start3A_24, %dma_start3A_25] : memref<128x128xf32, #tpu.memory_space<vmem>> -> memref<16x128xf32, #tpu.memory_space<vmem>>
    %dma_start3A_27 = arith.constant 0 : i32
    %dma_start3A_28 = arith.constant 0 : i32
    %dma_start3A_29 = tpu.memref_slice %arg2[%dma_start3A_27, %dma_start3A_28] : memref<10000x128xf32, #tpu.memory_space<hbm>> -> memref<10000x128xf32, #tpu.memory_space<hbm>>
    tpu.enqueue_indirect_dma source(%dma_start3A_29 : memref<10000x128xf32, #tpu.memory_space<hbm>>) target(%dma_start3A_26 : memref<16x128xf32, #tpu.memory_space<vmem>>) offsets(%arg12 : memref<16xi32, #tpu.memory_space<vmem>>) semaphore(%arg19 : memref<!tpu.dma_semaphore, #tpu.memory_space<semaphore_mem>>)
    %dma_wait3A = arith.constant 0 : i32
    %dma_wait3A_30 = arith.constant 0 : i32
    %dma_wait3A_31 = tpu.memref_slice %arg14[%dma_wait3A, %dma_wait3A_30] : memref<128x128xf32, #tpu.memory_space<vmem>> -> memref<16x128xf32, #tpu.memory_space<vmem>>
    %dma_wait3A_32 = arith.constant 0 : i32
    %dma_wait3A_33 = arith.constant 0 : i32
    %dma_wait3A_34 = tpu.memref_slice %arg2[%dma_wait3A_32, %dma_wait3A_33] : memref<10000x128xf32, #tpu.memory_space<hbm>> -> memref<10000x128xf32, #tpu.memory_space<hbm>>
    tpu.wait_indirect_dma semaphore(%arg19 : memref<!tpu.dma_semaphore, #tpu.memory_space<semaphore_mem>>) src(%dma_wait3A_34 : memref<10000x128xf32, #tpu.memory_space<hbm>>) dst(%dma_wait3A_31 : memref<16x128xf32, #tpu.memory_space<vmem>>)
    "tpu.region"() ({
      %run_scoped3A = tpu.sem_alloc : memref<!tpu.dma_semaphore, #tpu.memory_space<semaphore_mem>>
      %dma_start3A_41 = arith.constant 0 : i32
      %dma_start3A_42 = arith.constant 0 : i32
      %dma_start3A_43 = tpu.memref_slice %arg14[%dma_start3A_41, %dma_start3A_42] : memref<128x128xf32, #tpu.memory_space<vmem>> -> memref<16x128xf32, #tpu.memory_space<vmem>>
      %dma_start3A_44 = arith.constant 0 : i32
      %dma_start3A_45 = arith.constant 0 : i32
      %dma_start3A_46 = tpu.memref_slice %arg7[%dma_start3A_44, %dma_start3A_45] : memref<10000x128xf32, #tpu.memory_space<vmem_shared>> -> memref<10000x128xf32, #tpu.memory_space<vmem_shared>>
      tpu.enqueue_indirect_dma source(%dma_start3A_43 : memref<16x128xf32, #tpu.memory_space<vmem>>) target(%dma_start3A_46 : memref<10000x128xf32, #tpu.memory_space<vmem_shared>>) offsets(%arg13 : memref<16xi32, #tpu.memory_space<vmem>>) semaphore(%run_scoped3A : memref<!tpu.dma_semaphore, #tpu.memory_space<semaphore_mem>>) {add = true}
      %dma_wait3A_47 = arith.constant 0 : i32
      %dma_wait3A_48 = arith.constant 0 : i32
      %dma_wait3A_49 = tpu.memref_slice %arg14[%dma_wait3A_47, %dma_wait3A_48] : memref<128x128xf32, #tpu.memory_space<vmem>> -> memref<16x128xf32, #tpu.memory_space<vmem>>
      %dma_wait3A_50 = arith.constant 0 : i32
      %dma_wait3A_51 = arith.constant 0 : i32
      %dma_wait3A_52 = tpu.memref_slice %arg7[%dma_wait3A_50, %dma_wait3A_51] : memref<10000x128xf32, #tpu.memory_space<vmem_shared>> -> memref<10000x128xf32, #tpu.memory_space<vmem_shared>>
      tpu.wait_indirect_dma semaphore(%run_scoped3A : memref<!tpu.dma_semaphore, #tpu.memory_space<semaphore_mem>>) src(%dma_wait3A_49 : memref<16x128xf32, #tpu.memory_space<vmem>>) dst(%dma_wait3A_52 : memref<10000x128xf32, #tpu.memory_space<vmem_shared>>)
      tpu.yield
    }) : () -> ()
    %barrier3A_35 = arith.constant 0 : index
    tpu.barrier barrier_id(%barrier3A_35)
    %scan3A_36 = arith.constant 0 : i32
    %scan3A_37 = arith.constant 8 : i32
    %scan3A_38 = arith.addi %scan3A_36, %scan3A_37 : i32
    %scan3A_39 = arith.constant 1 : i32
    scf.for %scan3A_41 = %scan3A_36 to %scan3A_38 step %scan3A_39  : i32 {
      %mul3A_42 = arith.constant 1 : i32
      %mul3A_43 = arith.muli %scan3A_41, %mul3A_42 : i32
      %add3A_44 = arith.constant 0 : i32
      %add3A_45 = arith.addi %add3A_44, %mul3A_43 : i32
      %mul3A_46 = arith.constant 16 : i32
      %mul3A_47 = arith.muli %add3A_45, %mul3A_46 : i32
      %add3A_48 = arith.addi %arg1, %mul3A_47 : i32
      %lt3A = arith.constant 125 : i32
      %lt3A_49 = arith.cmpi slt, %add3A_48, %lt3A : i32
      %convert_element_type3A = arith.extui %lt3A_49 : i1 to i32
      %cond3A = arith.constant 0 : i32
      %cond3A_50 = arith.cmpi ne, %convert_element_type3A, %cond3A : i32
      scf.if %cond3A_50 {
        %mul3A_51 = arith.constant 80 : i32
        %mul3A_52 = arith.muli %add3A_48, %mul3A_51 : i32
        "tpu.region"() ({
          %run_scoped3A = tpu.sem_alloc : memref<!tpu.dma_semaphore, #tpu.memory_space<semaphore_mem>>
          %dma_start3A_62 = arith.constant 0 : i32
          %dma_start3A_63 = arith.constant 0 : i32
          %dma_start3A_64 = tpu.memref_slice %arg14[%dma_start3A_62, %dma_start3A_63] : memref<128x128xf32, #tpu.memory_space<vmem>> -> memref<80x128xf32, #tpu.memory_space<vmem>>
          %dma_start3A_65 = arith.constant 0 : i32
          %dma_start3A_66 = tpu.memref_slice %arg7[%mul3A_52, %dma_start3A_65] : memref<10000x128xf32, #tpu.memory_space<vmem_shared>> -> memref<80x128xf32, #tpu.memory_space<vmem_shared>>
          %dma_start3A_67 = arith.constant 0 : i32
          %dma_start3A_68 = arith.constant 0 : i32
          %dma_start3A_69 = tpu.memref_slice %arg14[%dma_start3A_67, %dma_start3A_68] : memref<128x128xf32, #tpu.memory_space<vmem>> -> memref<80x128xf32, #tpu.memory_space<vmem>>
          %dma_start3A_70 = arith.constant 0 : i32
          %dma_start3A_71 = tpu.memref_slice %arg7[%mul3A_52, %dma_start3A_70] : memref<10000x128xf32, #tpu.memory_space<vmem_shared>> -> memref<80x128xf32, #tpu.memory_space<vmem_shared>>
          tpu.enqueue_dma source(%dma_start3A_71 : memref<80x128xf32, #tpu.memory_space<vmem_shared>>) target(%dma_start3A_69 : memref<80x128xf32, #tpu.memory_space<vmem>>) target_semaphore(%run_scoped3A : memref<!tpu.dma_semaphore, #tpu.memory_space<semaphore_mem>>)
          %dma_wait3A_72 = arith.constant 0 : i32
          %dma_wait3A_73 = arith.constant 0 : i32
          %dma_wait3A_74 = tpu.memref_slice %arg14[%dma_wait3A_72, %dma_wait3A_73] : memref<128x128xf32, #tpu.memory_space<vmem>> -> memref<80x128xf32, #tpu.memory_space<vmem>>
          %dma_wait3A_75 = arith.constant 0 : i32
          %dma_wait3A_76 = tpu.memref_slice %arg7[%mul3A_52, %dma_wait3A_75] : memref<10000x128xf32, #tpu.memory_space<vmem_shared>> -> memref<80x128xf32, #tpu.memory_space<vmem_shared>>
          %dma_wait3A_77 = arith.constant 0 : i32
          %dma_wait3A_78 = arith.constant 0 : i32
          %dma_wait3A_79 = tpu.memref_slice %arg14[%dma_wait3A_77, %dma_wait3A_78] : memref<128x128xf32, #tpu.memory_space<vmem>> -> memref<80x128xf32, #tpu.memory_space<vmem>>
          %dma_wait3A_80 = arith.constant 0 : i32
          %dma_wait3A_81 = tpu.memref_slice %arg7[%mul3A_52, %dma_wait3A_80] : memref<10000x128xf32, #tpu.memory_space<vmem_shared>> -> memref<80x128xf32, #tpu.memory_space<vmem_shared>>
          tpu.wait_dma2 semaphore(%run_scoped3A : memref<!tpu.dma_semaphore, #tpu.memory_space<semaphore_mem>>) src(%dma_wait3A_81 : memref<80x128xf32, #tpu.memory_space<vmem_shared>>) dst(%dma_wait3A_79 : memref<80x128xf32, #tpu.memory_space<vmem>>)
          tpu.yield
        }) : () -> ()
        %eq3A = arith.constant 0 : i32
        %eq3A_53 = arith.cmpi eq, %arg0, %eq3A : i32
        %convert_element_type3A_54 = arith.extui %eq3A_53 : i1 to i32
        %cond3A_55 = arith.constant 0 : i32
        %cond3A_56 = arith.cmpi ne, %convert_element_type3A_54, %cond3A_55 : i32
        scf.if %cond3A_56 {
          "tpu.region"() ({
            %run_scoped3A = tpu.sem_alloc : memref<!tpu.dma_semaphore, #tpu.memory_space<semaphore_mem>>
            %dma_start3A_62 = arith.constant 0 : i32
            %dma_start3A_63 = arith.constant 0 : i32
            %dma_start3A_64 = tpu.memref_slice %arg14[%dma_start3A_62, %dma_start3A_63] : memref<128x128xf32, #tpu.memory_space<vmem>> -> memref<80x128xf32, #tpu.memory_space<vmem>>
            %dma_start3A_65 = arith.constant 0 : i32
            %dma_start3A_66 = tpu.memref_slice %arg5[%mul3A_52, %dma_start3A_65] : memref<10000x128xf32, #tpu.memory_space<hbm>> -> memref<80x128xf32, #tpu.memory_space<hbm>>
            %dma_start3A_67 = arith.constant 0 : i32
            %dma_start3A_68 = tpu.memref_slice %arg5[%mul3A_52, %dma_start3A_67] : memref<10000x128xf32, #tpu.memory_space<hbm>> -> memref<80x128xf32, #tpu.memory_space<hbm>>
            %dma_start3A_69 = arith.constant 0 : i32
            %dma_start3A_70 = arith.constant 0 : i32
            %dma_start3A_71 = tpu.memref_slice %arg14[%dma_start3A_69, %dma_start3A_70] : memref<128x128xf32, #tpu.memory_space<vmem>> -> memref<80x128xf32, #tpu.memory_space<vmem>>
            tpu.enqueue_dma source(%dma_start3A_71 : memref<80x128xf32, #tpu.memory_space<vmem>>) target(%dma_start3A_68 : memref<80x128xf32, #tpu.memory_space<hbm>>) target_semaphore(%run_scoped3A : memref<!tpu.dma_semaphore, #tpu.memory_space<semaphore_mem>>)
            %dma_wait3A_72 = arith.constant 0 : i32
            %dma_wait3A_73 = arith.constant 0 : i32
            %dma_wait3A_74 = tpu.memref_slice %arg14[%dma_wait3A_72, %dma_wait3A_73] : memref<128x128xf32, #tpu.memory_space<vmem>> -> memref<80x128xf32, #tpu.memory_space<vmem>>
            %dma_wait3A_75 = arith.constant 0 : i32
            %dma_wait3A_76 = tpu.memref_slice %arg5[%mul3A_52, %dma_wait3A_75] : memref<10000x128xf32, #tpu.memory_space<hbm>> -> memref<80x128xf32, #tpu.memory_space<hbm>>
            %dma_wait3A_77 = arith.constant 0 : i32
            %dma_wait3A_78 = tpu.memref_slice %arg5[%mul3A_52, %dma_wait3A_77] : memref<10000x128xf32, #tpu.memory_space<hbm>> -> memref<80x128xf32, #tpu.memory_space<hbm>>
            %dma_wait3A_79 = arith.constant 0 : i32
            %dma_wait3A_80 = arith.constant 0 : i32
            %dma_wait3A_81 = tpu.memref_slice %arg14[%dma_wait3A_79, %dma_wait3A_80] : memref<128x128xf32, #tpu.memory_space<vmem>> -> memref<80x128xf32, #tpu.memory_space<vmem>>
            tpu.wait_dma2 semaphore(%run_scoped3A : memref<!tpu.dma_semaphore, #tpu.memory_space<semaphore_mem>>) src(%dma_wait3A_81 : memref<80x128xf32, #tpu.memory_space<vmem>>) dst(%dma_wait3A_78 : memref<80x128xf32, #tpu.memory_space<hbm>>)
            tpu.yield
          }) : () -> ()
        } else {
        }
        %eq3A_57 = arith.constant 1 : i32
        %eq3A_58 = arith.cmpi eq, %arg0, %eq3A_57 : i32
        %convert_element_type3A_59 = arith.extui %eq3A_58 : i1 to i32
        %cond3A_60 = arith.constant 0 : i32
        %cond3A_61 = arith.cmpi ne, %convert_element_type3A_59, %cond3A_60 : i32
        scf.if %cond3A_61 {
          "tpu.region"() ({
            %run_scoped3A = tpu.sem_alloc : memref<!tpu.dma_semaphore, #tpu.memory_space<semaphore_mem>>
            %dma_start3A_62 = arith.constant 0 : i32
            %dma_start3A_63 = arith.constant 0 : i32
            %dma_start3A_64 = tpu.memref_slice %arg14[%dma_start3A_62, %dma_start3A_63] : memref<128x128xf32, #tpu.memory_space<vmem>> -> memref<80x128xf32, #tpu.memory_space<vmem>>
            %dma_start3A_65 = arith.constant 0 : i32
            %dma_start3A_66 = tpu.memref_slice %arg6[%mul3A_52, %dma_start3A_65] : memref<10000x128xf32, #tpu.memory_space<hbm>> -> memref<80x128xf32, #tpu.memory_space<hbm>>
            %dma_start3A_67 = arith.constant 0 : i32
            %dma_start3A_68 = tpu.memref_slice %arg6[%mul3A_52, %dma_start3A_67] : memref<10000x128xf32, #tpu.memory_space<hbm>> -> memref<80x128xf32, #tpu.memory_space<hbm>>
            %dma_start3A_69 = arith.constant 0 : i32
            %dma_start3A_70 = arith.constant 0 : i32
            %dma_start3A_71 = tpu.memref_slice %arg14[%dma_start3A_69, %dma_start3A_70] : memref<128x128xf32, #tpu.memory_space<vmem>> -> memref<80x128xf32, #tpu.memory_space<vmem>>
            tpu.enqueue_dma source(%dma_start3A_71 : memref<80x128xf32, #tpu.memory_space<vmem>>) target(%dma_start3A_68 : memref<80x128xf32, #tpu.memory_space<hbm>>) target_semaphore(%run_scoped3A : memref<!tpu.dma_semaphore, #tpu.memory_space<semaphore_mem>>)
            %dma_wait3A_72 = arith.constant 0 : i32
            %dma_wait3A_73 = arith.constant 0 : i32
            %dma_wait3A_74 = tpu.memref_slice %arg14[%dma_wait3A_72, %dma_wait3A_73] : memref<128x128xf32, #tpu.memory_space<vmem>> -> memref<80x128xf32, #tpu.memory_space<vmem>>
            %dma_wait3A_75 = arith.constant 0 : i32
            %dma_wait3A_76 = tpu.memref_slice %arg6[%mul3A_52, %dma_wait3A_75] : memref<10000x128xf32, #tpu.memory_space<hbm>> -> memref<80x128xf32, #tpu.memory_space<hbm>>
            %dma_wait3A_77 = arith.constant 0 : i32
            %dma_wait3A_78 = tpu.memref_slice %arg6[%mul3A_52, %dma_wait3A_77] : memref<10000x128xf32, #tpu.memory_space<hbm>> -> memref<80x128xf32, #tpu.memory_space<hbm>>
            %dma_wait3A_79 = arith.constant 0 : i32
            %dma_wait3A_80 = arith.constant 0 : i32
            %dma_wait3A_81 = tpu.memref_slice %arg14[%dma_wait3A_79, %dma_wait3A_80] : memref<128x128xf32, #tpu.memory_space<vmem>> -> memref<80x128xf32, #tpu.memory_space<vmem>>
            tpu.wait_dma2 semaphore(%run_scoped3A : memref<!tpu.dma_semaphore, #tpu.memory_space<semaphore_mem>>) src(%dma_wait3A_81 : memref<80x128xf32, #tpu.memory_space<vmem>>) dst(%dma_wait3A_78 : memref<80x128xf32, #tpu.memory_space<hbm>>)
            tpu.yield
          }) : () -> ()
        } else {
        }
      } else {
      }
    }
    %scan3A_40 = arith.constant 8 : i32
    return
  }
}

#map = affine_map<(d0, d1) -> (0)>
#map1 = affine_map<(d0, d1) -> (0, 0)>
module attributes {stable_mosaic.version = 14 : i64} {
  func.func @_sc_deg_body(%arg0: i32, %arg1: i32, %arg2: memref<320000xi32, #tpu.memory_space<hbm>>, %arg3: memref<10000x128xf32, #tpu.memory_space<hbm>>, %arg4: memref<10000x128xf32, #tpu.memory_space<hbm>>, %arg5: memref<10000x128xf32, #tpu.memory_space<vmem_shared>>, %arg6: memref<128xi32, #tpu.memory_space<vmem>>, %arg7: memref<128xi32, #tpu.memory_space<vmem>>, %arg8: memref<16xi32, #tpu.memory_space<vmem>>, %arg9: memref<128x128xf32, #tpu.memory_space<vmem>>, %arg10: memref<!tpu.dma_semaphore, #tpu.memory_space<semaphore_mem>>, %arg11: memref<!tpu.dma_semaphore, #tpu.memory_space<semaphore_mem>>) attributes {dimension_semantics = [#tpu.dimension_semantics<core_parallel>, #tpu.dimension_semantics<subcore_parallel>], iteration_bounds = array<i64: 2, 16>, scalar_prefetch = 0 : i64, scratch_operands = 7 : i64, tpu.core_type = #tpu.core_type<sc_vector_subcore>, window_params = [{transform_indices = #map}, {transform_indices = #map1}, {transform_indices = #map1}]} {
    %scan3A = arith.constant 0 : i32
    %scan3A_0 = arith.constant 80 : i32
    %scan3A_1 = arith.addi %scan3A, %scan3A_0 : i32
    %scan3A_2 = arith.constant 1 : i32
    scf.for %scan3A_33 = %scan3A to %scan3A_1 step %scan3A_2  : i32 {
      %mul3A_34 = arith.constant 1 : i32
      %mul3A_35 = arith.muli %scan3A_33, %mul3A_34 : i32
      %add3A_36 = arith.constant 0 : i32
      %add3A_37 = arith.addi %add3A_36, %mul3A_35 : i32
      %scan3A_38 = arith.constant 0 : i32
      %scan3A_39 = arith.constant 8 : i32
      %scan3A_40 = arith.addi %scan3A_38, %scan3A_39 : i32
      %scan3A_41 = arith.constant 1 : i32
      scf.for %scan3A_43 = %scan3A_38 to %scan3A_40 step %scan3A_41  : i32 {
        %mul3A_44 = arith.constant 1 : i32
        %mul3A_45 = arith.muli %scan3A_43, %mul3A_44 : i32
        %add3A_46 = arith.constant 0 : i32
        %add3A_47 = arith.addi %add3A_46, %mul3A_45 : i32
        %broadcast_in_dim3A = arith.constant 0.000000e+00 : f32
        %broadcast_in_dim3A_48 = vector.broadcast %broadcast_in_dim3A : f32 to vector<16xf32>
        %mul3A_49 = arith.constant 16 : i32
        %mul3A_50 = arith.muli %add3A_47, %mul3A_49 : i32
        %swap3A = arith.index_cast %add3A_37 : i32 to index
        %swap3A_51 = arith.index_cast %mul3A_50 : i32 to index
        %swap3A_52 = tpu.vector_load %arg9[%swap3A, %swap3A_51] {strides = array<i32>} : memref<128x128xf32, #tpu.memory_space<vmem>>, vector<1x16xf32>,
        %swap3A_53 = vector.shape_cast %swap3A_52 : vector<1x16xf32> to vector<16xf32>
        %swap3A_54 = vector.shape_cast %broadcast_in_dim3A_48 : vector<16xf32> to vector<1x16xf32>
        tpu.vector_store %arg9[%swap3A, %swap3A_51], %swap3A_54 {strides = array<i32>} : memref<128x128xf32, #tpu.memory_space<vmem>>, vector<1x16xf32>,
      }
      %scan3A_42 = arith.constant 8 : i32
    }
    %scan3A_3 = arith.constant 80 : i32
    %scan3A_4 = arith.constant 0 : i32
    %scan3A_5 = arith.constant 8 : i32
    %scan3A_6 = arith.addi %scan3A_4, %scan3A_5 : i32
    %scan3A_7 = arith.constant 1 : i32
    scf.for %scan3A_33 = %scan3A_4 to %scan3A_6 step %scan3A_7  : i32 {
      %mul3A_34 = arith.constant 1 : i32
      %mul3A_35 = arith.muli %scan3A_33, %mul3A_34 : i32
      %add3A_36 = arith.constant 0 : i32
      %add3A_37 = arith.addi %add3A_36, %mul3A_35 : i32
      %mul3A_38 = arith.constant 16 : i32
      %mul3A_39 = arith.muli %add3A_37, %mul3A_38 : i32
      %add3A_40 = arith.addi %arg1, %mul3A_39 : i32
      %lt3A = arith.constant 125 : i32
      %lt3A_41 = arith.cmpi slt, %add3A_40, %lt3A : i32
      %convert_element_type3A = arith.extui %lt3A_41 : i1 to i32
      %cond3A = arith.constant 0 : i32
      %cond3A_42 = arith.cmpi ne, %convert_element_type3A, %cond3A : i32
      scf.if %cond3A_42 {
        %mul3A_43 = arith.constant 80 : i32
        %mul3A_44 = arith.muli %add3A_40, %mul3A_43 : i32
        "tpu.region"() ({
          %run_scoped3A = tpu.sem_alloc : memref<!tpu.dma_semaphore, #tpu.memory_space<semaphore_mem>>
          %dma_start3A_45 = arith.constant 0 : i32
          %dma_start3A_46 = arith.constant 0 : i32
          %dma_start3A_47 = tpu.memref_slice %arg9[%dma_start3A_45, %dma_start3A_46] : memref<128x128xf32, #tpu.memory_space<vmem>> -> memref<80x128xf32, #tpu.memory_space<vmem>>
          %dma_start3A_48 = arith.constant 0 : i32
          %dma_start3A_49 = tpu.memref_slice %arg5[%mul3A_44, %dma_start3A_48] : memref<10000x128xf32, #tpu.memory_space<vmem_shared>> -> memref<80x128xf32, #tpu.memory_space<vmem_shared>>
          %dma_start3A_50 = arith.constant 0 : i32
          %dma_start3A_51 = tpu.memref_slice %arg5[%mul3A_44, %dma_start3A_50] : memref<10000x128xf32, #tpu.memory_space<vmem_shared>> -> memref<80x128xf32, #tpu.memory_space<vmem_shared>>
          %dma_start3A_52 = arith.constant 0 : i32
          %dma_start3A_53 = arith.constant 0 : i32
          %dma_start3A_54 = tpu.memref_slice %arg9[%dma_start3A_52, %dma_start3A_53] : memref<128x128xf32, #tpu.memory_space<vmem>> -> memref<80x128xf32, #tpu.memory_space<vmem>>
          tpu.enqueue_dma source(%dma_start3A_54 : memref<80x128xf32, #tpu.memory_space<vmem>>) target(%dma_start3A_51 : memref<80x128xf32, #tpu.memory_space<vmem_shared>>) target_semaphore(%run_scoped3A : memref<!tpu.dma_semaphore, #tpu.memory_space<semaphore_mem>>)
          %dma_wait3A = arith.constant 0 : i32
          %dma_wait3A_55 = arith.constant 0 : i32
          %dma_wait3A_56 = tpu.memref_slice %arg9[%dma_wait3A, %dma_wait3A_55] : memref<128x128xf32, #tpu.memory_space<vmem>> -> memref<80x128xf32, #tpu.memory_space<vmem>>
          %dma_wait3A_57 = arith.constant 0 : i32
          %dma_wait3A_58 = tpu.memref_slice %arg5[%mul3A_44, %dma_wait3A_57] : memref<10000x128xf32, #tpu.memory_space<vmem_shared>> -> memref<80x128xf32, #tpu.memory_space<vmem_shared>>
          %dma_wait3A_59 = arith.constant 0 : i32
          %dma_wait3A_60 = tpu.memref_slice %arg5[%mul3A_44, %dma_wait3A_59] : memref<10000x128xf32, #tpu.memory_space<vmem_shared>> -> memref<80x128xf32, #tpu.memory_space<vmem_shared>>
          %dma_wait3A_61 = arith.constant 0 : i32
          %dma_wait3A_62 = arith.constant 0 : i32
          %dma_wait3A_63 = tpu.memref_slice %arg9[%dma_wait3A_61, %dma_wait3A_62] : memref<128x128xf32, #tpu.memory_space<vmem>> -> memref<80x128xf32, #tpu.memory_space<vmem>>
          tpu.wait_dma2 semaphore(%run_scoped3A : memref<!tpu.dma_semaphore, #tpu.memory_space<semaphore_mem>>) src(%dma_wait3A_63 : memref<80x128xf32, #tpu.memory_space<vmem>>) dst(%dma_wait3A_60 : memref<80x128xf32, #tpu.memory_space<vmem_shared>>)
          tpu.yield
        }) : () -> ()
      } else {
      }
    }
    %scan3A_8 = arith.constant 8 : i32
    %barrier3A = arith.constant 0 : index
    tpu.barrier barrier_id(%barrier3A)
    %scan3A_9 = arith.constant 0 : i32
    %scan3A_10 = arith.constant 128 : i32
    %scan3A_11 = arith.addi %scan3A_9, %scan3A_10 : i32
    %scan3A_12 = arith.constant 1 : i32
    scf.for %scan3A_33 = %scan3A_9 to %scan3A_11 step %scan3A_12  : i32 {
      %mul3A_34 = arith.constant 1 : i32
      %mul3A_35 = arith.muli %scan3A_33, %mul3A_34 : i32
      %add3A_36 = arith.constant 0 : i32
      %add3A_37 = arith.addi %add3A_36, %mul3A_35 : i32
      %scan3A_38 = arith.constant 0 : i32
      %scan3A_39 = arith.constant 8 : i32
      %scan3A_40 = arith.addi %scan3A_38, %scan3A_39 : i32
      %scan3A_41 = arith.constant 1 : i32
      scf.for %scan3A_43 = %scan3A_38 to %scan3A_40 step %scan3A_41  : i32 {
        %mul3A_44 = arith.constant 1 : i32
        %mul3A_45 = arith.muli %scan3A_43, %mul3A_44 : i32
        %add3A_46 = arith.constant 0 : i32
        %add3A_47 = arith.addi %add3A_46, %mul3A_45 : i32
        %broadcast_in_dim3A = arith.constant 1.000000e+00 : f32
        %broadcast_in_dim3A_48 = vector.broadcast %broadcast_in_dim3A : f32 to vector<16xf32>
        %mul3A_49 = arith.constant 16 : i32
        %mul3A_50 = arith.muli %add3A_47, %mul3A_49 : i32
        %swap3A = arith.index_cast %add3A_37 : i32 to index
        %swap3A_51 = arith.index_cast %mul3A_50 : i32 to index
        %swap3A_52 = tpu.vector_load %arg9[%swap3A, %swap3A_51] {strides = array<i32>} : memref<128x128xf32, #tpu.memory_space<vmem>>, vector<1x16xf32>,
        %swap3A_53 = vector.shape_cast %swap3A_52 : vector<1x16xf32> to vector<16xf32>
        %swap3A_54 = vector.shape_cast %broadcast_in_dim3A_48 : vector<16xf32> to vector<1x16xf32>
        tpu.vector_store %arg9[%swap3A, %swap3A_51], %swap3A_54 {strides = array<i32>} : memref<128x128xf32, #tpu.memory_space<vmem>>, vector<1x16xf32>,
      }
      %scan3A_42 = arith.constant 8 : i32
    }
    %scan3A_13 = arith.constant 128 : i32
    %mul3A = arith.constant 160000 : i32
    %mul3A_14 = arith.muli %arg0, %mul3A : i32
    %mul3A_15 = arith.constant 10000 : i32
    %mul3A_16 = arith.muli %arg1, %mul3A_15 : i32
    %add3A = arith.addi %mul3A_14, %mul3A_16 : i32
    %add3A_17 = arith.constant 0 : i32
    %add3A_18 = arith.addi %add3A, %add3A_17 : i32
    %dma_start3A = tpu.memref_slice %arg2[%add3A_18] : memref<320000xi32, #tpu.memory_space<hbm>> -> memref<128xi32, #tpu.memory_space<hbm>>
    %dma_start3A_19 = tpu.memref_slice %arg2[%add3A_18] : memref<320000xi32, #tpu.memory_space<hbm>> -> memref<128xi32, #tpu.memory_space<hbm>>
    tpu.enqueue_dma source(%dma_start3A_19 : memref<128xi32, #tpu.memory_space<hbm>>) target(%arg6 : memref<128xi32, #tpu.memory_space<vmem>>) target_semaphore(%arg10 : memref<!tpu.dma_semaphore, #tpu.memory_space<semaphore_mem>>)
    %scan3A_20 = arith.constant 0 : i32
    %scan3A_21 = arith.constant 39 : i32
    %scan3A_22 = arith.addi %scan3A_20, %scan3A_21 : i32
    %scan3A_23 = arith.constant 1 : i32
    scf.for %scan3A_33 = %scan3A_20 to %scan3A_22 step %scan3A_23  : i32 {
      %mul3A_34 = arith.constant 1 : i32
      %mul3A_35 = arith.muli %scan3A_33, %mul3A_34 : i32
      %add3A_36 = arith.constant 0 : i32
      %add3A_37 = arith.addi %add3A_36, %mul3A_35 : i32
      %mul3A_38 = arith.constant 2 : i32
      %mul3A_39 = arith.muli %mul3A_38, %add3A_37 : i32
      %add3A_40 = arith.constant 1 : i32
      %add3A_41 = arith.addi %mul3A_39, %add3A_40 : i32
      %mul3A_42 = arith.constant 128 : i32
      %mul3A_43 = arith.muli %add3A_41, %mul3A_42 : i32
      %add3A_44 = arith.addi %add3A, %mul3A_43 : i32
      %dma_start3A_45 = tpu.memref_slice %arg2[%add3A_44] : memref<320000xi32, #tpu.memory_space<hbm>> -> memref<128xi32, #tpu.memory_space<hbm>>
      %dma_start3A_46 = tpu.memref_slice %arg2[%add3A_44] : memref<320000xi32, #tpu.memory_space<hbm>> -> memref<128xi32, #tpu.memory_space<hbm>>
      tpu.enqueue_dma source(%dma_start3A_46 : memref<128xi32, #tpu.memory_space<hbm>>) target(%arg7 : memref<128xi32, #tpu.memory_space<vmem>>) target_semaphore(%arg11 : memref<!tpu.dma_semaphore, #tpu.memory_space<semaphore_mem>>)
      %mul3A_47 = arith.constant 128 : i32
      %mul3A_48 = arith.muli %mul3A_39, %mul3A_47 : i32
      %add3A_49 = arith.addi %add3A, %mul3A_48 : i32
      %dma_wait3A = tpu.memref_slice %arg2[%add3A_49] : memref<320000xi32, #tpu.memory_space<hbm>> -> memref<128xi32, #tpu.memory_space<hbm>>
      %dma_wait3A_50 = tpu.memref_slice %arg2[%add3A_49] : memref<320000xi32, #tpu.memory_space<hbm>> -> memref<128xi32, #tpu.memory_space<hbm>>
      tpu.wait_dma2 semaphore(%arg10 : memref<!tpu.dma_semaphore, #tpu.memory_space<semaphore_mem>>) src(%dma_wait3A_50 : memref<128xi32, #tpu.memory_space<hbm>>) dst(%arg6 : memref<128xi32, #tpu.memory_space<vmem>>)
      "tpu.region"() ({
        %run_scoped3A = tpu.sem_alloc : memref<!tpu.dma_semaphore, #tpu.memory_space<semaphore_mem>>
        %dma_start3A_62 = arith.constant 0 : i32
        %dma_start3A_63 = arith.constant 0 : i32
        %dma_start3A_64 = tpu.memref_slice %arg5[%dma_start3A_62, %dma_start3A_63] : memref<10000x128xf32, #tpu.memory_space<vmem_shared>> -> memref<10000x128xf32, #tpu.memory_space<vmem_shared>>
        tpu.enqueue_indirect_dma source(%arg9 : memref<128x128xf32, #tpu.memory_space<vmem>>) target(%dma_start3A_64 : memref<10000x128xf32, #tpu.memory_space<vmem_shared>>) offsets(%arg6 : memref<128xi32, #tpu.memory_space<vmem>>) semaphore(%run_scoped3A : memref<!tpu.dma_semaphore, #tpu.memory_space<semaphore_mem>>) {add = true}
        %dma_wait3A_65 = arith.constant 0 : i32
        %dma_wait3A_66 = arith.constant 0 : i32
        %dma_wait3A_67 = tpu.memref_slice %arg5[%dma_wait3A_65, %dma_wait3A_66] : memref<10000x128xf32, #tpu.memory_space<vmem_shared>> -> memref<10000x128xf32, #tpu.memory_space<vmem_shared>>
        tpu.wait_indirect_dma semaphore(%run_scoped3A : memref<!tpu.dma_semaphore, #tpu.memory_space<semaphore_mem>>) src(%arg9 : memref<128x128xf32, #tpu.memory_space<vmem>>) dst(%dma_wait3A_67 : memref<10000x128xf32, #tpu.memory_space<vmem_shared>>)
        tpu.yield
      }) : () -> ()
      %add3A_51 = arith.constant 2 : i32
      %add3A_52 = arith.addi %mul3A_39, %add3A_51 : i32
      %lt3A = arith.constant 78 : i32
      %lt3A_53 = arith.cmpi slt, %add3A_52, %lt3A : i32
      %convert_element_type3A = arith.extui %lt3A_53 : i1 to i32
      %cond3A = arith.constant 0 : i32
      %cond3A_54 = arith.cmpi ne, %convert_element_type3A, %cond3A : i32
      scf.if %cond3A_54 {
        %add3A_62 = arith.constant 2 : i32
        %add3A_63 = arith.addi %mul3A_39, %add3A_62 : i32
        %mul3A_64 = arith.constant 128 : i32
        %mul3A_65 = arith.muli %add3A_63, %mul3A_64 : i32
        %add3A_66 = arith.addi %add3A, %mul3A_65 : i32
        %dma_start3A_67 = tpu.memref_slice %arg2[%add3A_66] : memref<320000xi32, #tpu.memory_space<hbm>> -> memref<128xi32, #tpu.memory_space<hbm>>
        %dma_start3A_68 = tpu.memref_slice %arg2[%add3A_66] : memref<320000xi32, #tpu.memory_space<hbm>> -> memref<128xi32, #tpu.memory_space<hbm>>
        tpu.enqueue_dma source(%dma_start3A_68 : memref<128xi32, #tpu.memory_space<hbm>>) target(%arg6 : memref<128xi32, #tpu.memory_space<vmem>>) target_semaphore(%arg10 : memref<!tpu.dma_semaphore, #tpu.memory_space<semaphore_mem>>)
      } else {
      }
      %add3A_55 = arith.constant 1 : i32
      %add3A_56 = arith.addi %mul3A_39, %add3A_55 : i32
      %mul3A_57 = arith.constant 128 : i32
      %mul3A_58 = arith.muli %add3A_56, %mul3A_57 : i32
      %add3A_59 = arith.addi %add3A, %mul3A_58 : i32
      %dma_wait3A_60 = tpu.memref_slice %arg2[%add3A_59] : memref<320000xi32, #tpu.memory_space<hbm>> -> memref<128xi32, #tpu.memory_space<hbm>>
      %dma_wait3A_61 = tpu.memref_slice %arg2[%add3A_59] : memref<320000xi32, #tpu.memory_space<hbm>> -> memref<128xi32, #tpu.memory_space<hbm>>
      tpu.wait_dma2 semaphore(%arg11 : memref<!tpu.dma_semaphore, #tpu.memory_space<semaphore_mem>>) src(%dma_wait3A_61 : memref<128xi32, #tpu.memory_space<hbm>>) dst(%arg7 : memref<128xi32, #tpu.memory_space<vmem>>)
      "tpu.region"() ({
        %run_scoped3A = tpu.sem_alloc : memref<!tpu.dma_semaphore, #tpu.memory_space<semaphore_mem>>
        %dma_start3A_62 = arith.constant 0 : i32
        %dma_start3A_63 = arith.constant 0 : i32
        %dma_start3A_64 = tpu.memref_slice %arg5[%dma_start3A_62, %dma_start3A_63] : memref<10000x128xf32, #tpu.memory_space<vmem_shared>> -> memref<10000x128xf32, #tpu.memory_space<vmem_shared>>
        tpu.enqueue_indirect_dma source(%arg9 : memref<128x128xf32, #tpu.memory_space<vmem>>) target(%dma_start3A_64 : memref<10000x128xf32, #tpu.memory_space<vmem_shared>>) offsets(%arg7 : memref<128xi32, #tpu.memory_space<vmem>>) semaphore(%run_scoped3A : memref<!tpu.dma_semaphore, #tpu.memory_space<semaphore_mem>>) {add = true}
        %dma_wait3A_65 = arith.constant 0 : i32
        %dma_wait3A_66 = arith.constant 0 : i32
        %dma_wait3A_67 = tpu.memref_slice %arg5[%dma_wait3A_65, %dma_wait3A_66] : memref<10000x128xf32, #tpu.memory_space<vmem_shared>> -> memref<10000x128xf32, #tpu.memory_space<vmem_shared>>
        tpu.wait_indirect_dma semaphore(%run_scoped3A : memref<!tpu.dma_semaphore, #tpu.memory_space<semaphore_mem>>) src(%arg9 : memref<128x128xf32, #tpu.memory_space<vmem>>) dst(%dma_wait3A_67 : memref<10000x128xf32, #tpu.memory_space<vmem_shared>>)
        tpu.yield
      }) : () -> ()
    }
    %scan3A_24 = arith.constant 39 : i32
    %add3A_25 = arith.constant 9984 : i32
    %add3A_26 = arith.addi %add3A, %add3A_25 : i32
    "tpu.region"() ({
      %run_scoped3A = tpu.sem_alloc : memref<!tpu.dma_semaphore, #tpu.memory_space<semaphore_mem>>
      %dma_start3A_33 = tpu.memref_slice %arg2[%add3A_26] : memref<320000xi32, #tpu.memory_space<hbm>> -> memref<16xi32, #tpu.memory_space<hbm>>
      %dma_start3A_34 = tpu.memref_slice %arg2[%add3A_26] : memref<320000xi32, #tpu.memory_space<hbm>> -> memref<16xi32, #tpu.memory_space<hbm>>
      tpu.enqueue_dma source(%dma_start3A_34 : memref<16xi32, #tpu.memory_space<hbm>>) target(%arg8 : memref<16xi32, #tpu.memory_space<vmem>>) target_semaphore(%run_scoped3A : memref<!tpu.dma_semaphore, #tpu.memory_space<semaphore_mem>>)
      %dma_wait3A = tpu.memref_slice %arg2[%add3A_26] : memref<320000xi32, #tpu.memory_space<hbm>> -> memref<16xi32, #tpu.memory_space<hbm>>
      %dma_wait3A_35 = tpu.memref_slice %arg2[%add3A_26] : memref<320000xi32, #tpu.memory_space<hbm>> -> memref<16xi32, #tpu.memory_space<hbm>>
      tpu.wait_dma2 semaphore(%run_scoped3A : memref<!tpu.dma_semaphore, #tpu.memory_space<semaphore_mem>>) src(%dma_wait3A_35 : memref<16xi32, #tpu.memory_space<hbm>>) dst(%arg8 : memref<16xi32, #tpu.memory_space<vmem>>)
      tpu.yield
    }) : () -> ()
    "tpu.region"() ({
      %run_scoped3A = tpu.sem_alloc : memref<!tpu.dma_semaphore, #tpu.memory_space<semaphore_mem>>
      %dma_start3A_33 = arith.constant 0 : i32
      %dma_start3A_34 = arith.constant 0 : i32
      %dma_start3A_35 = tpu.memref_slice %arg9[%dma_start3A_33, %dma_start3A_34] : memref<128x128xf32, #tpu.memory_space<vmem>> -> memref<16x128xf32, #tpu.memory_space<vmem>>
      %dma_start3A_36 = arith.constant 0 : i32
      %dma_start3A_37 = arith.constant 0 : i32
      %dma_start3A_38 = tpu.memref_slice %arg5[%dma_start3A_36, %dma_start3A_37] : memref<10000x128xf32, #tpu.memory_space<vmem_shared>> -> memref<10000x128xf32, #tpu.memory_space<vmem_shared>>
      tpu.enqueue_indirect_dma source(%dma_start3A_35 : memref<16x128xf32, #tpu.memory_space<vmem>>) target(%dma_start3A_38 : memref<10000x128xf32, #tpu.memory_space<vmem_shared>>) offsets(%arg8 : memref<16xi32, #tpu.memory_space<vmem>>) semaphore(%run_scoped3A : memref<!tpu.dma_semaphore, #tpu.memory_space<semaphore_mem>>) {add = true}
      %dma_wait3A = arith.constant 0 : i32
      %dma_wait3A_39 = arith.constant 0 : i32
      %dma_wait3A_40 = tpu.memref_slice %arg9[%dma_wait3A, %dma_wait3A_39] : memref<128x128xf32, #tpu.memory_space<vmem>> -> memref<16x128xf32, #tpu.memory_space<vmem>>
      %dma_wait3A_41 = arith.constant 0 : i32
      %dma_wait3A_42 = arith.constant 0 : i32
      %dma_wait3A_43 = tpu.memref_slice %arg5[%dma_wait3A_41, %dma_wait3A_42] : memref<10000x128xf32, #tpu.memory_space<vmem_shared>> -> memref<10000x128xf32, #tpu.memory_space<vmem_shared>>
      tpu.wait_indirect_dma semaphore(%run_scoped3A : memref<!tpu.dma_semaphore, #tpu.memory_space<semaphore_mem>>) src(%dma_wait3A_40 : memref<16x128xf32, #tpu.memory_space<vmem>>) dst(%dma_wait3A_43 : memref<10000x128xf32, #tpu.memory_space<vmem_shared>>)
      tpu.yield
    }) : () -> ()
    %barrier3A_27 = arith.constant 0 : index
    tpu.barrier barrier_id(%barrier3A_27)
    %scan3A_28 = arith.constant 0 : i32
    %scan3A_29 = arith.constant 8 : i32
    %scan3A_30 = arith.addi %scan3A_28, %scan3A_29 : i32
    %scan3A_31 = arith.constant 1 : i32
    scf.for %scan3A_33 = %scan3A_28 to %scan3A_30 step %scan3A_31  : i32 {
      %mul3A_34 = arith.constant 1 : i32
      %mul3A_35 = arith.muli %scan3A_33, %mul3A_34 : i32
      %add3A_36 = arith.constant 0 : i32
      %add3A_37 = arith.addi %add3A_36, %mul3A_35 : i32
      %mul3A_38 = arith.constant 16 : i32
      %mul3A_39 = arith.muli %add3A_37, %mul3A_38 : i32
      %add3A_40 = arith.addi %arg1, %mul3A_39 : i32
      %lt3A = arith.constant 125 : i32
      %lt3A_41 = arith.cmpi slt, %add3A_40, %lt3A : i32
      %convert_element_type3A = arith.extui %lt3A_41 : i1 to i32
      %cond3A = arith.constant 0 : i32
      %cond3A_42 = arith.cmpi ne, %convert_element_type3A, %cond3A : i32
      scf.if %cond3A_42 {
        %mul3A_43 = arith.constant 80 : i32
        %mul3A_44 = arith.muli %add3A_40, %mul3A_43 : i32
        "tpu.region"() ({
          %run_scoped3A = tpu.sem_alloc : memref<!tpu.dma_semaphore, #tpu.memory_space<semaphore_mem>>
          %dma_start3A_54 = arith.constant 0 : i32
          %dma_start3A_55 = arith.constant 0 : i32
          %dma_start3A_56 = tpu.memref_slice %arg9[%dma_start3A_54, %dma_start3A_55] : memref<128x128xf32, #tpu.memory_space<vmem>> -> memref<80x128xf32, #tpu.memory_space<vmem>>
          %dma_start3A_57 = arith.constant 0 : i32
          %dma_start3A_58 = tpu.memref_slice %arg5[%mul3A_44, %dma_start3A_57] : memref<10000x128xf32, #tpu.memory_space<vmem_shared>> -> memref<80x128xf32, #tpu.memory_space<vmem_shared>>
          %dma_start3A_59 = arith.constant 0 : i32
          %dma_start3A_60 = arith.constant 0 : i32
          %dma_start3A_61 = tpu.memref_slice %arg9[%dma_start3A_59, %dma_start3A_60] : memref<128x128xf32, #tpu.memory_space<vmem>> -> memref<80x128xf32, #tpu.memory_space<vmem>>
          %dma_start3A_62 = arith.constant 0 : i32
          %dma_start3A_63 = tpu.memref_slice %arg5[%mul3A_44, %dma_start3A_62] : memref<10000x128xf32, #tpu.memory_space<vmem_shared>> -> memref<80x128xf32, #tpu.memory_space<vmem_shared>>
          tpu.enqueue_dma source(%dma_start3A_63 : memref<80x128xf32, #tpu.memory_space<vmem_shared>>) target(%dma_start3A_61 : memref<80x128xf32, #tpu.memory_space<vmem>>) target_semaphore(%run_scoped3A : memref<!tpu.dma_semaphore, #tpu.memory_space<semaphore_mem>>)
          %dma_wait3A = arith.constant 0 : i32
          %dma_wait3A_64 = arith.constant 0 : i32
          %dma_wait3A_65 = tpu.memref_slice %arg9[%dma_wait3A, %dma_wait3A_64] : memref<128x128xf32, #tpu.memory_space<vmem>> -> memref<80x128xf32, #tpu.memory_space<vmem>>
          %dma_wait3A_66 = arith.constant 0 : i32
          %dma_wait3A_67 = tpu.memref_slice %arg5[%mul3A_44, %dma_wait3A_66] : memref<10000x128xf32, #tpu.memory_space<vmem_shared>> -> memref<80x128xf32, #tpu.memory_space<vmem_shared>>
          %dma_wait3A_68 = arith.constant 0 : i32
          %dma_wait3A_69 = arith.constant 0 : i32
          %dma_wait3A_70 = tpu.memref_slice %arg9[%dma_wait3A_68, %dma_wait3A_69] : memref<128x128xf32, #tpu.memory_space<vmem>> -> memref<80x128xf32, #tpu.memory_space<vmem>>
          %dma_wait3A_71 = arith.constant 0 : i32
          %dma_wait3A_72 = tpu.memref_slice %arg5[%mul3A_44, %dma_wait3A_71] : memref<10000x128xf32, #tpu.memory_space<vmem_shared>> -> memref<80x128xf32, #tpu.memory_space<vmem_shared>>
          tpu.wait_dma2 semaphore(%run_scoped3A : memref<!tpu.dma_semaphore, #tpu.memory_space<semaphore_mem>>) src(%dma_wait3A_72 : memref<80x128xf32, #tpu.memory_space<vmem_shared>>) dst(%dma_wait3A_70 : memref<80x128xf32, #tpu.memory_space<vmem>>)
          tpu.yield
        }) : () -> ()
        %eq3A = arith.constant 0 : i32
        %eq3A_45 = arith.cmpi eq, %arg0, %eq3A : i32
        %convert_element_type3A_46 = arith.extui %eq3A_45 : i1 to i32
        %cond3A_47 = arith.constant 0 : i32
        %cond3A_48 = arith.cmpi ne, %convert_element_type3A_46, %cond3A_47 : i32
        scf.if %cond3A_48 {
          "tpu.region"() ({
            %run_scoped3A = tpu.sem_alloc : memref<!tpu.dma_semaphore, #tpu.memory_space<semaphore_mem>>
            %dma_start3A_54 = arith.constant 0 : i32
            %dma_start3A_55 = arith.constant 0 : i32
            %dma_start3A_56 = tpu.memref_slice %arg9[%dma_start3A_54, %dma_start3A_55] : memref<128x128xf32, #tpu.memory_space<vmem>> -> memref<80x128xf32, #tpu.memory_space<vmem>>
            %dma_start3A_57 = arith.constant 0 : i32
            %dma_start3A_58 = tpu.memref_slice %arg3[%mul3A_44, %dma_start3A_57] : memref<10000x128xf32, #tpu.memory_space<hbm>> -> memref<80x128xf32, #tpu.memory_space<hbm>>
            %dma_start3A_59 = arith.constant 0 : i32
            %dma_start3A_60 = tpu.memref_slice %arg3[%mul3A_44, %dma_start3A_59] : memref<10000x128xf32, #tpu.memory_space<hbm>> -> memref<80x128xf32, #tpu.memory_space<hbm>>
            %dma_start3A_61 = arith.constant 0 : i32
            %dma_start3A_62 = arith.constant 0 : i32
            %dma_start3A_63 = tpu.memref_slice %arg9[%dma_start3A_61, %dma_start3A_62] : memref<128x128xf32, #tpu.memory_space<vmem>> -> memref<80x128xf32, #tpu.memory_space<vmem>>
            tpu.enqueue_dma source(%dma_start3A_63 : memref<80x128xf32, #tpu.memory_space<vmem>>) target(%dma_start3A_60 : memref<80x128xf32, #tpu.memory_space<hbm>>) target_semaphore(%run_scoped3A : memref<!tpu.dma_semaphore, #tpu.memory_space<semaphore_mem>>)
            %dma_wait3A = arith.constant 0 : i32
            %dma_wait3A_64 = arith.constant 0 : i32
            %dma_wait3A_65 = tpu.memref_slice %arg9[%dma_wait3A, %dma_wait3A_64] : memref<128x128xf32, #tpu.memory_space<vmem>> -> memref<80x128xf32, #tpu.memory_space<vmem>>
            %dma_wait3A_66 = arith.constant 0 : i32
            %dma_wait3A_67 = tpu.memref_slice %arg3[%mul3A_44, %dma_wait3A_66] : memref<10000x128xf32, #tpu.memory_space<hbm>> -> memref<80x128xf32, #tpu.memory_space<hbm>>
            %dma_wait3A_68 = arith.constant 0 : i32
            %dma_wait3A_69 = tpu.memref_slice %arg3[%mul3A_44, %dma_wait3A_68] : memref<10000x128xf32, #tpu.memory_space<hbm>> -> memref<80x128xf32, #tpu.memory_space<hbm>>
            %dma_wait3A_70 = arith.constant 0 : i32
            %dma_wait3A_71 = arith.constant 0 : i32
            %dma_wait3A_72 = tpu.memref_slice %arg9[%dma_wait3A_70, %dma_wait3A_71] : memref<128x128xf32, #tpu.memory_space<vmem>> -> memref<80x128xf32, #tpu.memory_space<vmem>>
            tpu.wait_dma2 semaphore(%run_scoped3A : memref<!tpu.dma_semaphore, #tpu.memory_space<semaphore_mem>>) src(%dma_wait3A_72 : memref<80x128xf32, #tpu.memory_space<vmem>>) dst(%dma_wait3A_69 : memref<80x128xf32, #tpu.memory_space<hbm>>)
            tpu.yield
          }) : () -> ()
        } else {
        }
        %eq3A_49 = arith.constant 1 : i32
        %eq3A_50 = arith.cmpi eq, %arg0, %eq3A_49 : i32
        %convert_element_type3A_51 = arith.extui %eq3A_50 : i1 to i32
        %cond3A_52 = arith.constant 0 : i32
        %cond3A_53 = arith.cmpi ne, %convert_element_type3A_51, %cond3A_52 : i32
        scf.if %cond3A_53 {
          "tpu.region"() ({
            %run_scoped3A = tpu.sem_alloc : memref<!tpu.dma_semaphore, #tpu.memory_space<semaphore_mem>>
            %dma_start3A_54 = arith.constant 0 : i32
            %dma_start3A_55 = arith.constant 0 : i32
            %dma_start3A_56 = tpu.memref_slice %arg9[%dma_start3A_54, %dma_start3A_55] : memref<128x128xf32, #tpu.memory_space<vmem>> -> memref<80x128xf32, #tpu.memory_space<vmem>>
            %dma_start3A_57 = arith.constant 0 : i32
            %dma_start3A_58 = tpu.memref_slice %arg4[%mul3A_44, %dma_start3A_57] : memref<10000x128xf32, #tpu.memory_space<hbm>> -> memref<80x128xf32, #tpu.memory_space<hbm>>
            %dma_start3A_59 = arith.constant 0 : i32
            %dma_start3A_60 = tpu.memref_slice %arg4[%mul3A_44, %dma_start3A_59] : memref<10000x128xf32, #tpu.memory_space<hbm>> -> memref<80x128xf32, #tpu.memory_space<hbm>>
            %dma_start3A_61 = arith.constant 0 : i32
            %dma_start3A_62 = arith.constant 0 : i32
            %dma_start3A_63 = tpu.memref_slice %arg9[%dma_start3A_61, %dma_start3A_62] : memref<128x128xf32, #tpu.memory_space<vmem>> -> memref<80x128xf32, #tpu.memory_space<vmem>>
            tpu.enqueue_dma source(%dma_start3A_63 : memref<80x128xf32, #tpu.memory_space<vmem>>) target(%dma_start3A_60 : memref<80x128xf32, #tpu.memory_space<hbm>>) target_semaphore(%run_scoped3A : memref<!tpu.dma_semaphore, #tpu.memory_space<semaphore_mem>>)
            %dma_wait3A = arith.constant 0 : i32
            %dma_wait3A_64 = arith.constant 0 : i32
            %dma_wait3A_65 = tpu.memref_slice %arg9[%dma_wait3A, %dma_wait3A_64] : memref<128x128xf32, #tpu.memory_space<vmem>> -> memref<80x128xf32, #tpu.memory_space<vmem>>
            %dma_wait3A_66 = arith.constant 0 : i32
            %dma_wait3A_67 = tpu.memref_slice %arg4[%mul3A_44, %dma_wait3A_66] : memref<10000x128xf32, #tpu.memory_space<hbm>> -> memref<80x128xf32, #tpu.memory_space<hbm>>
            %dma_wait3A_68 = arith.constant 0 : i32
            %dma_wait3A_69 = tpu.memref_slice %arg4[%mul3A_44, %dma_wait3A_68] : memref<10000x128xf32, #tpu.memory_space<hbm>> -> memref<80x128xf32, #tpu.memory_space<hbm>>
            %dma_wait3A_70 = arith.constant 0 : i32
            %dma_wait3A_71 = arith.constant 0 : i32
            %dma_wait3A_72 = tpu.memref_slice %arg9[%dma_wait3A_70, %dma_wait3A_71] : memref<128x128xf32, #tpu.memory_space<vmem>> -> memref<80x128xf32, #tpu.memory_space<vmem>>
            tpu.wait_dma2 semaphore(%run_scoped3A : memref<!tpu.dma_semaphore, #tpu.memory_space<semaphore_mem>>) src(%dma_wait3A_72 : memref<80x128xf32, #tpu.memory_space<vmem>>) dst(%dma_wait3A_69 : memref<80x128xf32, #tpu.memory_space<hbm>>)
            tpu.yield
          }) : () -> ()
        } else {
        }
      } else {
      }
    }
    %scan3A_32 = arith.constant 8 : i32
    return
  }
}

#map = affine_map<(d0, d1) -> (0, 0)>
#map1 = affine_map<(d0, d1) -> (0)>
module attributes {stable_mosaic.version = 14 : i64} {
  func.func @_sc_readout_body(%arg0: i32, %arg1: i32, %arg2: memref<10000x128xf32, #tpu.memory_space<hbm>>, %arg3: memref<10000xi32, #tpu.memory_space<hbm>>, %arg4: memref<512x128xf32, #tpu.memory_space<hbm>>, %arg5: memref<512x128xf32, #tpu.memory_space<vmem_shared>>, %arg6: memref<80xi32, #tpu.memory_space<vmem>>, %arg7: memref<80x128xf32, #tpu.memory_space<vmem>>, %arg8: memref<128x128xf32, #tpu.memory_space<vmem>>) attributes {dimension_semantics = [#tpu.dimension_semantics<core_parallel>, #tpu.dimension_semantics<subcore_parallel>], iteration_bounds = array<i64: 2, 16>, scalar_prefetch = 0 : i64, scratch_operands = 4 : i64, tpu.core_type = #tpu.core_type<sc_vector_subcore>, window_params = [{transform_indices = #map}, {transform_indices = #map1}, {transform_indices = #map}]} {
    %eq3A = arith.constant 0 : i32
    %eq3A_0 = arith.cmpi eq, %arg0, %eq3A : i32
    %lt3A = arith.constant 4 : i32
    %lt3A_1 = arith.cmpi slt, %arg1, %lt3A : i32
    %and3A = arith.andi %eq3A_0, %lt3A_1 : i1
    %convert_element_type3A = arith.extui %and3A : i1 to i32
    %cond3A = arith.constant 0 : i32
    %cond3A_2 = arith.cmpi ne, %convert_element_type3A, %cond3A : i32
    scf.if %cond3A_2 {
      %scan3A = arith.constant 0 : i32
      %scan3A_17 = arith.constant 128 : i32
      %scan3A_18 = arith.addi %scan3A, %scan3A_17 : i32
      %scan3A_19 = arith.constant 1 : i32
      scf.for %scan3A_22 = %scan3A to %scan3A_18 step %scan3A_19  : i32 {
        %mul3A_23 = arith.constant 1 : i32
        %mul3A_24 = arith.muli %scan3A_22, %mul3A_23 : i32
        %add3A = arith.constant 0 : i32
        %add3A_25 = arith.addi %add3A, %mul3A_24 : i32
        %scan3A_26 = arith.constant 0 : i32
        %scan3A_27 = arith.constant 8 : i32
        %scan3A_28 = arith.addi %scan3A_26, %scan3A_27 : i32
        %scan3A_29 = arith.constant 1 : i32
        scf.for %scan3A_31 = %scan3A_26 to %scan3A_28 step %scan3A_29  : i32 {
          %mul3A_32 = arith.constant 1 : i32
          %mul3A_33 = arith.muli %scan3A_31, %mul3A_32 : i32
          %add3A_34 = arith.constant 0 : i32
          %add3A_35 = arith.addi %add3A_34, %mul3A_33 : i32
          %broadcast_in_dim3A = arith.constant 0.000000e+00 : f32
          %broadcast_in_dim3A_36 = vector.broadcast %broadcast_in_dim3A : f32 to vector<16xf32>
          %mul3A_37 = arith.constant 16 : i32
          %mul3A_38 = arith.muli %add3A_35, %mul3A_37 : i32
          %swap3A = arith.index_cast %add3A_25 : i32 to index
          %swap3A_39 = arith.index_cast %mul3A_38 : i32 to index
          %swap3A_40 = tpu.vector_load %arg8[%swap3A, %swap3A_39] {strides = array<i32>} : memref<128x128xf32, #tpu.memory_space<vmem>>, vector<1x16xf32>,
          %swap3A_41 = vector.shape_cast %swap3A_40 : vector<1x16xf32> to vector<16xf32>
          %swap3A_42 = vector.shape_cast %broadcast_in_dim3A_36 : vector<16xf32> to vector<1x16xf32>
          tpu.vector_store %arg8[%swap3A, %swap3A_39], %swap3A_42 {strides = array<i32>} : memref<128x128xf32, #tpu.memory_space<vmem>>, vector<1x16xf32>,
        }
        %scan3A_30 = arith.constant 8 : i32
      }
      %scan3A_20 = arith.constant 128 : i32
      %mul3A = arith.constant 128 : i32
      %mul3A_21 = arith.muli %arg1, %mul3A : i32
      "tpu.region"() ({
        %run_scoped3A = tpu.sem_alloc : memref<!tpu.dma_semaphore, #tpu.memory_space<semaphore_mem>>
        %dma_start3A = arith.constant 0 : i32
        %dma_start3A_22 = tpu.memref_slice %arg5[%mul3A_21, %dma_start3A] : memref<512x128xf32, #tpu.memory_space<vmem_shared>> -> memref<128x128xf32, #tpu.memory_space<vmem_shared>>
        %dma_start3A_23 = arith.constant 0 : i32
        %dma_start3A_24 = tpu.memref_slice %arg5[%mul3A_21, %dma_start3A_23] : memref<512x128xf32, #tpu.memory_space<vmem_shared>> -> memref<128x128xf32, #tpu.memory_space<vmem_shared>>
        tpu.enqueue_dma source(%arg8 : memref<128x128xf32, #tpu.memory_space<vmem>>) target(%dma_start3A_24 : memref<128x128xf32, #tpu.memory_space<vmem_shared>>) target_semaphore(%run_scoped3A : memref<!tpu.dma_semaphore, #tpu.memory_space<semaphore_mem>>)
        %dma_wait3A = arith.constant 0 : i32
        %dma_wait3A_25 = tpu.memref_slice %arg5[%mul3A_21, %dma_wait3A] : memref<512x128xf32, #tpu.memory_space<vmem_shared>> -> memref<128x128xf32, #tpu.memory_space<vmem_shared>>
        %dma_wait3A_26 = arith.constant 0 : i32
        %dma_wait3A_27 = tpu.memref_slice %arg5[%mul3A_21, %dma_wait3A_26] : memref<512x128xf32, #tpu.memory_space<vmem_shared>> -> memref<128x128xf32, #tpu.memory_space<vmem_shared>>
        tpu.wait_dma2 semaphore(%run_scoped3A : memref<!tpu.dma_semaphore, #tpu.memory_space<semaphore_mem>>) src(%arg8 : memref<128x128xf32, #tpu.memory_space<vmem>>) dst(%dma_wait3A_27 : memref<128x128xf32, #tpu.memory_space<vmem_shared>>)
        tpu.yield
      }) : () -> ()
    } else {
    }
    %barrier3A = arith.constant 0 : index
    tpu.barrier barrier_id(%barrier3A)
    %eq3A_3 = arith.constant 0 : i32
    %eq3A_4 = arith.cmpi eq, %arg0, %eq3A_3 : i32
    %convert_element_type3A_5 = arith.extui %eq3A_4 : i1 to i32
    %cond3A_6 = arith.constant 0 : i32
    %cond3A_7 = arith.cmpi ne, %convert_element_type3A_5, %cond3A_6 : i32
    scf.if %cond3A_7 {
      %scan3A = arith.constant 0 : i32
      %scan3A_17 = arith.constant 8 : i32
      %scan3A_18 = arith.addi %scan3A, %scan3A_17 : i32
      %scan3A_19 = arith.constant 1 : i32
      scf.for %scan3A_21 = %scan3A to %scan3A_18 step %scan3A_19  : i32 {
        %mul3A = arith.constant 1 : i32
        %mul3A_22 = arith.muli %scan3A_21, %mul3A : i32
        %add3A = arith.constant 0 : i32
        %add3A_23 = arith.addi %add3A, %mul3A_22 : i32
        %mul3A_24 = arith.constant 16 : i32
        %mul3A_25 = arith.muli %add3A_23, %mul3A_24 : i32
        %add3A_26 = arith.addi %arg1, %mul3A_25 : i32
        %lt3A_27 = arith.constant 125 : i32
        %lt3A_28 = arith.cmpi slt, %add3A_26, %lt3A_27 : i32
        %convert_element_type3A_29 = arith.extui %lt3A_28 : i1 to i32
        %cond3A_30 = arith.constant 0 : i32
        %cond3A_31 = arith.cmpi ne, %convert_element_type3A_29, %cond3A_30 : i32
        scf.if %cond3A_31 {
          %mul3A_32 = arith.constant 80 : i32
          %mul3A_33 = arith.muli %add3A_26, %mul3A_32 : i32
          "tpu.region"() ({
            %run_scoped3A = tpu.sem_alloc : memref<!tpu.dma_semaphore, #tpu.memory_space<semaphore_mem>>
            %dma_start3A = arith.constant 0 : i32
            %dma_start3A_34 = tpu.memref_slice %arg2[%mul3A_33, %dma_start3A] : memref<10000x128xf32, #tpu.memory_space<hbm>> -> memref<80x128xf32, #tpu.memory_space<hbm>>
            %dma_start3A_35 = arith.constant 0 : i32
            %dma_start3A_36 = tpu.memref_slice %arg2[%mul3A_33, %dma_start3A_35] : memref<10000x128xf32, #tpu.memory_space<hbm>> -> memref<80x128xf32, #tpu.memory_space<hbm>>
            tpu.enqueue_dma source(%dma_start3A_36 : memref<80x128xf32, #tpu.memory_space<hbm>>) target(%arg7 : memref<80x128xf32, #tpu.memory_space<vmem>>) target_semaphore(%run_scoped3A : memref<!tpu.dma_semaphore, #tpu.memory_space<semaphore_mem>>)
            %dma_wait3A = arith.constant 0 : i32
            %dma_wait3A_37 = tpu.memref_slice %arg2[%mul3A_33, %dma_wait3A] : memref<10000x128xf32, #tpu.memory_space<hbm>> -> memref<80x128xf32, #tpu.memory_space<hbm>>
            %dma_wait3A_38 = arith.constant 0 : i32
            %dma_wait3A_39 = tpu.memref_slice %arg2[%mul3A_33, %dma_wait3A_38] : memref<10000x128xf32, #tpu.memory_space<hbm>> -> memref<80x128xf32, #tpu.memory_space<hbm>>
            tpu.wait_dma2 semaphore(%run_scoped3A : memref<!tpu.dma_semaphore, #tpu.memory_space<semaphore_mem>>) src(%dma_wait3A_39 : memref<80x128xf32, #tpu.memory_space<hbm>>) dst(%arg7 : memref<80x128xf32, #tpu.memory_space<vmem>>)
            tpu.yield
          }) : () -> ()
          "tpu.region"() ({
            %run_scoped3A = tpu.sem_alloc : memref<!tpu.dma_semaphore, #tpu.memory_space<semaphore_mem>>
            %dma_start3A = tpu.memref_slice %arg3[%mul3A_33] : memref<10000xi32, #tpu.memory_space<hbm>> -> memref<80xi32, #tpu.memory_space<hbm>>
            %dma_start3A_34 = tpu.memref_slice %arg3[%mul3A_33] : memref<10000xi32, #tpu.memory_space<hbm>> -> memref<80xi32, #tpu.memory_space<hbm>>
            tpu.enqueue_dma source(%dma_start3A_34 : memref<80xi32, #tpu.memory_space<hbm>>) target(%arg6 : memref<80xi32, #tpu.memory_space<vmem>>) target_semaphore(%run_scoped3A : memref<!tpu.dma_semaphore, #tpu.memory_space<semaphore_mem>>)
            %dma_wait3A = tpu.memref_slice %arg3[%mul3A_33] : memref<10000xi32, #tpu.memory_space<hbm>> -> memref<80xi32, #tpu.memory_space<hbm>>
            %dma_wait3A_35 = tpu.memref_slice %arg3[%mul3A_33] : memref<10000xi32, #tpu.memory_space<hbm>> -> memref<80xi32, #tpu.memory_space<hbm>>
            tpu.wait_dma2 semaphore(%run_scoped3A : memref<!tpu.dma_semaphore, #tpu.memory_space<semaphore_mem>>) src(%dma_wait3A_35 : memref<80xi32, #tpu.memory_space<hbm>>) dst(%arg6 : memref<80xi32, #tpu.memory_space<vmem>>)
            tpu.yield
          }) : () -> ()
          "tpu.region"() ({
            %run_scoped3A = tpu.sem_alloc : memref<!tpu.dma_semaphore, #tpu.memory_space<semaphore_mem>>
            %dma_start3A = arith.constant 0 : i32
            %dma_start3A_34 = arith.constant 0 : i32
            %dma_start3A_35 = tpu.memref_slice %arg5[%dma_start3A, %dma_start3A_34] : memref<512x128xf32, #tpu.memory_space<vmem_shared>> -> memref<512x128xf32, #tpu.memory_space<vmem_shared>>
            tpu.enqueue_indirect_dma source(%arg7 : memref<80x128xf32, #tpu.memory_space<vmem>>) target(%dma_start3A_35 : memref<512x128xf32, #tpu.memory_space<vmem_shared>>) offsets(%arg6 : memref<80xi32, #tpu.memory_space<vmem>>) semaphore(%run_scoped3A : memref<!tpu.dma_semaphore, #tpu.memory_space<semaphore_mem>>) {add = true}
            %dma_wait3A = arith.constant 0 : i32
            %dma_wait3A_36 = arith.constant 0 : i32
            %dma_wait3A_37 = tpu.memref_slice %arg5[%dma_wait3A, %dma_wait3A_36] : memref<512x128xf32, #tpu.memory_space<vmem_shared>> -> memref<512x128xf32, #tpu.memory_space<vmem_shared>>
            tpu.wait_indirect_dma semaphore(%run_scoped3A : memref<!tpu.dma_semaphore, #tpu.memory_space<semaphore_mem>>) src(%arg7 : memref<80x128xf32, #tpu.memory_space<vmem>>) dst(%dma_wait3A_37 : memref<512x128xf32, #tpu.memory_space<vmem_shared>>)
            tpu.yield
          }) : () -> ()
        } else {
        }
      }
      %scan3A_20 = arith.constant 8 : i32
    } else {
    }
    %barrier3A_8 = arith.constant 0 : index
    tpu.barrier barrier_id(%barrier3A_8)
    %eq3A_9 = arith.constant 0 : i32
    %eq3A_10 = arith.cmpi eq, %arg0, %eq3A_9 : i32
    %lt3A_11 = arith.constant 4 : i32
    %lt3A_12 = arith.cmpi slt, %arg1, %lt3A_11 : i32
    %and3A_13 = arith.andi %eq3A_10, %lt3A_12 : i1
    %convert_element_type3A_14 = arith.extui %and3A_13 : i1 to i32
    %cond3A_15 = arith.constant 0 : i32
    %cond3A_16 = arith.cmpi ne, %convert_element_type3A_14, %cond3A_15 : i32
    scf.if %cond3A_16 {
      %mul3A = arith.constant 128 : i32
      %mul3A_17 = arith.muli %arg1, %mul3A : i32
      "tpu.region"() ({
        %run_scoped3A = tpu.sem_alloc : memref<!tpu.dma_semaphore, #tpu.memory_space<semaphore_mem>>
        %dma_start3A = arith.constant 0 : i32
        %dma_start3A_18 = tpu.memref_slice %arg5[%mul3A_17, %dma_start3A] : memref<512x128xf32, #tpu.memory_space<vmem_shared>> -> memref<128x128xf32, #tpu.memory_space<vmem_shared>>
        %dma_start3A_19 = arith.constant 0 : i32
        %dma_start3A_20 = tpu.memref_slice %arg5[%mul3A_17, %dma_start3A_19] : memref<512x128xf32, #tpu.memory_space<vmem_shared>> -> memref<128x128xf32, #tpu.memory_space<vmem_shared>>
        tpu.enqueue_dma source(%dma_start3A_20 : memref<128x128xf32, #tpu.memory_space<vmem_shared>>) target(%arg8 : memref<128x128xf32, #tpu.memory_space<vmem>>) target_semaphore(%run_scoped3A : memref<!tpu.dma_semaphore, #tpu.memory_space<semaphore_mem>>)
        %dma_wait3A = arith.constant 0 : i32
        %dma_wait3A_21 = tpu.memref_slice %arg5[%mul3A_17, %dma_wait3A] : memref<512x128xf32, #tpu.memory_space<vmem_shared>> -> memref<128x128xf32, #tpu.memory_space<vmem_shared>>
        %dma_wait3A_22 = arith.constant 0 : i32
        %dma_wait3A_23 = tpu.memref_slice %arg5[%mul3A_17, %dma_wait3A_22] : memref<512x128xf32, #tpu.memory_space<vmem_shared>> -> memref<128x128xf32, #tpu.memory_space<vmem_shared>>
        tpu.wait_dma2 semaphore(%run_scoped3A : memref<!tpu.dma_semaphore, #tpu.memory_space<semaphore_mem>>) src(%dma_wait3A_23 : memref<128x128xf32, #tpu.memory_space<vmem_shared>>) dst(%arg8 : memref<128x128xf32, #tpu.memory_space<vmem>>)
        tpu.yield
      }) : () -> ()
      "tpu.region"() ({
        %run_scoped3A = tpu.sem_alloc : memref<!tpu.dma_semaphore, #tpu.memory_space<semaphore_mem>>
        %dma_start3A = arith.constant 0 : i32
        %dma_start3A_18 = tpu.memref_slice %arg4[%mul3A_17, %dma_start3A] : memref<512x128xf32, #tpu.memory_space<hbm>> -> memref<128x128xf32, #tpu.memory_space<hbm>>
        %dma_start3A_19 = arith.constant 0 : i32
        %dma_start3A_20 = tpu.memref_slice %arg4[%mul3A_17, %dma_start3A_19] : memref<512x128xf32, #tpu.memory_space<hbm>> -> memref<128x128xf32, #tpu.memory_space<hbm>>
        tpu.enqueue_dma source(%arg8 : memref<128x128xf32, #tpu.memory_space<vmem>>) target(%dma_start3A_20 : memref<128x128xf32, #tpu.memory_space<hbm>>) target_semaphore(%run_scoped3A : memref<!tpu.dma_semaphore, #tpu.memory_space<semaphore_mem>>)
        %dma_wait3A = arith.constant 0 : i32
        %dma_wait3A_21 = tpu.memref_slice %arg4[%mul3A_17, %dma_wait3A] : memref<512x128xf32, #tpu.memory_space<hbm>> -> memref<128x128xf32, #tpu.memory_space<hbm>>
        %dma_wait3A_22 = arith.constant 0 : i32
        %dma_wait3A_23 = tpu.memref_slice %arg4[%mul3A_17, %dma_wait3A_22] : memref<512x128xf32, #tpu.memory_space<hbm>> -> memref<128x128xf32, #tpu.memory_space<hbm>>
        tpu.wait_dma2 semaphore(%run_scoped3A : memref<!tpu.dma_semaphore, #tpu.memory_space<semaphore_mem>>) src(%arg8 : memref<128x128xf32, #tpu.memory_space<vmem>>) dst(%dma_wait3A_23 : memref<128x128xf32, #tpu.memory_space<hbm>>)
        tpu.yield
      }) : () -> ()
    } else {
    }
    return
  }
}

module attributes {stable_mosaic.version = 14 : i64} {
  func.func @_tc2_body(%arg0: i32, %arg1: memref<1000x128xf32, #tpu.memory_space<vmem>>, %arg2: memref<1000x128xf32, #tpu.memory_space<vmem>>, %arg3: memref<1000x128xf32, #tpu.memory_space<vmem>>, %arg4: memref<1000x128xf32, #tpu.memory_space<vmem>>, %arg5: memref<1000x128xf32, #tpu.memory_space<vmem>>, %arg6: memref<1000x128xf32, #tpu.memory_space<vmem>>, %arg7: memref<128x128xf32, #tpu.memory_space<vmem>>, %arg8: memref<128x128xf32, #tpu.memory_space<vmem>>, %arg9: memref<128x128xf32, #tpu.memory_space<vmem>>, %arg10: memref<1x128xf32, #tpu.memory_space<vmem>>, %arg11: memref<1000x128xf32, #tpu.memory_space<vmem>>) attributes {dimension_semantics = [#tpu.dimension_semantics<arbitrary>], iteration_bounds = array<i64: 10>, scalar_prefetch = 0 : i64, scratch_operands = 0 : i64, tpu.core_type = #tpu.core_type<tc>, window_params = [{transform_indices = @transform_0, window_bounds = array<i64: 1000, 128>}, {transform_indices = @transform_1, window_bounds = array<i64: 1000, 128>}, {transform_indices = @transform_2, window_bounds = array<i64: 1000, 128>}, {transform_indices = @transform_3, window_bounds = array<i64: 1000, 128>}, {transform_indices = @transform_4, window_bounds = array<i64: 1000, 128>}, {transform_indices = @transform_5, window_bounds = array<i64: 1000, 128>}, {pipeline_mode = #tpu.pipeline_mode<synchronous>, transform_indices = @transform_6, window_bounds = array<i64: 128, 128>}, {pipeline_mode = #tpu.pipeline_mode<synchronous>, transform_indices = @transform_7, window_bounds = array<i64: 128, 128>}, {pipeline_mode = #tpu.pipeline_mode<synchronous>, transform_indices = @transform_8, window_bounds = array<i64: 128, 128>}, {pipeline_mode = #tpu.pipeline_mode<synchronous>, transform_indices = @transform_9, window_bounds = array<i64: 1, 128>}, {transform_indices = @transform_10, window_bounds = array<i64: 1000, 128>}]} {
    %get3A = arith.constant 0 : index
    %get3A_0 = arith.constant 0 : index
    %get3A_1 = vector.load %arg4[%get3A, %get3A_0] : memref<1000x128xf32, #tpu.memory_space<vmem>>, vector<1000x1xf32>
    %get3A_2 = arith.constant 0 : index
    %get3A_3 = arith.constant 0 : index
    %get3A_4 = vector.load %arg5[%get3A_2, %get3A_3] : memref<1000x128xf32, #tpu.memory_space<vmem>>, vector<1000x1xf32>
    %add3A = arith.addf %get3A_1, %get3A_4 : vector<1000x1xf32>
    %max3A = arith.constant 1.000000e+00 : f32
    %max3A_5 = vector.broadcast %max3A : f32 to vector<1000x1xf32>
    %max3A_6 = arith.maximumf %add3A, %max3A_5 : vector<1000x1xf32>
    %div3A = arith.constant 1.000000e+00 : f32
    %div3A_7 = vector.broadcast %div3A : f32 to vector<1000x1xf32>
    %div3A_8 = arith.divf %div3A_7, %max3A_6 : vector<1000x1xf32>
    %get3A_9 = arith.constant 0 : index
    %get3A_10 = arith.constant 0 : index
    %get3A_11 = vector.load %arg3[%get3A_9, %get3A_10] : memref<1000x128xf32, #tpu.memory_space<vmem>>, vector<1000x128xf32>
    %get3A_12 = arith.constant 0 : index
    %get3A_13 = arith.constant 0 : index
    %get3A_14 = vector.load %arg8[%get3A_12, %get3A_13] : memref<128x128xf32, #tpu.memory_space<vmem>>, vector<128x128xf32>
    %dot_general3A = arith.constant dense<0.000000e+00> : vector<1000x128xf32>
    %dot_general3A_15 = tpu.matmul %get3A_11, %get3A_14, %dot_general3A {dimension_numbers = #tpu.dot_dimension_numbers<[1], [0], [0], [1], [0, 0, 1, 1], [], []>, transpose_lhs_hint = false} : vector<1000x128xf32>, vector<128x128xf32>, vector<1000x128xf32> -> vector<1000x128xf32>
    %get3A_16 = arith.constant 0 : index
    %get3A_17 = arith.constant 0 : index
    %get3A_18 = vector.load %arg1[%get3A_16, %get3A_17] : memref<1000x128xf32, #tpu.memory_space<vmem>>, vector<1000x128xf32>
    %get3A_19 = arith.constant 0 : index
    %get3A_20 = arith.constant 0 : index
    %get3A_21 = vector.load %arg2[%get3A_19, %get3A_20] : memref<1000x128xf32, #tpu.memory_space<vmem>>, vector<1000x128xf32>
    %add3A_22 = arith.addf %get3A_18, %get3A_21 : vector<1000x128xf32>
    %sub3A = arith.subf %add3A_22, %dot_general3A_15 : vector<1000x128xf32>
    %mul3A = vector.broadcast %div3A_8 : vector<1000x1xf32> to vector<1000x128xf32>
    %mul3A_23 = arith.mulf %sub3A, %mul3A : vector<1000x128xf32>
    %get3A_24 = arith.constant 0 : index
    %get3A_25 = arith.constant 0 : index
    %get3A_26 = vector.load %arg7[%get3A_24, %get3A_25] : memref<128x128xf32, #tpu.memory_space<vmem>>, vector<128x128xf32>
    %dot_general3A_27 = arith.constant dense<0.000000e+00> : vector<1000x128xf32>
    %dot_general3A_28 = tpu.matmul %mul3A_23, %get3A_26, %dot_general3A_27 {dimension_numbers = #tpu.dot_dimension_numbers<[1], [0], [0], [1], [0, 0, 1, 1], [], []>, transpose_lhs_hint = false} : vector<1000x128xf32>, vector<128x128xf32>, vector<1000x128xf32> -> vector<1000x128xf32>
    %get3A_29 = arith.constant 0 : index
    %get3A_30 = arith.constant 0 : index
    %get3A_31 = vector.load %arg6[%get3A_29, %get3A_30] : memref<1000x128xf32, #tpu.memory_space<vmem>>, vector<1000x128xf32>
    %get3A_32 = arith.constant 0 : index
    %get3A_33 = arith.constant 0 : index
    %get3A_34 = vector.load %arg9[%get3A_32, %get3A_33] : memref<128x128xf32, #tpu.memory_space<vmem>>, vector<128x128xf32>
    %dot_general3A_35 = arith.constant dense<0.000000e+00> : vector<1000x128xf32>
    %dot_general3A_36 = tpu.matmul %get3A_31, %get3A_34, %dot_general3A_35 {dimension_numbers = #tpu.dot_dimension_numbers<[1], [0], [0], [1], [0, 0, 1, 1], [], []>, transpose_lhs_hint = false} : vector<1000x128xf32>, vector<128x128xf32>, vector<1000x128xf32> -> vector<1000x128xf32>
    %add3A_37 = arith.addf %dot_general3A_28, %dot_general3A_36 : vector<1000x128xf32>
    %get3A_38 = arith.constant 0 : index
    %get3A_39 = arith.constant 0 : index
    %get3A_40 = vector.load %arg10[%get3A_38, %get3A_39] : memref<1x128xf32, #tpu.memory_space<vmem>>, vector<1x128xf32>
    %add3A_41 = vector.broadcast %get3A_40 : vector<1x128xf32> to vector<1000x128xf32>
    %add3A_42 = arith.addf %add3A_37, %add3A_41 : vector<1000x128xf32>
    %swap3A = arith.constant 0 : index
    %swap3A_43 = arith.constant 0 : index
    %swap3A_44 = vector.load %arg11[%swap3A, %swap3A_43] : memref<1000x128xf32, #tpu.memory_space<vmem>>, vector<1000x128xf32>
    tpu.vector_store %arg11[%swap3A, %swap3A_43], %add3A_42 {strides = array<i32>} : memref<1000x128xf32, #tpu.memory_space<vmem>>, vector<1000x128xf32>,
    return
  }
  func.func @transform_0(%arg0: i32) -> (i32, i32) {
    %c0_i32 = arith.constant 0 : i32
    %c0_i32_0 = arith.constant 0 : i32
    return %arg0, %c0_i32 : i32, i32
  }
  func.func @transform_1(%arg0: i32) -> (i32, i32) {
    %c0_i32 = arith.constant 0 : i32
    %c0_i32_0 = arith.constant 0 : i32
    return %arg0, %c0_i32 : i32, i32
  }
  func.func @transform_2(%arg0: i32) -> (i32, i32) {
    %c0_i32 = arith.constant 0 : i32
    %c0_i32_0 = arith.constant 0 : i32
    return %arg0, %c0_i32 : i32, i32
  }
  func.func @transform_3(%arg0: i32) -> (i32, i32) {
    %c0_i32 = arith.constant 0 : i32
    %c0_i32_0 = arith.constant 0 : i32
    return %arg0, %c0_i32 : i32, i32
  }
  func.func @transform_4(%arg0: i32) -> (i32, i32) {
    %c0_i32 = arith.constant 0 : i32
    %c0_i32_0 = arith.constant 0 : i32
    return %arg0, %c0_i32 : i32, i32
  }
  func.func @transform_5(%arg0: i32) -> (i32, i32) {
    %c0_i32 = arith.constant 0 : i32
    %c0_i32_0 = arith.constant 0 : i32
    return %arg0, %c0_i32 : i32, i32
  }
  func.func @transform_6(%arg0: i32) -> (i32, i32) {
    %c0_i32 = arith.constant 0 : i32
    %c0_i32_0 = arith.constant 0 : i32
    %c0_i32_1 = arith.constant 0 : i32
    return %c0_i32, %c0_i32_0 : i32, i32
  }
  func.func @transform_7(%arg0: i32) -> (i32, i32) {
    %c0_i32 = arith.constant 0 : i32
    %c0_i32_0 = arith.constant 0 : i32
    %c0_i32_1 = arith.constant 0 : i32
    return %c0_i32, %c0_i32_0 : i32, i32
  }
  func.func @transform_8(%arg0: i32) -> (i32, i32) {
    %c0_i32 = arith.constant 0 : i32
    %c0_i32_0 = arith.constant 0 : i32
    %c0_i32_1 = arith.constant 0 : i32
    return %c0_i32, %c0_i32_0 : i32, i32
  }
  func.func @transform_9(%arg0: i32) -> (i32, i32) {
    %c0_i32 = arith.constant 0 : i32
    %c0_i32_0 = arith.constant 0 : i32
    %c0_i32_1 = arith.constant 0 : i32
    return %c0_i32, %c0_i32_0 : i32, i32
  }
  func.func @transform_10(%arg0: i32) -> (i32, i32) {
    %c0_i32 = arith.constant 0 : i32
    %c0_i32_0 = arith.constant 0 : i32
    return %arg0, %c0_i32 : i32, i32
  }
}

module attributes {stable_mosaic.version = 14 : i64} {
  func.func @_tc1_body(%arg0: i32, %arg1: memref<1000x128xf32, #tpu.memory_space<vmem>>, %arg2: memref<1000x128xf32, #tpu.memory_space<vmem>>, %arg3: memref<1000x128xf32, #tpu.memory_space<vmem>>, %arg4: memref<1000x128xf32, #tpu.memory_space<vmem>>, %arg5: memref<1000x128xf32, #tpu.memory_space<vmem>>, %arg6: memref<128x128xf32, #tpu.memory_space<vmem>>, %arg7: memref<128x128xf32, #tpu.memory_space<vmem>>, %arg8: memref<1x128xf32, #tpu.memory_space<vmem>>, %arg9: memref<1000x128xf32, #tpu.memory_space<vmem>>) attributes {dimension_semantics = [#tpu.dimension_semantics<arbitrary>], iteration_bounds = array<i64: 10>, scalar_prefetch = 0 : i64, scratch_operands = 0 : i64, tpu.core_type = #tpu.core_type<tc>, window_params = [{transform_indices = @transform_0, window_bounds = array<i64: 1000, 128>}, {transform_indices = @transform_1, window_bounds = array<i64: 1000, 128>}, {transform_indices = @transform_2, window_bounds = array<i64: 1000, 128>}, {transform_indices = @transform_3, window_bounds = array<i64: 1000, 128>}, {transform_indices = @transform_4, window_bounds = array<i64: 1000, 128>}, {pipeline_mode = #tpu.pipeline_mode<synchronous>, transform_indices = @transform_5, window_bounds = array<i64: 128, 128>}, {pipeline_mode = #tpu.pipeline_mode<synchronous>, transform_indices = @transform_6, window_bounds = array<i64: 128, 128>}, {pipeline_mode = #tpu.pipeline_mode<synchronous>, transform_indices = @transform_7, window_bounds = array<i64: 1, 128>}, {transform_indices = @transform_8, window_bounds = array<i64: 1000, 128>}]} {
    %get3A = arith.constant 0 : index
    %get3A_0 = arith.constant 0 : index
    %get3A_1 = vector.load %arg3[%get3A, %get3A_0] : memref<1000x128xf32, #tpu.memory_space<vmem>>, vector<1000x1xf32>
    %get3A_2 = arith.constant 0 : index
    %get3A_3 = arith.constant 0 : index
    %get3A_4 = vector.load %arg4[%get3A_2, %get3A_3] : memref<1000x128xf32, #tpu.memory_space<vmem>>, vector<1000x1xf32>
    %add3A = arith.addf %get3A_1, %get3A_4 : vector<1000x1xf32>
    %max3A = arith.constant 1.000000e+00 : f32
    %max3A_5 = vector.broadcast %max3A : f32 to vector<1000x1xf32>
    %max3A_6 = arith.maximumf %add3A, %max3A_5 : vector<1000x1xf32>
    %div3A = arith.constant 1.000000e+00 : f32
    %div3A_7 = vector.broadcast %div3A : f32 to vector<1000x1xf32>
    %div3A_8 = arith.divf %div3A_7, %max3A_6 : vector<1000x1xf32>
    %get3A_9 = arith.constant 0 : index
    %get3A_10 = arith.constant 0 : index
    %get3A_11 = vector.load %arg1[%get3A_9, %get3A_10] : memref<1000x128xf32, #tpu.memory_space<vmem>>, vector<1000x128xf32>
    %get3A_12 = arith.constant 0 : index
    %get3A_13 = arith.constant 0 : index
    %get3A_14 = vector.load %arg2[%get3A_12, %get3A_13] : memref<1000x128xf32, #tpu.memory_space<vmem>>, vector<1000x128xf32>
    %sub3A = arith.subf %get3A_11, %get3A_14 : vector<1000x128xf32>
    %mul3A = vector.broadcast %div3A_8 : vector<1000x1xf32> to vector<1000x128xf32>
    %mul3A_15 = arith.mulf %sub3A, %mul3A : vector<1000x128xf32>
    %get3A_16 = arith.constant 0 : index
    %get3A_17 = arith.constant 0 : index
    %get3A_18 = vector.load %arg6[%get3A_16, %get3A_17] : memref<128x128xf32, #tpu.memory_space<vmem>>, vector<128x128xf32>
    %dot_general3A = arith.constant dense<0.000000e+00> : vector<1000x128xf32>
    %dot_general3A_19 = tpu.matmul %mul3A_15, %get3A_18, %dot_general3A {dimension_numbers = #tpu.dot_dimension_numbers<[1], [0], [0], [1], [0, 0, 1, 1], [], []>, transpose_lhs_hint = false} : vector<1000x128xf32>, vector<128x128xf32>, vector<1000x128xf32> -> vector<1000x128xf32>
    %get3A_20 = arith.constant 0 : index
    %get3A_21 = arith.constant 0 : index
    %get3A_22 = vector.load %arg5[%get3A_20, %get3A_21] : memref<1000x128xf32, #tpu.memory_space<vmem>>, vector<1000x128xf32>
    %get3A_23 = arith.constant 0 : index
    %get3A_24 = arith.constant 0 : index
    %get3A_25 = vector.load %arg7[%get3A_23, %get3A_24] : memref<128x128xf32, #tpu.memory_space<vmem>>, vector<128x128xf32>
    %dot_general3A_26 = arith.constant dense<0.000000e+00> : vector<1000x128xf32>
    %dot_general3A_27 = tpu.matmul %get3A_22, %get3A_25, %dot_general3A_26 {dimension_numbers = #tpu.dot_dimension_numbers<[1], [0], [0], [1], [0, 0, 1, 1], [], []>, transpose_lhs_hint = false} : vector<1000x128xf32>, vector<128x128xf32>, vector<1000x128xf32> -> vector<1000x128xf32>
    %add3A_28 = arith.addf %dot_general3A_19, %dot_general3A_27 : vector<1000x128xf32>
    %get3A_29 = arith.constant 0 : index
    %get3A_30 = arith.constant 0 : index
    %get3A_31 = vector.load %arg8[%get3A_29, %get3A_30] : memref<1x128xf32, #tpu.memory_space<vmem>>, vector<1x128xf32>
    %add3A_32 = vector.broadcast %get3A_31 : vector<1x128xf32> to vector<1000x128xf32>
    %add3A_33 = arith.addf %add3A_28, %add3A_32 : vector<1000x128xf32>
    %max3A_34 = arith.constant 0.000000e+00 : f32
    %max3A_35 = vector.broadcast %max3A_34 : f32 to vector<1000x128xf32>
    %max3A_36 = arith.maximumf %add3A_33, %max3A_35 : vector<1000x128xf32>
    %swap3A = arith.constant 0 : index
    %swap3A_37 = arith.constant 0 : index
    %swap3A_38 = vector.load %arg9[%swap3A, %swap3A_37] : memref<1000x128xf32, #tpu.memory_space<vmem>>, vector<1000x128xf32>
    tpu.vector_store %arg9[%swap3A, %swap3A_37], %max3A_36 {strides = array<i32>} : memref<1000x128xf32, #tpu.memory_space<vmem>>, vector<1000x128xf32>,
    return
  }
  func.func @transform_0(%arg0: i32) -> (i32, i32) {
    %c0_i32 = arith.constant 0 : i32
    %c0_i32_0 = arith.constant 0 : i32
    return %arg0, %c0_i32 : i32, i32
  }
  func.func @transform_1(%arg0: i32) -> (i32, i32) {
    %c0_i32 = arith.constant 0 : i32
    %c0_i32_0 = arith.constant 0 : i32
    return %arg0, %c0_i32 : i32, i32
  }
  func.func @transform_2(%arg0: i32) -> (i32, i32) {
    %c0_i32 = arith.constant 0 : i32
    %c0_i32_0 = arith.constant 0 : i32
    return %arg0, %c0_i32 : i32, i32
  }
  func.func @transform_3(%arg0: i32) -> (i32, i32) {
    %c0_i32 = arith.constant 0 : i32
    %c0_i32_0 = arith.constant 0 : i32
    return %arg0, %c0_i32 : i32, i32
  }
  func.func @transform_4(%arg0: i32) -> (i32, i32) {
    %c0_i32 = arith.constant 0 : i32
    %c0_i32_0 = arith.constant 0 : i32
    return %arg0, %c0_i32 : i32, i32
  }
  func.func @transform_5(%arg0: i32) -> (i32, i32) {
    %c0_i32 = arith.constant 0 : i32
    %c0_i32_0 = arith.constant 0 : i32
    %c0_i32_1 = arith.constant 0 : i32
    return %c0_i32, %c0_i32_0 : i32, i32
  }
  func.func @transform_6(%arg0: i32) -> (i32, i32) {
    %c0_i32 = arith.constant 0 : i32
    %c0_i32_0 = arith.constant 0 : i32
    %c0_i32_1 = arith.constant 0 : i32
    return %c0_i32, %c0_i32_0 : i32, i32
  }
  func.func @transform_7(%arg0: i32) -> (i32, i32) {
    %c0_i32 = arith.constant 0 : i32
    %c0_i32_0 = arith.constant 0 : i32
    %c0_i32_1 = arith.constant 0 : i32
    return %c0_i32, %c0_i32_0 : i32, i32
  }
  func.func @transform_8(%arg0: i32) -> (i32, i32) {
    %c0_i32 = arith.constant 0 : i32
    %c0_i32_0 = arith.constant 0 : i32
    return %arg0, %c0_i32 : i32, i32
  }
}

</mosaic_0001>

<sc_bundles>
// kernel: kernel.11.cloned.1.call-start
scs
__scs_entry_jumppad:
0x0: {  	(pc) =	sbr.rel $0x88, $3  }
0x1: {  	(tag) =	ssettag $0x0;
	lr =	simm.s32 $0x1  }
0x2: {  	[smem:$0x3F98] =	sst lr;
	_ =	strace $0xD0000000  }
0x3: {  	_ = 	snop  }
0x4: {  	_ = 	snop  }
0x5: {  	_ = 	snop  }
0x6: {  	_ = 	snop  }
0x7: {  	_ = 	snop  }
__scs_overlays_trampoline_lowered:
0x8: {  	[smem:$0x3FA7] =	sst s0  }
0x9: {  	[smem:$0x3FA8] =	sst s1  }
0xa: {  	[smem:$0x3FA9] =	sst s2  }
0xb: {  	[smem:$0x3FAA] =	sst s3  }
0xc: {  	[smem:$0x3FAB] =	sst s4  }
0xd: {  	[smem:$0x3FAC] =	sst s5  }
0xe: {  	[smem:$0x3FAD] =	sst s6  }
0xf: {  	[smem:$0x3FAE] =	sst s7  }
0x10: {  	[smem:$0x3FAF] =	sst s8  }
0x11: {  	[smem:$0x3FB0] =	sst s9;
	s0 =	simm.s32 @!p0 $0x0  }
0x12: {  	s1 =	sld [smem:$0x3F96];
	s0 =	simm.s32 @p0 $0x1  }
0x13: {  	[smem:$0x3FB1] =	sst s0;
	s0 =	simm.s32 @!p1 $0x0  }
0x14: {  	s2 =	sld [smem:$0x3F95];
	s0 =	simm.s32 @p1 $0x1  }
0x15: {  	[smem:$0x3FB2] =	sst s0;
	s0 =	simm.s32 @!p2 $0x0  }
0x16: {  	s3 =	sld [smem:$0x3FDB];
	s0 =	simm.s32 @p2 $0x1  }
0x17: {  	s4 =	simm.s32 $0x1BF5;
	[smem:$0x3FB4] =	sst s0  }
0x18: {  	s0 =	sld [smem:$0x3F97];
	_ =	swait.ge [sflag:s4], $0x0  }
0x19: {  	s7 =	sld [smem:$0x3F98]  }
0x1a: {  	s8 =	sadd.s32 $0xFFFFE003, lr  }
0x1b: {  	s9 =	sadd.s32 $0xFFFFFEF7, lr;
	s5 =	simm.s32 $0xFFFFFFFF;
	p2 =	slt.u32 s8, $0xFFFFF086  }
0x1c: {  	p1 =	slt.u32 s9, $0xF7A;
	s5 =	simm.s32 @!p2 $0x0  }
0x1d: {  	s5 =	simm.s32 @p1 $0x1;
	p0 =	seq.s32 s7, s2  }
0x1e: {  	s7 =	smul.u32 @!p0 $0xF7A, s2;
	p2 =	seq.s32 @!p0 s5, $0x0  }
0x1f: {  	s9 =	smul.u32 $0xF7A, s1;
	s8 =	simm.s32 @!p0 $0x1BF5;
	p2 =	por !p2, p0  }
0x20: {  	[sflag:s8] =	ssyncset.s32 @!p0 $0xFFFFF086;
	s6 =	sadd.s32 @!p0 s3, s7;
	s7 =	simm.s32 @!p0 $0x108  }
0x21: {  	s3 =	sadd.s32 s3, s9;
	s6 =	sadd.s32 @!p0 $0x88, s6;
	s7 =	simm.s32 @p2 $0x1082  }
0x22: {  	[simem:s7], [sflag:s8] =	dma.local @!p0 [hbm:s6], $0xF7A  }
0x23: {  	s9 =	sor.u32 $0xD0000000, s2;
	s6 =	simm.s32 $0x108;
	_ =	swait.ge @!p0 [sflag:s8], $0x0  }
0x24: {  	s3 =	sadd.s32 $0x88, s3;
	s6 =	simm.s32 @!p1 $0x1082;
	[sflag:s4] =	ssyncset.s32 $0xFFFFF086  }
0x25: {  	[simem:s6], [sflag:s4] =	dma.local [hbm:s3], $0xF7A  }
0x26: {  	[smem:$0x3F98] =	sst s1;
	(tag) =	ssettag s2;
	_ =	strace s9  }
0x27: {  	s1 =	sld [smem:$0x3FA8]  }
0x28: {  	s2 =	sld [smem:$0x3FA9]  }
0x29: {  	s4 =	sld [smem:$0x3FAB]  }
0x2a: {  	p0 =	seq.s32 s5, $0x0;
	s5 =	sld [smem:$0x3FAC]  }
0x2b: {  	s6 =	sld [smem:$0x3FAD]  }
0x2c: {  	s7 =	sld [smem:$0x3FAE]  }
0x2d: {  	s3 =	simm.s32 $0x108;
	s8 =	sld [smem:$0x3FAF]  }
0x2e: {  	s3 =	simm.s32 @!p0 $0x1082;
	s9 =	sld [smem:$0x3FB0]  }
0x2f: {  	lr =	sadd.s32 s0, s3;
	s0 =	sld [smem:$0x3FA7]  }
0x30: {  	s3 =	sld [smem:$0x3FAA]  }
0x31: {  	[smem:$0x3FB3] =	sst s10  }
0x32: {  	s10 =	sld [smem:$0x3FB1];
	_ =	sdelay $0x3  }
0x33: {  	p0 =	seq.s32 s10, $0x1;
	s10 =	sld [smem:$0x3FB3];
	_ =	sdelay $0x3  }
0x34: {  	[smem:$0x3FB3] =	sst s10  }
0x35: {  	s10 =	sld [smem:$0x3FB2];
	_ =	sdelay $0x3  }
0x36: {  	p1 =	seq.s32 s10, $0x1;
	s10 =	sld [smem:$0x3FB3];
	_ =	sdelay $0x3  }
0x37: {  	[smem:$0x3FB3] =	sst s10  }
0x38: {  	s10 =	sld [smem:$0x3FB4]  }
0x39: {  	_ = 	snop;
	(pc) =	sbr.ind lr, $3  }
0x3a: {  	_ = 	snop  }
0x3b: {  	_ = 	snop  }
0x3c: {  	p2 =	seq.s32 s10, $0x1;
	s10 =	sld [smem:$0x3FB3]  }
0x3d: {  	_ =	shalt  }
0x3e: {  	_ =	shalt  }
0x3f: {  	_ =	shalt  }
0x40: {  	_ =	shalt  }
0x41: {  	_ =	shalt  }
0x42: {  	_ =	shalt  }
0x43: {  	_ =	shalt  }
0x44: {  	_ =	shalt  }
0x45: {  	_ =	shalt  }
0x46: {  	_ =	shalt  }
0x47: {  	_ =	shalt  }
0x48: {  	_ =	shalt  }
0x49: {  	_ =	shalt  }
0x4a: {  	_ =	shalt  }
0x4b: {  	_ =	shalt  }
0x4c: {  	_ =	shalt  }
0x4d: {  	_ =	shalt  }
0x4e: {  	_ =	shalt  }
0x4f: {  	_ =	shalt  }
0x50: {  	_ =	shalt  }
0x51: {  	_ =	shalt  }
0x52: {  	_ =	shalt  }
0x53: {  	_ =	shalt  }
0x54: {  	_ =	shalt  }
0x55: {  	_ =	shalt  }
0x56: {  	_ =	shalt  }
0x57: {  	_ =	shalt  }
0x58: {  	_ =	shalt  }
0x59: {  	_ =	shalt  }
0x5a: {  	_ =	shalt  }
0x5b: {  	_ =	shalt  }
0x5c: {  	_ =	shalt  }
0x5d: {  	_ =	shalt  }
0x5e: {  	_ =	shalt  }
0x5f: {  	_ =	shalt  }
0x60: {  	_ =	shalt  }
0x61: {  	_ =	shalt  }
0x62: {  	_ =	shalt  }
0x63: {  	_ =	shalt  }
0x64: {  	_ =	shalt  }
0x65: {  	_ =	shalt  }
0x66: {  	_ =	shalt  }
0x67: {  	_ =	shalt  }
0x68: {  	_ =	shalt  }
0x69: {  	_ =	shalt  }
0x6a: {  	_ =	shalt  }
0x6b: {  	_ =	shalt  }
0x6c: {  	_ =	shalt  }
0x6d: {  	_ =	shalt  }
0x6e: {  	_ =	shalt  }
0x6f: {  	_ =	shalt  }
0x70: {  	_ =	shalt  }
0x71: {  	_ =	shalt  }
0x72: {  	_ =	shalt  }
0x73: {  	_ =	shalt  }
0x74: {  	_ =	shalt  }
0x75: {  	_ =	shalt  }
0x76: {  	_ =	shalt  }
0x77: {  	_ =	shalt  }
0x78: {  	_ =	shalt  }
0x79: {  	_ =	shalt  }
0x7a: {  	_ =	shalt  }
0x7b: {  	_ =	shalt  }
0x7c: {  	_ =	shalt  }
0x7d: {  	_ =	shalt  }
0x7e: {  	_ =	shalt  }
0x7f: {  	_ =	shalt  }
0x80: {  	_ =	shalt  }
0x81: {  	_ =	shalt  }
0x82: {  	_ =	shalt  }
0x83: {  	_ =	shalt  }
0x84: {  	_ =	shalt  }
0x85: {  	_ =	shalt  }
0x86: {  	_ =	shalt  }
0x87: {  	_ =	shalt  }
.Lfunc_end0:
.L_simem_size_0:
called_computation.1_lowered:
.L_overlay_start_0:
0x88: {  	s2 =	sld [smem:$0x3FD9]  }
0x89: {  	s3 =	sld [smem:$0x3FFE];
	_ =	sdelay $0x1  }
0x8a: {  	s1 =	srdreg.scid  }
0x8b: {  	s0 =	sand.u32 $0x1, s1  }
0x8c: {  	s17 =	sshll.u32 s0, $0xA;
	s2 =	sadd.s32 s3, s2  }
0x8d: {  	s2 =	sadd.s32 s2, s17  }
0x8e: {  	[smem:$0x3FBF] =	sst s2  }
0x8f: {  	_ = 	snop  }
0x90: {  	s2 =	sld [smem:$0x3FC9]  }
0x91: {  	s18 =	sld [smem:$0x3FC8]  }
0x92: {  	s4 =	sld [smem:$0x3FC6];
	(tm) =	ssettm $0x1  }
0x93: {  	s5 =	sld [smem:$0x3FFB];
	_ =	sdelay $0x3  }
0x94: {  	_ =	strace s5  }
0x95: {  	s5 =	sld [smem:$0x3FFC];
	_ =	sdelay $0x3  }
0x96: {  	_ =	strace s5  }
0x97: {  	s5 =	sld [smem:$0x3FFD];
	_ =	sdelay $0x3  }
0x98: {  	_ =	strace s5  }
0x99: {  	_ =	strace $0x8FFFFFFF  }
0x9a: {  	s19 =	sld [smem:$0x3FDB];
	_ =	sdelay $0x1  }
0x9b: {  	s6 =	simm.s32 $_scs_section_size  }
0x9c: {  	s7 =	simm.s32 $_size__tile_overlayer_lowered;
	s8 =	simm.s32 $_tile_overlayer_lowered  }
0x9d: {  	s22 =	simm.s32 $0x1BFF;
	s21 =	sshll.u32 s8, $0x1;
	s5 =	sadd.s32 s6, s19  }
0x9e: {  	s9 =	simm.s32 $0x0;
	s20 =	sshll.u32 s7, $0x1;
	s7 =	sadd.s32 s21, s5  }
0x9f: {  	[timem:s9], [sflag:s22] =	dma.local [hbm:s7], s20  }
0xa0: {  	_ =	swait.ge [sflag:s22], s20  }
0xa1: {  	s6 =	ssub.s32 $0x0, s20;
	[sflag:s22] =	ssyncset.done $0x0  }
0xa2: {  	[sflag:s22] =	ssyncadd.s32 s6;
	_ =	sdelay $0x1  }
0xa3: {  	s23 =	simm.s32 $0x1B8B  }
0xa4: {  	_ =	swait.ge [sflag:s23], $0x1  }
0xa5: {  	[sflag:s23] =	ssyncset.done $0x0  }
0xa6: {  	s25 =	simm.s32 $0x1B8E;
	s24 =	sld [smem:$0x3FFE];
	[sflag:s23] =	ssyncadd.s32 $0xFFFFFFFF  }
0xa7: {  	s26 =	simm.s32 $execute0_lowered;
	[smem:$0x3FD2] =	sst s25  }
0xa8: {  	s7 =	sshll.u32 s26, $0x1;
	_ =	strace $0x80000046;
	[dreg:$0x1] =	wrdreg $0xFFFFFFFF  }
0xa9: {  	s28 =	simm.s32 $_size_execute0_lowered;
	s5 =	sadd.s32 s5, s7;
	[dreg:$0x0] =	wrdreg $0x0  }
0xaa: {  	s7 =	sshll.u32 s28, $0x1;
	[dreg:$0x2] =	wrdreg s5  }
0xab: {  	[dreg:$0x3] =	wrdreg s7  }
0xac: {  	[dreg:$0x4] =	wrdreg $0xC0  }
0xad: {  	_ =	task [dreg:s9], $0x5FFFF  }
0xae: {  	[dreg:$0x1] =	wrdreg $0xFFFFFFFF  }
0xaf: {  	[dreg:$0x0] =	wrdreg $0x60  }
0xb0: {  	[dreg:$0x2] =	wrdreg s2  }
0xb1: {  	[dreg:$0x3] =	wrdreg s18  }
0xb2: {  	[dreg:$0x4] =	wrdreg s24  }
0xb3: {  	[dreg:$0x5] =	wrdreg s4  }
0xb4: {  	[dreg:$0x6] =	wrdreg $0x0  }
0xb5: {  	[dreg:$0x7] =	wrdreg $0xA  }
0xb6: {  	_ =	task.clear_ibuf [dreg:s9], $0x8FFFF;
	_ =	strace $0x90000046  }
0xb7: {  	s29 =	simm.s32 $0xA;
	_ =	strace $0x80000048  }
0xb8: {  	_ =	swait.ge [sflag:s29], $0x1  }
0xb9: {  	[sflag:s29] =	ssyncadd.s32 $0xFFFFFFFF  }
0xba: {  	_ =	strace $0x90000048  }
0xbb: {  	_ =	sfence  }
0xbc: {  	s30 =	sld [smem:$0x0];
	_ =	sdelay $0x2  }
0xbd: {  	s31 =	sshll.u32 s1, $0xD;
	s1 =	sshrl.u32 s1, $0x2  }
0xbe: {  	s3 =	sand.u32 $0x4000, s31;
	s1 =	sadd.s32 s1, s30  }
0xbf: {  	s0 =	sor.u32 s3, s0;
	s1 =	sshll.u32 s1, $0x11  }
0xc0: {  	s0 =	sor.u32 s1, s0  }
0xc1: {  	s0 =	sadd.s32 $0x8F2B, s0  }
0xc2: {  	[sflag:s0] =	ssyncadd.remote.s32 $0x1  }
0xc3: {  	_ =	sfence.sel $0xFFFF  }
0xc4: {  	[dreg:$0x0] =	wrdreg $0xFFFFFFFF;
	(pc) =	sbr.abs _section_cstart, $3  }
0xc5: {  	[dreg:$0x1] =	wrdreg $0xFFFFFFFF  }
0xc6: {  	_ =	task.clear_ibuf [dreg:s9], $0x2FFFF;
	_ =	strace $0x9FFFFFFF  }
0xc7: {  	(tm) =	ssettm $0x7FFFFFFF  }
tec
execute0_lowered:
.L_overlay_start_1:
0x0: {  	(tag) =	ssettag $0x1  }
0x1: {  	s1 =	rddreg [dreg:$0x0]  }
0x2: {  	s2 =	rddreg [dreg:$0x1]  }
0x3: {  	s0 =	rddreg [dreg:$0x2]  }
0x4: {  	s21 =	rddreg [dreg:$0x3]  }
0x5: {  	s4 =	rddreg [dreg:$0x4]  }
0x6: {  	s5 =	simm.s32 $0x0;
	s3 =	srdreg.scid;
	s22 =	stileid.u32  }
0x7: {  	s13 =	simm.s32 $0x16800;
	s28 =	simm.s32 $0x80;
	s29 =	simm.s32 $0x5  }
0x8: {  	s30 =	simm.s32 $0x2;
	s8 =	smul.u32 $0x500, s22;
	s9 =	sor.u32 $0x10, s22  }
0x9: {  	s31 =	simm.s32 $0x4;
	s10 =	sor.u32 $0x20, s22;
	s26 =	smul.u32 $0x500, s9  }
0xa: {  	[smem:$0x7FF] =	sst s5;
	s12 =	sor.u32 $0x30, s22;
	s11 =	smul.u32 $0x500, s10  }
0xb: {  	s3 =	sand.u32 $0x1, s3;
	s15 =	sor.u32 $0x40, s22;
	s14 =	smul.u32 $0x500, s12  }
0xc: {  	s17 =	sor.u32 $0x50, s22;
	s20 =	sor.u32 $0x60, s22;
	s16 =	smul.u32 $0x500, s15  }
0xd: {  	s19 =	sor.u32 $0x70, s22;
	_ =	strace $0x80000047;
	s18 =	smul.u32 $0x500, s17  }
0xe: {  	s6 =	ssub.s32 $0x2, s3;
	p0 =	seq.s32 s3, $0x0;
	s23 =	smul.u32 $0x500, s19  }
0xf: {  	p1 =	sgt.u32 s19, $0x7C;
	s7 =	sshrl.u32 s6, $0x1;
	s13 =	simm.s32 @!p0 $0x3DA00  }
0x10: {  	p2 =	sne.s32 s3, $0x0;
	s6 =	ssub.s32 s6, s7;
	s13 =	sadd.s32 s13, s0  }
0x11: {  	s8 =	sadd.s32 s13, s8;
	s7 =	sadd.s32 s13, s26;
	s11 =	sadd.s32 s13, s11  }
0x12: {  	s24 =	sadd.s32 s13, s14;
	s14 =	smul.u32 $0x4E20, s22;
	[dreg:$0x6] =	wrdreg s8  }
0x13: {  	s26 =	sadd.s32 s13, s18;
	s18 =	smul.u32 $0xA000, s19;
	[dreg:$0x7] =	wrdreg s7  }
0x14: {  	s25 =	sadd.s32 s13, s16;
	s19 =	smul.u32 $0xA000, s22;
	[dreg:$0x8] =	wrdreg s11  }
0x15: {  	s16 =	sadd.s32 $0x2C00, s0;
	s8 =	smul.u32 $0x500, s20;
	[dreg:$0x9] =	wrdreg s24  }
0x16: {  	[dreg:$0xa] =	wrdreg s25;
	s7 =	sadd.s32 s13, s23;
	s23 =	smul.u32 $0xA000, s9  }
0x17: {  	s6 =	smax.u32 s6, $0x1;
	[dreg:$0xb] =	wrdreg s26;
	s25 =	smul.u32 $0xA000, s10  }
0x18: {  	s11 =	sadd.s32 $0xCA00, s0;
	[dreg:$0xf] =	wrdreg s6;
	s26 =	smul.u32 $0xA000, s12  }
0x19: {  	[dreg:$0xd] =	wrdreg s7;
	s3 =	sshrl.u32 s14, $0x3;
	s0 =	sshrl.u32 s19, $0x2  }
0x1a: {  	s24 =	sshrl.u32 s18, $0x2;
	s7 =	smul.u32 $0xA000, s15;
	[dreg:$0xe] =	wrdreg s11  }
0x1b: {  	s8 =	sadd.s32 s13, s8;
	s18 =	sadd.s32 s0, s4;
	s19 =	sadd.s32 s24, s4  }
0x1c: {  	s6 =	sshrl.u32 s23, $0x2;
	s12 =	sadd.s32 s21, s3;
	[dreg:$0xc] =	wrdreg s8  }
0x1d: {  	s13 =	sadd.s32 s16, s3;
	s9 =	sadd.s32 $0x9C0, s3;
	[dreg:$0x10] =	wrdreg s12  }
0x1e: {  	s14 =	sadd.s32 s11, s3;
	s24 =	sadd.s32 $0x9B0, s3;
	[dreg:$0x11] =	wrdreg s13  }
0x1f: {  	s23 =	smul.u32 $0xA000, s17;
	s25 =	sshrl.u32 s25, $0x2;
	[dreg:$0x13] =	wrdreg s14  }
0x20: {  	s0 =	sshrl.u32 s26, $0x2;
	s15 =	sadd.s32 s6, s4;
	[dreg:$0x12] =	wrdreg s9  }
0x21: {  	s26 =	smul.u32 $0xA000, s20;
	s6 =	sadd.s32 s25, s4;
	[dreg:$0x14] =	wrdreg s15  }
0x22: {  	s0 =	sadd.s32 s0, s4;
	s10 =	sshrl.u32 s7, $0x2;
	[dreg:$0x15] =	wrdreg s6  }
0x23: {  	s13 =	smul.u32 $0x9C4, s22;
	s17 =	sadd.s32 s16, s9;
	[dreg:$0x16] =	wrdreg s0  }
0x24: {  	s20 =	sadd.s32 $0x28000, s18;
	s22 =	sadd.s32 $0x78000, s18;
	[dreg:$0x1a] =	wrdreg s17  }
0x25: {  	s25 =	sadd.s32 $0xC8000, s18;
	s7 =	simm.s32 $0x0;
	[dreg:$0x1b] =	wrdreg s20  }
0x26: {  	s3 =	sshrl.u32 s23, $0x2;
	s12 =	sshrl.u32 s26, $0x2;
	[dreg:$0x1d] =	wrdreg s22  }
0x27: {  	s0 =	sadd.s32 s10, s4;
	s23 =	sadd.s32 $0xA0000, s18;
	[dreg:$0x1f] =	wrdreg s25  }
0x28: {  	s26 =	sadd.s32 $0xF0000, s18;
	s17 =	simm.s32 $0x13900;
	s25 =	simm.s32 $0x1  }
0x29: {  	[dreg:$0x17] =	wrdreg s0;
	s14 =	sadd.s32 s3, s4;
	s15 =	sadd.s32 s12, s4  }
0x2a: {  	s0 =	sadd.s32 s13, s16;
	s6 =	sadd.s32 s13, s21;
	[dreg:$0x1e] =	wrdreg s23  }
.Ltmp0:
0x2b: {  	s3 =	sadd.s32 s13, s11;
	[smem:$0x7FD] =	sst s26;
	(pc) =	sbr.rel .LBB2_1-.Ltmp0, $4  }
0x2c: {  	s21 =	sadd.s32 $0x50000, s18;
	s11 =	simm.s32 $0x13B80;
	[dreg:$0x18] =	wrdreg s14  }
0x2d: {  	s12 =	simm.s32 $0x6;
	s13 =	simm.s32 $0x13880;
	[dreg:$0x19] =	wrdreg s15  }
0x2e: {  	s26 =	simm.s32 $0x3;
	s23 =	simm.s32 $0x20;
	[dreg:$0x1c] =	wrdreg s21  }
0x2f: {  	v0 =	vimm.f32 $0.0e+00;
	s14 =	simm.s32 $0x13980;
	s21 =	simm.s32 $0x13A00;
	s15 =	simm.s32 $0x7  }
.LBB2_9:
0x30: {  	s9 =	sadd.s32 $0x9B0, s10;
	s8 =	sadd.s32 s8, s0;
	[sflag:s12] =	ssyncadd.s32 $0xFFFFC000  }
0x31: {  	[tilespmem:s17], [sflag:$0x2] =	stream.linear.gather [hbm4b:s9+s5], $0x80, $0x38;
	[tilespmem:$0x17B80] =	vst v63  }
0x32: {  	s20 =	sadd.s32 $0x9B0, s8  }
0x33: {  	[tilespmem:s21], [sflag:$0x4] =	stream.linear.gather [hbm4b:s20+s5], $0x80, $0x38;
	[tilespmem:$0x17B80] =	vst v63  }
0x34: {  	_ =	swait.ge [sflag:s25], $0x80  }
0x35: {  	[sflag:s25] =	ssyncset.done $0x0  }
0x36: {  	[sflag:s25] =	ssyncadd.s32 $0xFFFFFF80  }
0x37: {  	_ =	swait.ge [sflag:s26], $0x80  }
0x38: {  	[sflag:s26] =	ssyncset.done $0x0  }
0x39: {  	[sflag:s26] =	ssyncadd.s32 $0xFFFFFF80  }
0x3a: {  	[tilespmem:s11], [sflag:$0x5] =	stream.indirect.gather [hbm4b:s2+s28], $0x80, s13, s28, $0xb8;
	[tilespmem:$0x17B80] =	vst v63  }
0x3b: {  	_ =	swait.ge [sflag:s29], $0x4000  }
0x3c: {  	[sflag:s29] =	ssyncset.done $0x0  }
0x3d: {  	[sflag:s29] =	ssyncadd.s32 $0xFFFFC000  }
0x3e: {  	[spmem:s4] =	stream.indirect.scatter.add.f32 [tilespmem:s11], [sflag:$0x6], $0x80, s14, s28, $0xb8;
	[tilespmem:$0x17B80] =	vst v63  }
0x3f: {  	_ =	swait.ge [sflag:s12], $0x4000  }
0x40: {  	[sflag:s12] =	ssyncset.done $0x0  }
0x41: {  	s22 =	sadd.s32 $0x9C0, s10;
	[sflag:s12] =	ssyncadd.s32 $0xFFFFC000  }
0x42: {  	[tilespmem:s13], [sflag:$0x1] =	stream.linear.gather [hbm4b:s22+s5], $0x80, $0x38;
	[tilespmem:$0x17B80] =	vst v63  }
0x43: {  	s8 =	sadd.s32 $0x9C0, s8  }
0x44: {  	[tilespmem:s14], [sflag:$0x3] =	stream.linear.gather [hbm4b:s8+s5], $0x80, $0x38;
	[tilespmem:$0x17B80] =	vst v63  }
0x45: {  	_ =	swait.ge [sflag:s30], $0x80  }
0x46: {  	[sflag:s30] =	ssyncset.done $0x0  }
0x47: {  	[sflag:s30] =	ssyncadd.s32 $0xFFFFFF80  }
0x48: {  	_ =	swait.ge [sflag:s31], $0x80  }
0x49: {  	[sflag:s31] =	ssyncset.done $0x0  }
0x4a: {  	[sflag:s31] =	ssyncadd.s32 $0xFFFFFF80  }
0x4b: {  	[tilespmem:s11], [sflag:$0x5] =	stream.indirect.gather [hbm4b:s2+s28], $0x80, s17, s28, $0xb8;
	[tilespmem:$0x17B80] =	vst v63  }
0x4c: {  	_ =	swait.ge [sflag:s29], $0x4000  }
0x4d: {  	[sflag:s29] =	ssyncset.done $0x0  }
0x4e: {  	[sflag:s29] =	ssyncadd.s32 $0xFFFFC000  }
0x4f: {  	[spmem:s4] =	stream.indirect.scatter.add.f32 [tilespmem:s11], [sflag:$0x6], $0x80, s21, s28, $0xb8;
	[tilespmem:$0x17B80] =	vst v63  }
0x50: {  	_ =	swait.ge [sflag:s12], $0x4000  }
0x51: {  	[sflag:s12] =	ssyncset.done $0x0  }
0x52: {  	[sflag:s12] =	ssyncadd.s32 $0xFFFFC000  }
0x53: {  	s8 =	smov.u32 s2;
	s9 =	rddreg [dreg:$0x3]  }
.LBB2_10:
0x54: {  	s10 =	sadd.s32 s9, s24  }
0x55: {  	[tilespmem:s17], [sflag:$0x2] =	stream.linear.gather [hbm4b:s10+s5], $0x80, $0x38;
	[tilespmem:$0x17B80] =	vst v63  }
0x56: {  	s20 =	sadd.s32 s16, s24  }
0x57: {  	[tilespmem:s21], [sflag:$0x4] =	stream.linear.gather [hbm4b:s20+s5], $0x80, $0x38;
	[tilespmem:$0x17B80] =	vst v63  }
0x58: {  	_ =	swait.ge [sflag:s25], $0x80  }
0x59: {  	[sflag:s25] =	ssyncset.done $0x0  }
0x5a: {  	[sflag:s25] =	ssyncadd.s32 $0xFFFFFF80  }
0x5b: {  	_ =	swait.ge [sflag:s26], $0x80  }
0x5c: {  	[sflag:s26] =	ssyncset.done $0x0  }
0x5d: {  	[sflag:s26] =	ssyncadd.s32 $0xFFFFFF80  }
0x5e: {  	[tilespmem:s11], [sflag:$0x5] =	stream.indirect.gather [hbm4b:s8+s28], $0x80, s13, s28, $0xb8;
	[tilespmem:$0x17B80] =	vst v63  }
0x5f: {  	_ =	swait.ge [sflag:s29], $0x4000  }
0x60: {  	[sflag:s29] =	ssyncset.done $0x0  }
0x61: {  	[sflag:s29] =	ssyncadd.s32 $0xFFFFC000  }
0x62: {  	[spmem:s4] =	stream.indirect.scatter.add.f32 [tilespmem:s11], [sflag:$0x6], $0x80, s14, s28, $0xb8;
	[tilespmem:$0x17B80] =	vst v63  }
0x63: {  	_ =	swait.ge [sflag:s12], $0x4000  }
0x64: {  	[sflag:s12] =	ssyncset.done $0x0  }
0x65: {  	[sflag:s12] =	ssyncadd.s32 $0xFFFFC000  }
0x66: {  	_ =	swait.ge [sflag:s30], $0x80  }
0x67: {  	[sflag:s30] =	ssyncset.done $0x0  }
0x68: {  	[sflag:s30] =	ssyncadd.s32 $0xFFFFFF80  }
0x69: {  	_ =	swait.ge [sflag:s31], $0x80  }
0x6a: {  	[sflag:s31] =	ssyncset.done $0x0  }
0x6b: {  	[sflag:s31] =	ssyncadd.s32 $0xFFFFFF80  }
0x6c: {  	[tilespmem:s11], [sflag:$0x5] =	stream.indirect.gather [hbm4b:s8+s28], $0x80, s17, s28, $0xb8;
	[tilespmem:$0x17B80] =	vst v63  }
0x6d: {  	_ =	swait.ge [sflag:s29], $0x4000  }
0x6e: {  	[sflag:s29] =	ssyncset.done $0x0  }
0x6f: {  	[sflag:s29] =	ssyncadd.s32 $0xFFFFC000  }
0x70: {  	[spmem:s4] =	stream.indirect.scatter.add.f32 [tilespmem:s11], [sflag:$0x6], $0x80, s21, s28, $0xb8;
	[tilespmem:$0x17B80] =	vst v63  }
0x71: {  	_ =	swait.ge [sflag:s12], $0x4000  }
0x72: {  	[sflag:s12] =	ssyncset.done $0x0;
	s22 =	rddreg [dreg:$0x12]  }
0x73: {  	s10 =	simm.s32 $0x13A80;
	s20 =	sadd.s32 s9, s22;
	[sflag:s12] =	ssyncadd.s32 $0xFFFFC000  }
0x74: {  	[tilespmem:s10], [sflag:$0x6] =	stream.linear.gather [hbm4b:s20+s5], $0x20, $0x38;
	[tilespmem:$0x17B80] =	vst v63  }
0x75: {  	_ =	swait.ge [sflag:s12], $0x20  }
0x76: {  	[sflag:s12] =	ssyncset.done $0x0  }
0x77: {  	s20 =	simm.s32 $0x13B00;
	s22 =	rddreg [dreg:$0x1a];
	[sflag:s12] =	ssyncadd.s32 $0xFFFFFFE0  }
0x78: {  	[tilespmem:s20], [sflag:$0x6] =	stream.linear.gather [hbm4b:s22+s5], $0x20, $0x38;
	[tilespmem:$0x17B80] =	vst v63  }
0x79: {  	_ =	swait.ge [sflag:s12], $0x20  }
0x7a: {  	[sflag:s12] =	ssyncset.done $0x0  }
0x7b: {  	[sflag:s12] =	ssyncadd.s32 $0xFFFFFFE0  }
0x7c: {  	[tilespmem:s11], [sflag:$0x5] =	stream.indirect.gather [hbm4b:s8+s23], $0x80, s10, s23, $0xb8;
	[tilespmem:$0x17B80] =	vst v63  }
0x7d: {  	_ =	swait.ge [sflag:s29], $0x1000  }
0x7e: {  	[sflag:s29] =	ssyncset.done $0x0  }
0x7f: {  	[sflag:s29] =	ssyncadd.s32 $0xFFFFF000  }
0x80: {  	[spmem:s4] =	stream.indirect.scatter.add.f32 [tilespmem:s11], [sflag:$0x6], $0x80, s20, s23, $0xb8;
	[tilespmem:$0x17B80] =	vst v63  }
0x81: {  	_ =	swait.ge [sflag:s12], $0x1000  }
0x82: {  	[sflag:s12] =	ssyncset.done $0x0  }
0x83: {  	[sflag:s12] =	ssyncadd.s32 $0xFFFFF000  }
0x84: {  	[bflag:$0x0] =	sbarrier.arrive $0xFFFF  }
0x85: {  	[tilespmem:s11], [sflag:$0x7] =	stream.linear.gather [spmem:s18], $0x2800, $0x38;
	[tilespmem:$0x17B80] =	vst v63  }
0x86: {  	_ =	swait.ge [sflag:s15], $0x2800  }
0x87: {  	s8 =	simm.s32 $0x7;
	[sflag:s15] =	ssyncset.done $0x0  }
0x88: {  	s8 =	simm.s32 @!p0 $0x6;
	s20 =	rddreg [dreg:$0x6];
	[sflag:s15] =	ssyncadd.s32 $0xFFFFD800  }
0x89: {  	[hbm4b:s20+s5] =	stream.linear.scatter [tilespmem:s11], [sflag:s8], $0x2800, $0x38;
	[tilespmem:$0x17B80] =	vst v63  }
0x8a: {  	_ =	swait.ge [sflag:s8], $0x2800  }
0x8b: {  	[sflag:s8] =	ssyncset.done $0x0  }
0x8c: {  	s22 =	rddreg [dreg:$0x14];
	[sflag:s8] =	ssyncadd.s32 $0xFFFFD800  }
0x8d: {  	[tilespmem:s11], [sflag:$0x7] =	stream.linear.gather [spmem:s22], $0x2800, $0x38;
	[tilespmem:$0x17B80] =	vst v63  }
0x8e: {  	_ =	swait.ge [sflag:s15], $0x2800  }
0x8f: {  	[sflag:s15] =	ssyncset.done $0x0  }
0x90: {  	s10 =	rddreg [dreg:$0x7];
	[sflag:s15] =	ssyncadd.s32 $0xFFFFD800  }
0x91: {  	[hbm4b:s10+s5] =	stream.linear.scatter [tilespmem:s11], [sflag:s8], $0x2800, $0x38;
	[tilespmem:$0x17B80] =	vst v63  }
0x92: {  	_ =	swait.ge [sflag:s8], $0x2800  }
0x93: {  	[sflag:s8] =	ssyncset.done $0x0  }
0x94: {  	s20 =	rddreg [dreg:$0x15];
	[sflag:s8] =	ssyncadd.s32 $0xFFFFD800  }
0x95: {  	[tilespmem:s11], [sflag:$0x7] =	stream.linear.gather [spmem:s20], $0x2800, $0x38;
	[tilespmem:$0x17B80] =	vst v63  }
0x96: {  	_ =	swait.ge [sflag:s15], $0x2800  }
0x97: {  	[sflag:s15] =	ssyncset.done $0x0  }
0x98: {  	s22 =	rddreg [dreg:$0x8];
	[sflag:s15] =	ssyncadd.s32 $0xFFFFD800  }
0x99: {  	[hbm4b:s22+s5] =	stream.linear.scatter [tilespmem:s11], [sflag:s8], $0x2800, $0x38;
	[tilespmem:$0x17B80] =	vst v63  }
0x9a: {  	_ =	swait.ge [sflag:s8], $0x2800  }
0x9b: {  	[sflag:s8] =	ssyncset.done $0x0  }
0x9c: {  	s10 =	rddreg [dreg:$0x16];
	[sflag:s8] =	ssyncadd.s32 $0xFFFFD800  }
0x9d: {  	[tilespmem:s11], [sflag:$0x7] =	stream.linear.gather [spmem:s10], $0x2800, $0x38;
	[tilespmem:$0x17B80] =	vst v63  }
0x9e: {  	_ =	swait.ge [sflag:s15], $0x2800  }
0x9f: {  	[sflag:s15] =	ssyncset.done $0x0  }
0xa0: {  	s20 =	rddreg [dreg:$0x9];
	[sflag:s15] =	ssyncadd.s32 $0xFFFFD800  }
0xa1: {  	[hbm4b:s20+s5] =	stream.linear.scatter [tilespmem:s11], [sflag:s8], $0x2800, $0x38;
	[tilespmem:$0x17B80] =	vst v63  }
0xa2: {  	_ =	swait.ge [sflag:s8], $0x2800  }
0xa3: {  	[sflag:s8] =	ssyncset.done $0x0  }
0xa4: {  	s22 =	rddreg [dreg:$0x17];
	[sflag:s8] =	ssyncadd.s32 $0xFFFFD800  }
0xa5: {  	[tilespmem:s11], [sflag:$0x7] =	stream.linear.gather [spmem:s22], $0x2800, $0x38;
	[tilespmem:$0x17B80] =	vst v63  }
0xa6: {  	_ =	swait.ge [sflag:s15], $0x2800  }
0xa7: {  	[sflag:s15] =	ssyncset.done $0x0  }
0xa8: {  	s10 =	rddreg [dreg:$0xa];
	[sflag:s15] =	ssyncadd.s32 $0xFFFFD800  }
0xa9: {  	[hbm4b:s10+s5] =	stream.linear.scatter [tilespmem:s11], [sflag:s8], $0x2800, $0x38;
	[tilespmem:$0x17B80] =	vst v63  }
0xaa: {  	_ =	swait.ge [sflag:s8], $0x2800  }
0xab: {  	[sflag:s8] =	ssyncset.done $0x0  }
0xac: {  	s20 =	rddreg [dreg:$0x18];
	[sflag:s8] =	ssyncadd.s32 $0xFFFFD800  }
0xad: {  	[tilespmem:s11], [sflag:$0x7] =	stream.linear.gather [spmem:s20], $0x2800, $0x38;
	[tilespmem:$0x17B80] =	vst v63  }
0xae: {  	_ =	swait.ge [sflag:s15], $0x2800  }
0xaf: {  	[sflag:s15] =	ssyncset.done $0x0  }
0xb0: {  	s22 =	rddreg [dreg:$0xb];
	[sflag:s15] =	ssyncadd.s32 $0xFFFFD800  }
0xb1: {  	[hbm4b:s22+s5] =	stream.linear.scatter [tilespmem:s11], [sflag:s8], $0x2800, $0x38;
	[tilespmem:$0x17B80] =	vst v63  }
0xb2: {  	_ =	swait.ge [sflag:s8], $0x2800  }
0xb3: {  	[sflag:s8] =	ssyncset.done $0x0  }
0xb4: {  	s10 =	rddreg [dreg:$0x19];
	[sflag:s8] =	ssyncadd.s32 $0xFFFFD800  }
0xb5: {  	[tilespmem:s11], [sflag:$0x7] =	stream.linear.gather [spmem:s10], $0x2800, $0x38;
	[tilespmem:$0x17B80] =	vst v63  }
0xb6: {  	_ =	swait.ge [sflag:s15], $0x2800  }
0xb7: {  	[sflag:s15] =	ssyncset.done $0x0  }
0xb8: {  	s20 =	rddreg [dreg:$0xc];
	[sflag:s15] =	ssyncadd.s32 $0xFFFFD800  }
0xb9: {  	[hbm4b:s20+s5] =	stream.linear.scatter [tilespmem:s11], [sflag:s8], $0x2800, $0x38;
	[tilespmem:$0x17B80] =	vst v63  }
0xba: {  	_ =	swait.ge [sflag:s8], $0x2800  }
0xbb: {  	[sflag:s8] =	ssyncset.done $0x0  }
0xbc: {  	s9 =	simm.s32 @!p1 $0x13B80;
	s10 =	simm.s32 @!p1 $0x7;
	[sflag:s8] =	ssyncadd.s32 $0xFFFFD800  }
0xbd: {  	[tilespmem:s9], [sflag:$0x7] =	stream.linear.gather @!p1 [spmem:s19], $0x2800, $0x38;
	[tilespmem:$0x17B80] =	vst v63  }
0xbe: {  	_ =	swait.ge @!p1 [sflag:s10], $0x2800  }
0xbf: {  	[sflag:s10] =	ssyncset.done @!p1 $0x0  }
0xc0: {  	s20 =	rddreg [dreg:$0xd];
	[sflag:s10] =	ssyncadd.s32 @!p1 $0xFFFFD800;
	s10 =	simm.s32 @!p1 $0x0  }
0xc1: {  	[hbm4b:s20+s10] =	stream.linear.scatter @!p1 [tilespmem:s9], [sflag:s8], $0x2800, $0x38;
	[tilespmem:$0x17B80] =	vst v63  }
0xc2: {  	_ =	swait.ge @!p1 [sflag:s8], $0x2800  }
0xc3: {  	s7 =	sadd.s32 $0x1, s7;
	s22 =	rddreg [dreg:$0xf]  }
0xc4: {  	p3 =	sne.s32 s7, s22  }
.Ltmp1:
0xc5: {  	_ = 	snop;
	(pc) =	sbr.rel @!p3 .LBB2_11-.Ltmp1, $3  }
0xc6: {  	_ =	sdelay $0x1  }
0xc7: {  	[sflag:s8] =	ssyncset.done @!p1 $0x0  }
0xc8: {  	[sflag:s8] =	ssyncadd.s32 @!p1 $0xFFFFD800  }
.LBB2_1:
0xc9: {  	s8 =	simm.s32 $0x70;
	s9 =	simm.s32 $0x3C0  }
.LBB2_2:
0xca: {  	p3 =	sne.s32 s9, $0x9FC0;
	[tilespmem:s8+$0x13B80] =	vst v0  }
0xcb: {  	[tilespmem:s8+$0x13B10] =	vst v0  }
0xcc: {  	[tilespmem:s8+$0x13B20] =	vst v0  }
.Ltmp2:
0xcd: {  	[tilespmem:s8+$0x13B30] =	vst v0;
	(pc) =	sbr.rel @p3 .LBB2_2-.Ltmp2, $4  }
0xce: {  	[tilespmem:s8+$0x13B40] =	vst v0  }
0xcf: {  	[tilespmem:s8+$0x13B50] =	vst v0  }
0xd0: {  	[tilespmem:s8+$0x13B60] =	vst v0  }
0xd1: {  	[tilespmem:s8+$0x13B70] =	vst v0;
	s8 =	sshra.s32 s9, $0x2;
	s9 =	sadd.s32 $0x200, s9  }
0xd2: {  	[tilespmem:s8+$0x13B80] =	vst v0  }
0xd3: {  	[tilespmem:s8+$0x13B10] =	vst v0  }
0xd4: {  	[tilespmem:s8+$0x13B20] =	vst v0  }
0xd5: {  	[tilespmem:s8+$0x13B30] =	vst v0  }
0xd6: {  	[tilespmem:s8+$0x13B40] =	vst v0  }
0xd7: {  	[tilespmem:s8+$0x13B50] =	vst v0  }
0xd8: {  	[tilespmem:s8+$0x13B60] =	vst v0  }
0xd9: {  	[tilespmem:s8+$0x13B70] =	vst v0  }
0xda: {  	[spmem:s18] =	stream.linear.scatter [tilespmem:s11], [sflag:$0x6], $0x2800, $0x38;
	[tilespmem:$0x17B80] =	vst v63  }
0xdb: {  	_ =	swait.ge [sflag:s12], $0x2800  }
0xdc: {  	[sflag:s12] =	ssyncset.done $0x0  }
0xdd: {  	s20 =	rddreg [dreg:$0x1b];
	[sflag:s12] =	ssyncadd.s32 $0xFFFFD800  }
0xde: {  	[spmem:s20] =	stream.linear.scatter [tilespmem:s11], [sflag:$0x6], $0x2800, $0x38;
	[tilespmem:$0x17B80] =	vst v63  }
0xdf: {  	_ =	swait.ge [sflag:s12], $0x2800  }
0xe0: {  	[sflag:s12] =	ssyncset.done $0x0  }
0xe1: {  	s22 =	rddreg [dreg:$0x1c];
	[sflag:s12] =	ssyncadd.s32 $0xFFFFD800  }
0xe2: {  	[spmem:s22] =	stream.linear.scatter [tilespmem:s11], [sflag:$0x6], $0x2800, $0x38;
	[tilespmem:$0x17B80] =	vst v63  }
0xe3: {  	_ =	swait.ge [sflag:s12], $0x2800  }
0xe4: {  	[sflag:s12] =	ssyncset.done $0x0  }
0xe5: {  	s9 =	rddreg [dreg:$0x1d];
	[sflag:s12] =	ssyncadd.s32 $0xFFFFD800  }
0xe6: {  	[spmem:s9] =	stream.linear.scatter [tilespmem:s11], [sflag:$0x6], $0x2800, $0x38;
	[tilespmem:$0x17B80] =	vst v63  }
0xe7: {  	_ =	swait.ge [sflag:s12], $0x2800  }
0xe8: {  	[sflag:s12] =	ssyncset.done $0x0  }
0xe9: {  	s10 =	rddreg [dreg:$0x1e];
	[sflag:s12] =	ssyncadd.s32 $0xFFFFD800  }
0xea: {  	[spmem:s10] =	stream.linear.scatter [tilespmem:s11], [sflag:$0x6], $0x2800, $0x38;
	[tilespmem:$0x17B80] =	vst v63  }
0xeb: {  	_ =	swait.ge [sflag:s12], $0x2800  }
0xec: {  	[sflag:s12] =	ssyncset.done $0x0  }
0xed: {  	s20 =	rddreg [dreg:$0x1f];
	[sflag:s12] =	ssyncadd.s32 $0xFFFFD800  }
0xee: {  	[spmem:s20] =	stream.linear.scatter [tilespmem:s11], [sflag:$0x6], $0x2800, $0x38;
	[tilespmem:$0x17B80] =	vst v63  }
0xef: {  	_ =	swait.ge [sflag:s12], $0x2800  }
0xf0: {  	s22 =	sld [smem:$0x7FD]  }
0xf1: {  	[sflag:s12] =	ssyncset.done $0x0  }
0xf2: {  	[sflag:s12] =	ssyncadd.s32 $0xFFFFD800  }
0xf3: {  	[spmem:s22] =	stream.linear.scatter [tilespmem:s11], [sflag:$0x6], $0x2800, $0x38;
	[tilespmem:$0x17B80] =	vst v63  }
0xf4: {  	_ =	swait.ge [sflag:s12], $0x2800  }
0xf5: {  	[sflag:s12] =	ssyncset.done $0x0  }
0xf6: {  	s8 =	simm.s32 @!p1 $0x13B80;
	[sflag:s12] =	ssyncadd.s32 $0xFFFFD800  }
0xf7: {  	[spmem:s19] =	stream.linear.scatter @!p1 [tilespmem:s8], [sflag:$0x6], $0x2800, $0x38;
	[tilespmem:$0x17B80] =	vst v63  }
0xf8: {  	s8 =	simm.s32 @!p1 $0x6  }
.Ltmp3:
0xf9: {  	_ =	swait.ge @!p1 [sflag:s8], $0x2800;
	(pc) =	sbr.rel @p2 .LBB2_7-.Ltmp3, $3  }
0xfa: {  	[sflag:s8] =	ssyncset.done @!p1 $0x0  }
0xfb: {  	[sflag:s8] =	ssyncadd.s32 @!p1 $0xFFFFD800  }
0xfc: {  	[bflag:$0x0] =	sbarrier.arrive $0xFFFF;
	_ =	sdelay $0x1  }
0xfd: {  	s8 =	rddreg [dreg:$0x13]  }
0xfe: {  	[tilespmem:s13], [sflag:$0x1] =	stream.linear.gather [hbm4b:s8+s5], $0x80, $0x38;
	[tilespmem:$0x17B80] =	vst v63  }
0xff: {  	s20 =	rddreg [dreg:$0x11];
	s22 =	sadd.s32 $0xFFFFF660, s3  }
0x100: {  	[tilespmem:s14], [sflag:$0x3] =	stream.linear.gather [hbm4b:s20+s5], $0x80, $0x38;
	[tilespmem:$0x17B80] =	vst v63  }
0x101: {  	s10 =	sadd.s32 $0xFFFFF660, s0;
	s9 =	sadd.s32 $0x9B0, s22  }
0x102: {  	[tilespmem:s17], [sflag:$0x2] =	stream.linear.gather [hbm4b:s9+s5], $0x80, $0x38;
	[tilespmem:$0x17B80] =	vst v63  }
0x103: {  	s20 =	sadd.s32 $0x9B0, s10  }
0x104: {  	[tilespmem:s21], [sflag:$0x4] =	stream.linear.gather [hbm4b:s20+s5], $0x80, $0x38;
	[tilespmem:$0x17B80] =	vst v63  }
0x105: {  	_ =	swait.ge [sflag:s25], $0x80  }
0x106: {  	[sflag:s25] =	ssyncset.done $0x0  }
0x107: {  	[sflag:s25] =	ssyncadd.s32 $0xFFFFFF80  }
0x108: {  	_ =	swait.ge [sflag:s26], $0x80  }
0x109: {  	[sflag:s26] =	ssyncset.done $0x0  }
0x10a: {  	[sflag:s26] =	ssyncadd.s32 $0xFFFFFF80  }
0x10b: {  	[tilespmem:s11], [sflag:$0x5] =	stream.indirect.gather [hbm4b:s1+s28], $0x80, s13, s28, $0xb8;
	[tilespmem:$0x17B80] =	vst v63  }
0x10c: {  	_ =	swait.ge [sflag:s29], $0x4000  }
0x10d: {  	[sflag:s29] =	ssyncset.done $0x0  }
0x10e: {  	[sflag:s29] =	ssyncadd.s32 $0xFFFFC000  }
0x10f: {  	[spmem:s4] =	stream.indirect.scatter.add.f32 [tilespmem:s11], [sflag:$0x6], $0x80, s14, s28, $0xb8;
	[tilespmem:$0x17B80] =	vst v63  }
0x110: {  	_ =	swait.ge [sflag:s12], $0x4000  }
0x111: {  	[sflag:s12] =	ssyncset.done $0x0  }
0x112: {  	s8 =	sadd.s32 $0x9C0, s22;
	[sflag:s12] =	ssyncadd.s32 $0xFFFFC000  }
0x113: {  	[tilespmem:s13], [sflag:$0x1] =	stream.linear.gather [hbm4b:s8+s5], $0x80, $0x38;
	[tilespmem:$0x17B80] =	vst v63  }
0x114: {  	s22 =	sadd.s32 $0x9C0, s10  }
0x115: {  	[tilespmem:s14], [sflag:$0x3] =	stream.linear.gather [hbm4b:s22+s5], $0x80, $0x38;
	[tilespmem:$0x17B80] =	vst v63  }
0x116: {  	_ =	swait.ge [sflag:s30], $0x80  }
0x117: {  	[sflag:s30] =	ssyncset.done $0x0  }
0x118: {  	[sflag:s30] =	ssyncadd.s32 $0xFFFFFF80  }
0x119: {  	_ =	swait.ge [sflag:s31], $0x80  }
0x11a: {  	[sflag:s31] =	ssyncset.done $0x0  }
0x11b: {  	[sflag:s31] =	ssyncadd.s32 $0xFFFFFF80  }
0x11c: {  	[tilespmem:s11], [sflag:$0x5] =	stream.indirect.gather [hbm4b:s1+s28], $0x80, s17, s28, $0xb8;
	[tilespmem:$0x17B80] =	vst v63  }
0x11d: {  	_ =	swait.ge [sflag:s29], $0x4000  }
0x11e: {  	[sflag:s29] =	ssyncset.done $0x0  }
0x11f: {  	[sflag:s29] =	ssyncadd.s32 $0xFFFFC000  }
0x120: {  	[spmem:s4] =	stream.indirect.scatter.add.f32 [tilespmem:s11], [sflag:$0x6], $0x80, s21, s28, $0xb8;
	[tilespmem:$0x17B80] =	vst v63  }
0x121: {  	s10 =	sadd.s32 $0xFFFFF680, s3;
	_ =	swait.ge [sflag:s12], $0x4000  }
0x122: {  	s9 =	simm.s32 $0xFFFFF6A0;
	s8 =	simm.s32 $0xFFFFF680;
	[sflag:s12] =	ssyncset.done $0x0  }
.LBB2_5:
0x123: {  	s22 =	sadd.s32 $0x9B0, s10  }
0x124: {  	s20 =	sadd.s32 s8, s0;
	[sflag:s12] =	ssyncadd.s32 $0xFFFFC000;
	s8 =	smov.u32 s9  }
0x125: {  	[tilespmem:s17], [sflag:$0x2] =	stream.linear.gather [hbm4b:s22+s5], $0x80, $0x38;
	[tilespmem:$0x17B80] =	vst v63  }
0x126: {  	p3 =	seq.s32 s9, $0xFFFFFFE0;
	s9 =	sadd.s32 $0x20, s9;
	s22 =	sadd.s32 $0x9B0, s20  }
0x127: {  	[tilespmem:s21], [sflag:$0x4] =	stream.linear.gather [hbm4b:s22+s5], $0x80, $0x38;
	[tilespmem:$0x17B80] =	vst v63  }
0x128: {  	_ =	swait.ge [sflag:s25], $0x80  }
0x129: {  	[sflag:s25] =	ssyncset.done $0x0  }
0x12a: {  	[sflag:s25] =	ssyncadd.s32 $0xFFFFFF80  }
0x12b: {  	_ =	swait.ge [sflag:s26], $0x80  }
0x12c: {  	[sflag:s26] =	ssyncset.done $0x0  }
0x12d: {  	[sflag:s26] =	ssyncadd.s32 $0xFFFFFF80  }
0x12e: {  	[tilespmem:s11], [sflag:$0x5] =	stream.indirect.gather [hbm4b:s1+s28], $0x80, s13, s28, $0xb8;
	[tilespmem:$0x17B80] =	vst v63  }
0x12f: {  	_ =	swait.ge [sflag:s29], $0x4000  }
0x130: {  	[sflag:s29] =	ssyncset.done $0x0  }
0x131: {  	[sflag:s29] =	ssyncadd.s32 $0xFFFFC000  }
0x132: {  	[spmem:s4] =	stream.indirect.scatter.add.f32 [tilespmem:s11], [sflag:$0x6], $0x80, s14, s28, $0xb8;
	[tilespmem:$0x17B80] =	vst v63  }
0x133: {  	_ =	swait.ge [sflag:s12], $0x4000  }
0x134: {  	[sflag:s12] =	ssyncset.done $0x0  }
0x135: {  	s10 =	sadd.s32 $0x9C0, s10;
	[sflag:s12] =	ssyncadd.s32 $0xFFFFC000  }
0x136: {  	[tilespmem:s13], [sflag:$0x1] =	stream.linear.gather [hbm4b:s10+s5], $0x80, $0x38;
	[tilespmem:$0x17B80] =	vst v63  }
0x137: {  	s10 =	sadd.s32 $0x9C0, s20  }
0x138: {  	[tilespmem:s14], [sflag:$0x3] =	stream.linear.gather [hbm4b:s10+s5], $0x80, $0x38;
	[tilespmem:$0x17B80] =	vst v63  }
0x139: {  	_ =	swait.ge [sflag:s30], $0x80  }
0x13a: {  	[sflag:s30] =	ssyncset.done $0x0  }
0x13b: {  	[sflag:s30] =	ssyncadd.s32 $0xFFFFFF80  }
0x13c: {  	_ =	swait.ge [sflag:s31], $0x80  }
0x13d: {  	[sflag:s31] =	ssyncset.done $0x0  }
0x13e: {  	[sflag:s31] =	ssyncadd.s32 $0xFFFFFF80  }
0x13f: {  	[tilespmem:s11], [sflag:$0x5] =	stream.indirect.gather [hbm4b:s1+s28], $0x80, s17, s28, $0xb8;
	[tilespmem:$0x17B80] =	vst v63  }
0x140: {  	_ =	swait.ge [sflag:s29], $0x4000  }
.Ltmp4:
0x141: {  	[sflag:s29] =	ssyncset.done $0x0;
	(pc) =	sbr.rel @!p3 .LBB2_5-.Ltmp4, $4  }
0x142: {  	[sflag:s29] =	ssyncadd.s32 $0xFFFFC000  }
0x143: {  	[spmem:s4] =	stream.indirect.scatter.add.f32 [tilespmem:s11], [sflag:$0x6], $0x80, s21, s28, $0xb8;
	[tilespmem:$0x17B80] =	vst v63  }
0x144: {  	_ =	swait.ge [sflag:s12], $0x4000  }
0x145: {  	s10 =	sadd.s32 s8, s3;
	[sflag:s12] =	ssyncset.done $0x0  }
0x146: {  	s9 =	sadd.s32 $0x9B0, s10;
	s8 =	sadd.s32 s8, s0;
	[sflag:s12] =	ssyncadd.s32 $0xFFFFC000  }
0x147: {  	[tilespmem:s17], [sflag:$0x2] =	stream.linear.gather [hbm4b:s9+s5], $0x80, $0x38;
	[tilespmem:$0x17B80] =	vst v63  }
0x148: {  	s20 =	sadd.s32 $0x9B0, s8  }
0x149: {  	[tilespmem:s21], [sflag:$0x4] =	stream.linear.gather [hbm4b:s20+s5], $0x80, $0x38;
	[tilespmem:$0x17B80] =	vst v63  }
0x14a: {  	_ =	swait.ge [sflag:s25], $0x80  }
0x14b: {  	[sflag:s25] =	ssyncset.done $0x0  }
0x14c: {  	[sflag:s25] =	ssyncadd.s32 $0xFFFFFF80  }
0x14d: {  	_ =	swait.ge [sflag:s26], $0x80  }
0x14e: {  	[sflag:s26] =	ssyncset.done $0x0  }
0x14f: {  	[sflag:s26] =	ssyncadd.s32 $0xFFFFFF80  }
0x150: {  	[tilespmem:s11], [sflag:$0x5] =	stream.indirect.gather [hbm4b:s1+s28], $0x80, s13, s28, $0xb8;
	[tilespmem:$0x17B80] =	vst v63  }
0x151: {  	_ =	swait.ge [sflag:s29], $0x4000  }
0x152: {  	[sflag:s29] =	ssyncset.done $0x0  }
0x153: {  	[sflag:s29] =	ssyncadd.s32 $0xFFFFC000  }
0x154: {  	[spmem:s4] =	stream.indirect.scatter.add.f32 [tilespmem:s11], [sflag:$0x6], $0x80, s14, s28, $0xb8;
	[tilespmem:$0x17B80] =	vst v63  }
0x155: {  	_ =	swait.ge [sflag:s12], $0x4000  }
0x156: {  	[sflag:s12] =	ssyncset.done $0x0  }
0x157: {  	s22 =	sadd.s32 $0x9C0, s10;
	[sflag:s12] =	ssyncadd.s32 $0xFFFFC000  }
0x158: {  	[tilespmem:s13], [sflag:$0x1] =	stream.linear.gather [hbm4b:s22+s5], $0x80, $0x38;
	[tilespmem:$0x17B80] =	vst v63  }
0x159: {  	s8 =	sadd.s32 $0x9C0, s8  }
0x15a: {  	[tilespmem:s14], [sflag:$0x3] =	stream.linear.gather [hbm4b:s8+s5], $0x80, $0x38;
	[tilespmem:$0x17B80] =	vst v63  }
0x15b: {  	_ =	swait.ge [sflag:s30], $0x80  }
0x15c: {  	[sflag:s30] =	ssyncset.done $0x0  }
0x15d: {  	[sflag:s30] =	ssyncadd.s32 $0xFFFFFF80  }
0x15e: {  	_ =	swait.ge [sflag:s31], $0x80  }
0x15f: {  	[sflag:s31] =	ssyncset.done $0x0  }
0x160: {  	[sflag:s31] =	ssyncadd.s32 $0xFFFFFF80  }
0x161: {  	[tilespmem:s11], [sflag:$0x5] =	stream.indirect.gather [hbm4b:s1+s28], $0x80, s17, s28, $0xb8;
	[tilespmem:$0x17B80] =	vst v63  }
0x162: {  	_ =	swait.ge [sflag:s29], $0x4000  }
0x163: {  	[sflag:s29] =	ssyncset.done $0x0  }
.Ltmp5:
0x164: {  	[sflag:s29] =	ssyncadd.s32 $0xFFFFC000;
	(pc) =	sbr.rel .LBB2_10-.Ltmp5, $4  }
0x165: {  	[spmem:s4] =	stream.indirect.scatter.add.f32 [tilespmem:s11], [sflag:$0x6], $0x80, s21, s28, $0xb8;
	[tilespmem:$0x17B80] =	vst v63  }
0x166: {  	_ =	swait.ge [sflag:s12], $0x4000  }
0x167: {  	[sflag:s12] =	ssyncset.done $0x0  }
0x168: {  	s8 =	smov.u32 s1;
	s9 =	rddreg [dreg:$0xe];
	[sflag:s12] =	ssyncadd.s32 $0xFFFFC000  }
.LBB2_7:
0x169: {  	s8 =	rddreg [dreg:$0x10]  }
0x16a: {  	[tilespmem:s13], [sflag:$0x1] =	stream.linear.gather [hbm4b:s8+s5], $0x80, $0x38;
	[tilespmem:$0x17B80] =	vst v63  }
0x16b: {  	s20 =	rddreg [dreg:$0x11];
	s22 =	sadd.s32 $0xFFFFF660, s6  }
0x16c: {  	[tilespmem:s14], [sflag:$0x3] =	stream.linear.gather [hbm4b:s20+s5], $0x80, $0x38;
	[tilespmem:$0x17B80] =	vst v63  }
0x16d: {  	s10 =	sadd.s32 $0xFFFFF660, s0;
	s9 =	sadd.s32 $0x9B0, s22  }
0x16e: {  	[tilespmem:s17], [sflag:$0x2] =	stream.linear.gather [hbm4b:s9+s5], $0x80, $0x38;
	[tilespmem:$0x17B80] =	vst v63  }
0x16f: {  	s20 =	sadd.s32 $0x9B0, s10  }
0x170: {  	[tilespmem:s21], [sflag:$0x4] =	stream.linear.gather [hbm4b:s20+s5], $0x80, $0x38;
	[tilespmem:$0x17B80] =	vst v63  }
0x171: {  	_ =	swait.ge [sflag:s25], $0x80  }
0x172: {  	[sflag:s25] =	ssyncset.done $0x0  }
0x173: {  	[sflag:s25] =	ssyncadd.s32 $0xFFFFFF80  }
0x174: {  	_ =	swait.ge [sflag:s26], $0x80  }
0x175: {  	[sflag:s26] =	ssyncset.done $0x0  }
0x176: {  	[sflag:s26] =	ssyncadd.s32 $0xFFFFFF80  }
0x177: {  	[tilespmem:s11], [sflag:$0x5] =	stream.indirect.gather [hbm4b:s2+s28], $0x80, s13, s28, $0xb8;
	[tilespmem:$0x17B80] =	vst v63  }
0x178: {  	_ =	swait.ge [sflag:s29], $0x4000  }
0x179: {  	[sflag:s29] =	ssyncset.done $0x0  }
0x17a: {  	[sflag:s29] =	ssyncadd.s32 $0xFFFFC000  }
0x17b: {  	[spmem:s4] =	stream.indirect.scatter.add.f32 [tilespmem:s11], [sflag:$0x6], $0x80, s14, s28, $0xb8;
	[tilespmem:$0x17B80] =	vst v63  }
0x17c: {  	_ =	swait.ge [sflag:s12], $0x4000  }
0x17d: {  	[sflag:s12] =	ssyncset.done $0x0  }
0x17e: {  	s8 =	sadd.s32 $0x9C0, s22;
	[sflag:s12] =	ssyncadd.s32 $0xFFFFC000  }
0x17f: {  	[tilespmem:s13], [sflag:$0x1] =	stream.linear.gather [hbm4b:s8+s5], $0x80, $0x38;
	[tilespmem:$0x17B80] =	vst v63  }
0x180: {  	s22 =	sadd.s32 $0x9C0, s10  }
0x181: {  	[tilespmem:s14], [sflag:$0x3] =	stream.linear.gather [hbm4b:s22+s5], $0x80, $0x38;
	[tilespmem:$0x17B80] =	vst v63  }
0x182: {  	_ =	swait.ge [sflag:s30], $0x80  }
0x183: {  	[sflag:s30] =	ssyncset.done $0x0  }
0x184: {  	[sflag:s30] =	ssyncadd.s32 $0xFFFFFF80  }
0x185: {  	_ =	swait.ge [sflag:s31], $0x80  }
0x186: {  	[sflag:s31] =	ssyncset.done $0x0  }
0x187: {  	[sflag:s31] =	ssyncadd.s32 $0xFFFFFF80  }
0x188: {  	[tilespmem:s11], [sflag:$0x5] =	stream.indirect.gather [hbm4b:s2+s28], $0x80, s17, s28, $0xb8;
	[tilespmem:$0x17B80] =	vst v63  }
0x189: {  	_ =	swait.ge [sflag:s29], $0x4000  }
0x18a: {  	[sflag:s29] =	ssyncset.done $0x0  }
0x18b: {  	[sflag:s29] =	ssyncadd.s32 $0xFFFFC000  }
0x18c: {  	[spmem:s4] =	stream.indirect.scatter.add.f32 [tilespmem:s11], [sflag:$0x6], $0x80, s21, s28, $0xb8;
	[tilespmem:$0x17B80] =	vst v63  }
0x18d: {  	s10 =	sadd.s32 $0xFFFFF680, s6;
	_ =	swait.ge [sflag:s12], $0x4000  }
0x18e: {  	s9 =	simm.s32 $0xFFFFF6A0;
	s8 =	simm.s32 $0xFFFFF680;
	[sflag:s12] =	ssyncset.done $0x0  }
.LBB2_8:
0x18f: {  	s20 =	sadd.s32 $0x9B0, s10  }
0x190: {  	s22 =	sadd.s32 s8, s0;
	[sflag:s12] =	ssyncadd.s32 $0xFFFFC000;
	s8 =	smov.u32 s9  }
0x191: {  	[tilespmem:s17], [sflag:$0x2] =	stream.linear.gather [hbm4b:s20+s5], $0x80, $0x38;
	[tilespmem:$0x17B80] =	vst v63  }
0x192: {  	p3 =	sne.s32 s9, $0xFFFFFFE0;
	s9 =	sadd.s32 $0x20, s9;
	s20 =	sadd.s32 $0x9B0, s22  }
0x193: {  	[tilespmem:s21], [sflag:$0x4] =	stream.linear.gather [hbm4b:s20+s5], $0x80, $0x38;
	[tilespmem:$0x17B80] =	vst v63  }
0x194: {  	_ =	swait.ge [sflag:s25], $0x80  }
0x195: {  	[sflag:s25] =	ssyncset.done $0x0  }
0x196: {  	[sflag:s25] =	ssyncadd.s32 $0xFFFFFF80  }
0x197: {  	_ =	swait.ge [sflag:s26], $0x80  }
0x198: {  	[sflag:s26] =	ssyncset.done $0x0  }
0x199: {  	[sflag:s26] =	ssyncadd.s32 $0xFFFFFF80  }
0x19a: {  	[tilespmem:s11], [sflag:$0x5] =	stream.indirect.gather [hbm4b:s2+s28], $0x80, s13, s28, $0xb8;
	[tilespmem:$0x17B80] =	vst v63  }
0x19b: {  	_ =	swait.ge [sflag:s29], $0x4000  }
0x19c: {  	[sflag:s29] =	ssyncset.done $0x0  }
0x19d: {  	[sflag:s29] =	ssyncadd.s32 $0xFFFFC000  }
0x19e: {  	[spmem:s4] =	stream.indirect.scatter.add.f32 [tilespmem:s11], [sflag:$0x6], $0x80, s14, s28, $0xb8;
	[tilespmem:$0x17B80] =	vst v63  }
0x19f: {  	_ =	swait.ge [sflag:s12], $0x4000  }
0x1a0: {  	[sflag:s12] =	ssyncset.done $0x0  }
0x1a1: {  	s10 =	sadd.s32 $0x9C0, s10;
	[sflag:s12] =	ssyncadd.s32 $0xFFFFC000  }
0x1a2: {  	[tilespmem:s13], [sflag:$0x1] =	stream.linear.gather [hbm4b:s10+s5], $0x80, $0x38;
	[tilespmem:$0x17B80] =	vst v63  }
0x1a3: {  	s10 =	sadd.s32 $0x9C0, s22  }
0x1a4: {  	[tilespmem:s14], [sflag:$0x3] =	stream.linear.gather [hbm4b:s10+s5], $0x80, $0x38;
	[tilespmem:$0x17B80] =	vst v63  }
0x1a5: {  	_ =	swait.ge [sflag:s30], $0x80  }
0x1a6: {  	[sflag:s30] =	ssyncset.done $0x0  }
0x1a7: {  	[sflag:s30] =	ssyncadd.s32 $0xFFFFFF80  }
0x1a8: {  	_ =	swait.ge [sflag:s31], $0x80  }
0x1a9: {  	[sflag:s31] =	ssyncset.done $0x0  }
0x1aa: {  	[sflag:s31] =	ssyncadd.s32 $0xFFFFFF80  }
0x1ab: {  	[tilespmem:s11], [sflag:$0x5] =	stream.indirect.gather [hbm4b:s2+s28], $0x80, s17, s28, $0xb8;
	[tilespmem:$0x17B80] =	vst v63  }
0x1ac: {  	_ =	swait.ge [sflag:s29], $0x4000  }
.Ltmp6:
0x1ad: {  	[sflag:s29] =	ssyncset.done $0x0;
	(pc) =	sbr.rel @p3 .LBB2_8-.Ltmp6, $4  }
0x1ae: {  	[sflag:s29] =	ssyncadd.s32 $0xFFFFC000  }
0x1af: {  	[spmem:s4] =	stream.indirect.scatter.add.f32 [tilespmem:s11], [sflag:$0x6], $0x80, s21, s28, $0xb8;
	[tilespmem:$0x17B80] =	vst v63  }
0x1b0: {  	_ =	swait.ge [sflag:s12], $0x4000  }
0x1b1: {  	s10 =	sadd.s32 s8, s6;
	[sflag:s12] =	ssyncset.done $0x0  }
.Ltmp7:
0x1b2: {  	_ = 	snop;
	(pc) =	sbr.rel .LBB2_9-.Ltmp7, $1  }
0x1b3: {  	_ =	sdelay $0x3  }
.LBB2_11:
0x1b4: {  	_ =	sfence.sel $0x180000  }
0x1b5: {  	[bflag:$0x0] =	sbarrier.arrive $0xFFFF  }
0x1b6: {  	_ =	strace $0x90000047  }
0x1b7: {  	s0 =	stileid.u32;
	[bflag:$0x2] =	sbarrier.arrive $0xFFFF  }
0x1b8: {  	p0 =	sne.s32 s0, $0x0;
	s0 =	rddreg [dreg:$0x5]  }
0x1b9: {  	s0 =	sadd.s32 @!p0 $0x100000, s0  }
0x1ba: {  	[sflag:s0] =	ssyncadd.tile.s32 @!p0 $0x1;
	_ =	shalt  }
.Lfunc_end2:
_tile_overlayer_lowered:
.L_overlay_start_2:
0x1bb: {  	(tag) =	ssettag $0x2  }
0x1bc: {  	s0 =	rddreg [dreg:$0x0];
	s2 =	stileid.u32  }
0x1bd: {  	s1 =	rddreg [dreg:$0x1];
	p0 =	sne.s32 s2, $0x0  }
0x1be: {  	s3 =	rddreg [dreg:$0x2];
	[bflag:$0x3] =	sbarrier.arrive $0xFFFF;
	s2 =	simm.s32 @!p0 $0x1C06  }
0x1bf: {  	[timem:s3], [sflag:s2] =	dma.local @!p0 [hbm:s0], s1  }
0x1c0: {  	s0 =	simm.s32 @!p0 $0x6  }
0x1c1: {  	_ =	swait.ge @!p0 [sflag:s0], s1  }
0x1c2: {  	s1 =	ssub.s32 @!p0 $0x0, s1;
	[sflag:s0] =	ssyncset.done @!p0 $0x0  }
0x1c3: {  	[sflag:s0] =	ssyncadd.s32 @!p0 s1  }
0x1c4: {  	[bflag:$0x3] =	sbarrier.arrive $0xFFFF  }
0x1c5: {  	_ =	shalt  }

// kernel: kernel.14.cloned.1.call-start
scs
__scs_entry_jumppad:
0x0: {  	(pc) =	sbr.rel $0x88, $3  }
0x1: {  	(tag) =	ssettag $0x0;
	lr =	simm.s32 $0x1  }
0x2: {  	[smem:$0x3F98] =	sst lr;
	_ =	strace $0xD0000000  }
0x3: {  	_ = 	snop  }
0x4: {  	_ = 	snop  }
0x5: {  	_ = 	snop  }
0x6: {  	_ = 	snop  }
0x7: {  	_ = 	snop  }
__scs_overlays_trampoline_lowered:
0x8: {  	[smem:$0x3FA7] =	sst s0  }
0x9: {  	[smem:$0x3FA8] =	sst s1  }
0xa: {  	[smem:$0x3FA9] =	sst s2  }
0xb: {  	[smem:$0x3FAA] =	sst s3  }
0xc: {  	[smem:$0x3FAB] =	sst s4  }
0xd: {  	[smem:$0x3FAC] =	sst s5  }
0xe: {  	[smem:$0x3FAD] =	sst s6  }
0xf: {  	[smem:$0x3FAE] =	sst s7  }
0x10: {  	[smem:$0x3FAF] =	sst s8  }
0x11: {  	[smem:$0x3FB0] =	sst s9;
	s0 =	simm.s32 @!p0 $0x0  }
0x12: {  	s1 =	sld [smem:$0x3F96];
	s0 =	simm.s32 @p0 $0x1  }
0x13: {  	[smem:$0x3FB1] =	sst s0;
	s0 =	simm.s32 @!p1 $0x0  }
0x14: {  	s2 =	sld [smem:$0x3F95];
	s0 =	simm.s32 @p1 $0x1  }
0x15: {  	[smem:$0x3FB2] =	sst s0;
	s0 =	simm.s32 @!p2 $0x0  }
0x16: {  	s3 =	sld [smem:$0x3FDB];
	s0 =	simm.s32 @p2 $0x1  }
0x17: {  	s4 =	simm.s32 $0x1BF5;
	[smem:$0x3FB4] =	sst s0  }
0x18: {  	s0 =	sld [smem:$0x3F97];
	_ =	swait.ge [sflag:s4], $0x0  }
0x19: {  	s7 =	sld [smem:$0x3F98]  }
0x1a: {  	s8 =	sadd.s32 $0xFFFFE003, lr  }
0x1b: {  	s9 =	sadd.s32 $0xFFFFFEF7, lr;
	s5 =	simm.s32 $0xFFFFFFFF;
	p2 =	slt.u32 s8, $0xFFFFF086  }
0x1c: {  	p1 =	slt.u32 s9, $0xF7A;
	s5 =	simm.s32 @!p2 $0x0  }
0x1d: {  	s5 =	simm.s32 @p1 $0x1;
	p0 =	seq.s32 s7, s2  }
0x1e: {  	s7 =	smul.u32 @!p0 $0xF7A, s2;
	p2 =	seq.s32 @!p0 s5, $0x0  }
0x1f: {  	s9 =	smul.u32 $0xF7A, s1;
	s8 =	simm.s32 @!p0 $0x1BF5;
	p2 =	por !p2, p0  }
0x20: {  	[sflag:s8] =	ssyncset.s32 @!p0 $0xFFFFF086;
	s6 =	sadd.s32 @!p0 s3, s7;
	s7 =	simm.s32 @!p0 $0x108  }
0x21: {  	s3 =	sadd.s32 s3, s9;
	s6 =	sadd.s32 @!p0 $0x88, s6;
	s7 =	simm.s32 @p2 $0x1082  }
0x22: {  	[simem:s7], [sflag:s8] =	dma.local @!p0 [hbm:s6], $0xF7A  }
0x23: {  	s9 =	sor.u32 $0xD0000000, s2;
	s6 =	simm.s32 $0x108;
	_ =	swait.ge @!p0 [sflag:s8], $0x0  }
0x24: {  	s3 =	sadd.s32 $0x88, s3;
	s6 =	simm.s32 @!p1 $0x1082;
	[sflag:s4] =	ssyncset.s32 $0xFFFFF086  }
0x25: {  	[simem:s6], [sflag:s4] =	dma.local [hbm:s3], $0xF7A  }
0x26: {  	[smem:$0x3F98] =	sst s1;
	(tag) =	ssettag s2;
	_ =	strace s9  }
0x27: {  	s1 =	sld [smem:$0x3FA8]  }
0x28: {  	s2 =	sld [smem:$0x3FA9]  }
0x29: {  	s4 =	sld [smem:$0x3FAB]  }
0x2a: {  	p0 =	seq.s32 s5, $0x0;
	s5 =	sld [smem:$0x3FAC]  }
0x2b: {  	s6 =	sld [smem:$0x3FAD]  }
0x2c: {  	s7 =	sld [smem:$0x3FAE]  }
0x2d: {  	s3 =	simm.s32 $0x108;
	s8 =	sld [smem:$0x3FAF]  }
0x2e: {  	s3 =	simm.s32 @!p0 $0x1082;
	s9 =	sld [smem:$0x3FB0]  }
0x2f: {  	lr =	sadd.s32 s0, s3;
	s0 =	sld [smem:$0x3FA7]  }
0x30: {  	s3 =	sld [smem:$0x3FAA]  }
0x31: {  	[smem:$0x3FB3] =	sst s10  }
0x32: {  	s10 =	sld [smem:$0x3FB1];
	_ =	sdelay $0x3  }
0x33: {  	p0 =	seq.s32 s10, $0x1;
	s10 =	sld [smem:$0x3FB3];
	_ =	sdelay $0x3  }
0x34: {  	[smem:$0x3FB3] =	sst s10  }
0x35: {  	s10 =	sld [smem:$0x3FB2];
	_ =	sdelay $0x3  }
0x36: {  	p1 =	seq.s32 s10, $0x1;
	s10 =	sld [smem:$0x3FB3];
	_ =	sdelay $0x3  }
0x37: {  	[smem:$0x3FB3] =	sst s10  }
0x38: {  	s10 =	sld [smem:$0x3FB4]  }
0x39: {  	_ = 	snop;
	(pc) =	sbr.ind lr, $3  }
0x3a: {  	_ = 	snop  }
0x3b: {  	_ = 	snop  }
0x3c: {  	p2 =	seq.s32 s10, $0x1;
	s10 =	sld [smem:$0x3FB3]  }
0x3d: {  	_ =	shalt  }
0x3e: {  	_ =	shalt  }
0x3f: {  	_ =	shalt  }
0x40: {  	_ =	shalt  }
0x41: {  	_ =	shalt  }
0x42: {  	_ =	shalt  }
0x43: {  	_ =	shalt  }
0x44: {  	_ =	shalt  }
0x45: {  	_ =	shalt  }
0x46: {  	_ =	shalt  }
0x47: {  	_ =	shalt  }
0x48: {  	_ =	shalt  }
0x49: {  	_ =	shalt  }
0x4a: {  	_ =	shalt  }
0x4b: {  	_ =	shalt  }
0x4c: {  	_ =	shalt  }
0x4d: {  	_ =	shalt  }
0x4e: {  	_ =	shalt  }
0x4f: {  	_ =	shalt  }
0x50: {  	_ =	shalt  }
0x51: {  	_ =	shalt  }
0x52: {  	_ =	shalt  }
0x53: {  	_ =	shalt  }
0x54: {  	_ =	shalt  }
0x55: {  	_ =	shalt  }
0x56: {  	_ =	shalt  }
0x57: {  	_ =	shalt  }
0x58: {  	_ =	shalt  }
0x59: {  	_ =	shalt  }
0x5a: {  	_ =	shalt  }
0x5b: {  	_ =	shalt  }
0x5c: {  	_ =	shalt  }
0x5d: {  	_ =	shalt  }
0x5e: {  	_ =	shalt  }
0x5f: {  	_ =	shalt  }
0x60: {  	_ =	shalt  }
0x61: {  	_ =	shalt  }
0x62: {  	_ =	shalt  }
0x63: {  	_ =	shalt  }
0x64: {  	_ =	shalt  }
0x65: {  	_ =	shalt  }
0x66: {  	_ =	shalt  }
0x67: {  	_ =	shalt  }
0x68: {  	_ =	shalt  }
0x69: {  	_ =	shalt  }
0x6a: {  	_ =	shalt  }
0x6b: {  	_ =	shalt  }
0x6c: {  	_ =	shalt  }
0x6d: {  	_ =	shalt  }
0x6e: {  	_ =	shalt  }
0x6f: {  	_ =	shalt  }
0x70: {  	_ =	shalt  }
0x71: {  	_ =	shalt  }
0x72: {  	_ =	shalt  }
0x73: {  	_ =	shalt  }
0x74: {  	_ =	shalt  }
0x75: {  	_ =	shalt  }
0x76: {  	_ =	shalt  }
0x77: {  	_ =	shalt  }
0x78: {  	_ =	shalt  }
0x79: {  	_ =	shalt  }
0x7a: {  	_ =	shalt  }
0x7b: {  	_ =	shalt  }
0x7c: {  	_ =	shalt  }
0x7d: {  	_ =	shalt  }
0x7e: {  	_ =	shalt  }
0x7f: {  	_ =	shalt  }
0x80: {  	_ =	shalt  }
0x81: {  	_ =	shalt  }
0x82: {  	_ =	shalt  }
0x83: {  	_ =	shalt  }
0x84: {  	_ =	shalt  }
0x85: {  	_ =	shalt  }
0x86: {  	_ =	shalt  }
0x87: {  	_ =	shalt  }
.Lfunc_end0:
.L_simem_size_0:
called_computation.2_lowered:
.L_overlay_start_0:
0x88: {  	s2 =	sld [smem:$0x3FD9]  }
0x89: {  	s3 =	sld [smem:$0x3FFE];
	_ =	sdelay $0x1  }
0x8a: {  	s1 =	srdreg.scid  }
0x8b: {  	s0 =	sand.u32 $0x1, s1  }
0x8c: {  	s16 =	sshll.u32 s0, $0xA;
	s2 =	sadd.s32 s3, s2  }
0x8d: {  	s2 =	sadd.s32 s2, s16  }
0x8e: {  	[smem:$0x3FBF] =	sst s2  }
0x8f: {  	_ = 	snop  }
0x90: {  	(tm) =	ssettm $0x1  }
0x91: {  	s17 =	sld [smem:$0x3FFB];
	_ =	sdelay $0x3  }
0x92: {  	_ =	strace s17  }
0x93: {  	s2 =	sld [smem:$0x3FFC];
	_ =	sdelay $0x3  }
0x94: {  	_ =	strace s2  }
0x95: {  	s2 =	sld [smem:$0x3FFD];
	_ =	sdelay $0x3  }
0x96: {  	_ =	strace s2  }
0x97: {  	_ =	strace $0x8FFFFFFF  }
0x98: {  	s18 =	sld [smem:$0x3FDB];
	_ =	sdelay $0x1  }
0x99: {  	s19 =	simm.s32 $_scs_section_size  }
0x9a: {  	s4 =	simm.s32 $_size__tile_overlayer_lowered;
	s5 =	simm.s32 $_tile_overlayer_lowered  }
0x9b: {  	s22 =	simm.s32 $0x1BFF;
	s21 =	sshll.u32 s5, $0x1;
	s2 =	sadd.s32 s19, s18  }
0x9c: {  	s6 =	simm.s32 $0x0;
	s20 =	sshll.u32 s4, $0x1;
	s4 =	sadd.s32 s21, s2  }
0x9d: {  	[timem:s6], [sflag:s22] =	dma.local [hbm:s4], s20  }
0x9e: {  	_ =	swait.ge [sflag:s22], s20  }
0x9f: {  	s3 =	ssub.s32 $0x0, s20;
	[sflag:s22] =	ssyncset.done $0x0  }
0xa0: {  	[sflag:s22] =	ssyncadd.s32 s3;
	_ =	sdelay $0x1  }
0xa1: {  	s23 =	simm.s32 $0x1B8B  }
0xa2: {  	_ =	swait.ge [sflag:s23], $0x1  }
0xa3: {  	[sflag:s23] =	ssyncset.done $0x0  }
0xa4: {  	s25 =	simm.s32 $0x1B8E;
	s24 =	sld [smem:$0x3FFE];
	[sflag:s23] =	ssyncadd.s32 $0xFFFFFFFF  }
0xa5: {  	s26 =	simm.s32 $execute0_lowered;
	[smem:$0x3FD2] =	sst s25  }
0xa6: {  	s4 =	sshll.u32 s26, $0x1;
	_ =	strace $0x8000004C;
	[dreg:$0x1] =	wrdreg $0xFFFFFFFF  }
0xa7: {  	s28 =	simm.s32 $_size_execute0_lowered;
	s2 =	sadd.s32 s2, s4;
	[dreg:$0x0] =	wrdreg $0x0  }
0xa8: {  	s4 =	sshll.u32 s28, $0x1;
	[dreg:$0x2] =	wrdreg s2  }
0xa9: {  	[dreg:$0x3] =	wrdreg s4  }
0xaa: {  	[dreg:$0x4] =	wrdreg $0xC0  }
0xab: {  	_ =	task [dreg:s6], $0x5FFFF  }
0xac: {  	[dreg:$0x1] =	wrdreg $0xFFFFFFFF  }
0xad: {  	[dreg:$0x0] =	wrdreg $0x60  }
0xae: {  	[dreg:$0x2] =	wrdreg s24  }
0xaf: {  	[dreg:$0x3] =	wrdreg $0x0  }
0xb0: {  	[dreg:$0x4] =	wrdreg $0x9  }
0xb1: {  	_ =	task.clear_ibuf [dreg:s6], $0x5FFFF;
	_ =	strace $0x9000004C  }
0xb2: {  	s29 =	simm.s32 $0x9;
	_ =	strace $0x8000004E  }
0xb3: {  	_ =	swait.ge [sflag:s29], $0x1  }
0xb4: {  	[sflag:s29] =	ssyncadd.s32 $0xFFFFFFFF  }
0xb5: {  	_ =	strace $0x9000004E  }
0xb6: {  	_ =	sfence  }
0xb7: {  	s30 =	sld [smem:$0x0];
	_ =	sdelay $0x2  }
0xb8: {  	s31 =	sshll.u32 s1, $0xD;
	s1 =	sshrl.u32 s1, $0x2  }
0xb9: {  	s3 =	sand.u32 $0x4000, s31;
	s1 =	sadd.s32 s1, s30  }
0xba: {  	s0 =	sor.u32 s3, s0;
	s1 =	sshll.u32 s1, $0x11  }
0xbb: {  	s0 =	sor.u32 s1, s0  }
0xbc: {  	s0 =	sadd.s32 $0x8F2B, s0  }
0xbd: {  	[sflag:s0] =	ssyncadd.remote.s32 $0x1  }
0xbe: {  	_ =	sfence.sel $0xFFFF  }
0xbf: {  	[dreg:$0x0] =	wrdreg $0xFFFFFFFF;
	(pc) =	sbr.abs _section_cstart, $3  }
0xc0: {  	[dreg:$0x1] =	wrdreg $0xFFFFFFFF  }
0xc1: {  	_ =	task.clear_ibuf [dreg:s6], $0x2FFFF;
	_ =	strace $0x9FFFFFFF  }
0xc2: {  	(tm) =	ssettm $0x7FFFFFFF  }
0xc3: {  	_ =	shalt  }
tec
execute0_lowered:
.L_overlay_start_1:
0x0: {  	(tag) =	ssettag $0x1  }
0x1: {  	s0 =	rddreg [dreg:$0x0]  }
0x2: {  	s1 =	rddreg [dreg:$0x1];
	s2 =	simm.s32 $0x0  }
0x3: {  	s5 =	srdreg.scid;
	s21 =	stileid.u32;
	s30 =	simm.s32 $0x10  }
0x4: {  	[smem:$0x7FF] =	sst s2;
	s3 =	sadd.s32 $0x16800, s0;
	s4 =	sadd.s32 $0xCA00, s0  }
0x5: {  	s6 =	sadd.s32 $0x2C00, s0;
	s7 =	sadd.s32 $0xB3000, s0;
	s11 =	smul.u32 $0x2710, s21  }
0x6: {  	s5 =	sand.u32 $0x1, s5;
	s0 =	sadd.s32 $0xDA200, s0;
	s25 =	smul.u32 $0x500, s21  }
0x7: {  	s12 =	sor.u32 $0x10, s21;
	s13 =	sor.u32 $0x20, s21;
	s9 =	smul.u32 $0x27100, s5  }
0x8: {  	s16 =	sor.u32 $0x30, s21;
	s17 =	sor.u32 $0x40, s21;
	s26 =	smul.u32 $0x500, s12  }
0x9: {  	s18 =	sor.u32 $0x70, s21;
	s20 =	sor.u32 $0x50, s21;
	s15 =	smul.u32 $0x500, s13  }
0xa: {  	s22 =	sor.u32 $0x60, s21;
	_ =	strace $0x8000004D;
	s28 =	smul.u32 $0x500, s16  }
0xb: {  	s8 =	ssub.s32 $0x2, s5;
	p0 =	seq.s32 s5, $0x1;
	s19 =	smul.u32 $0x500, s17  }
0xc: {  	s29 =	smul.u32 $0x500, s20;
	s10 =	sshrl.u32 s8, $0x1;
	s7 =	smov.u32 @p0 s0  }
0xd: {  	s23 =	smul.u32 $0x500, s22;
	s8 =	ssub.s32 s8, s10;
	s10 =	sadd.s32 s7, s25  }
0xe: {  	s9 =	sadd.s32 s11, s9;
	s11 =	sadd.s32 s7, s26;
	[dreg:$0x3] =	wrdreg s10  }
0xf: {  	p1 =	sgt.u32 s18, $0x7C;
	s24 =	sadd.s32 s7, s15;
	[dreg:$0x4] =	wrdreg s11  }
0x10: {  	s5 =	sadd.s32 s7, s28;
	s25 =	smul.u32 $0x500, s18;
	[dreg:$0x5] =	wrdreg s24  }
0x11: {  	s26 =	sadd.s32 s7, s19;
	s0 =	sadd.s32 s7, s29;
	[dreg:$0x6] =	wrdreg s5  }
0x12: {  	s28 =	sadd.s32 s7, s23;
	[dreg:$0x7] =	wrdreg s26;
	s11 =	smul.u32 $0xA000, s18  }
0x13: {  	s14 =	sshrl.u32 s9, $0x3;
	[dreg:$0x8] =	wrdreg s0;
	s26 =	smul.u32 $0xA000, s12  }
0x14: {  	[dreg:$0x9] =	wrdreg s28;
	s18 =	smax.u32 s8, $0x1;
	s28 =	smul.u32 $0xA000, s13  }
0x15: {  	s12 =	smul.u32 $0xA000, s17;
	s31 =	sadd.s32 $0x100, s9;
	s8 =	simm.s32 $0x0  }
0x16: {  	s29 =	sadd.s32 s7, s25;
	s5 =	sadd.s32 $0x4E0, s14;
	s7 =	smul.u32 $0xA000, s21  }
0x17: {  	[dreg:$0xd] =	wrdreg s18;
	s23 =	sadd.s32 s4, s14;
	s24 =	sadd.s32 s6, s14  }
0x18: {  	s25 =	sadd.s32 $0x4D0, s14;
	s14 =	smul.u32 $0xA000, s20;
	[dreg:$0xa] =	wrdreg s29  }
0x19: {  	s15 =	sadd.s32 s4, s5;
	s0 =	sadd.s32 s6, s5;
	[dreg:$0xe] =	wrdreg s23  }
0x1a: {  	s21 =	sshrl.u32 s11, $0x2;
	[dreg:$0xf] =	wrdreg s24;
	s29 =	sadd.s32 s4, s25  }
0x1b: {  	s5 =	sadd.s32 s6, s25;
	s11 =	smul.u32 $0xA000, s16;
	[dreg:$0xb] =	wrdreg s15  }
0x1c: {  	s10 =	sshrl.u32 s26, $0x2;
	s16 =	smul.u32 $0xA000, s22;
	[dreg:$0xc] =	wrdreg s0  }
0x1d: {  	s19 =	sshrl.u32 s7, $0x2;
	s21 =	sadd.s32 s21, s1;
	[dreg:$0x10] =	wrdreg s29  }
0x1e: {  	[dreg:$0x11] =	wrdreg s5;
	s5 =	sadd.s32 s10, s1;
	s0 =	sshrl.u32 s28, $0x2  }
0x1f: {  	s15 =	sshrl.u32 s12, $0x2;
	s17 =	sshrl.u32 s14, $0x2;
	s14 =	simm.s32 $0x6  }
0x20: {  	s7 =	simm.s32 $0x7;
	s18 =	sadd.s32 s19, s1;
	[dreg:$0x12] =	wrdreg s5  }
0x21: {  	s0 =	sadd.s32 s0, s1;
	s13 =	sshrl.u32 s11, $0x2;
	s19 =	sadd.s32 $0x80, s9  }
0x22: {  	s20 =	sshrl.u32 s16, $0x2;
	[dreg:$0x13] =	wrdreg s0;
	s0 =	sadd.s32 s13, s1  }
0x23: {  	s16 =	simm.s32 $0x13980;
	s23 =	sadd.s32 $0x28000, s18;
	[dreg:$0x14] =	wrdreg s0  }
0x24: {  	s22 =	sshrl.u32 s19, $0x3;
	s24 =	sadd.s32 $0x50000, s18;
	[dreg:$0x18] =	wrdreg s23  }
0x25: {  	s25 =	sadd.s32 $0x78000, s18;
	s26 =	sadd.s32 $0xA0000, s18;
	[dreg:$0x19] =	wrdreg s24  }
0x26: {  	s28 =	sadd.s32 $0xC8000, s18;
	s29 =	sadd.s32 $0xF0000, s18;
	[dreg:$0x1a] =	wrdreg s25  }
0x27: {  	s13 =	simm.s32 $0x13B80;
	s19 =	simm.s32 $0x13A00;
	[dreg:$0x1b] =	wrdreg s26  }
0x28: {  	s0 =	sadd.s32 s15, s1;
	s5 =	sadd.s32 s22, s4;
	[dreg:$0x1c] =	wrdreg s28  }
0x29: {  	[dreg:$0x1d] =	wrdreg s29;
	s15 =	simm.s32 $0x13880;
	s23 =	simm.s32 $0x80  }
0x2a: {  	s24 =	simm.s32 $0x5;
	s25 =	simm.s32 $0x2;
	s26 =	simm.s32 $0x4  }
0x2b: {  	[dreg:$0x15] =	wrdreg s0;
	s0 =	sadd.s32 s17, s1;
	s17 =	simm.s32 $0x13900  }
0x2c: {  	[dreg:$0x16] =	wrdreg s0;
	s0 =	sadd.s32 s20, s1;
	s20 =	simm.s32 $0x1  }
0x2d: {  	v0 =	vimm.f32 $0.0e+00;
	[dreg:$0x17] =	wrdreg s0;
	s0 =	sadd.s32 s22, s6;
	s22 =	simm.s32 $0x3  }
.LBB2_1:
0x2e: {  	s9 =	simm.s32 $0x70;
	s10 =	simm.s32 $0x3C0  }
.LBB2_2:
0x2f: {  	p2 =	sne.s32 s10, $0x9FC0;
	[tilespmem:s9+$0x13B80] =	vst v0  }
0x30: {  	[tilespmem:s9+$0x13B10] =	vst v0  }
0x31: {  	[tilespmem:s9+$0x13B20] =	vst v0  }
.Ltmp0:
0x32: {  	[tilespmem:s9+$0x13B30] =	vst v0;
	(pc) =	sbr.rel @p2 .LBB2_2-.Ltmp0, $4  }
0x33: {  	[tilespmem:s9+$0x13B40] =	vst v0  }
0x34: {  	[tilespmem:s9+$0x13B50] =	vst v0  }
0x35: {  	[tilespmem:s9+$0x13B60] =	vst v0  }
0x36: {  	[tilespmem:s9+$0x13B70] =	vst v0;
	s9 =	sshra.s32 s10, $0x2;
	s10 =	sadd.s32 $0x200, s10  }
0x37: {  	[tilespmem:s9+$0x13B80] =	vst v0  }
0x38: {  	[tilespmem:s9+$0x13B10] =	vst v0  }
0x39: {  	[tilespmem:s9+$0x13B20] =	vst v0  }
0x3a: {  	[tilespmem:s9+$0x13B30] =	vst v0  }
0x3b: {  	[tilespmem:s9+$0x13B40] =	vst v0  }
0x3c: {  	[tilespmem:s9+$0x13B50] =	vst v0  }
0x3d: {  	[tilespmem:s9+$0x13B60] =	vst v0  }
0x3e: {  	[tilespmem:s9+$0x13B70] =	vst v0  }
0x3f: {  	[spmem:s18] =	stream.linear.scatter [tilespmem:s13], [sflag:$0x6], $0x2800, $0x38;
	[tilespmem:$0x17B80] =	vst v63  }
0x40: {  	_ =	swait.ge [sflag:s14], $0x2800  }
0x41: {  	[sflag:s14] =	ssyncset.done $0x0  }
0x42: {  	s12 =	rddreg [dreg:$0x18];
	[sflag:s14] =	ssyncadd.s32 $0xFFFFD800  }
0x43: {  	[spmem:s12] =	stream.linear.scatter [tilespmem:s13], [sflag:$0x6], $0x2800, $0x38;
	[tilespmem:$0x17B80] =	vst v63  }
0x44: {  	_ =	swait.ge [sflag:s14], $0x2800  }
0x45: {  	[sflag:s14] =	ssyncset.done $0x0  }
0x46: {  	s28 =	rddreg [dreg:$0x19];
	[sflag:s14] =	ssyncadd.s32 $0xFFFFD800  }
0x47: {  	[spmem:s28] =	stream.linear.scatter [tilespmem:s13], [sflag:$0x6], $0x2800, $0x38;
	[tilespmem:$0x17B80] =	vst v63  }
0x48: {  	_ =	swait.ge [sflag:s14], $0x2800  }
0x49: {  	[sflag:s14] =	ssyncset.done $0x0  }
0x4a: {  	s29 =	rddreg [dreg:$0x1a];
	[sflag:s14] =	ssyncadd.s32 $0xFFFFD800  }
0x4b: {  	[spmem:s29] =	stream.linear.scatter [tilespmem:s13], [sflag:$0x6], $0x2800, $0x38;
	[tilespmem:$0x17B80] =	vst v63  }
0x4c: {  	_ =	swait.ge [sflag:s14], $0x2800  }
0x4d: {  	[sflag:s14] =	ssyncset.done $0x0  }
0x4e: {  	s10 =	rddreg [dreg:$0x1b];
	[sflag:s14] =	ssyncadd.s32 $0xFFFFD800  }
0x4f: {  	[spmem:s10] =	stream.linear.scatter [tilespmem:s13], [sflag:$0x6], $0x2800, $0x38;
	[tilespmem:$0x17B80] =	vst v63  }
0x50: {  	_ =	swait.ge [sflag:s14], $0x2800  }
0x51: {  	[sflag:s14] =	ssyncset.done $0x0  }
0x52: {  	s11 =	rddreg [dreg:$0x1c];
	[sflag:s14] =	ssyncadd.s32 $0xFFFFD800  }
0x53: {  	[spmem:s11] =	stream.linear.scatter [tilespmem:s13], [sflag:$0x6], $0x2800, $0x38;
	[tilespmem:$0x17B80] =	vst v63  }
0x54: {  	_ =	swait.ge [sflag:s14], $0x2800  }
0x55: {  	[sflag:s14] =	ssyncset.done $0x0  }
0x56: {  	s12 =	rddreg [dreg:$0x1d];
	[sflag:s14] =	ssyncadd.s32 $0xFFFFD800  }
0x57: {  	[spmem:s12] =	stream.linear.scatter [tilespmem:s13], [sflag:$0x6], $0x2800, $0x38;
	[tilespmem:$0x17B80] =	vst v63  }
0x58: {  	_ =	swait.ge [sflag:s14], $0x2800  }
0x59: {  	[sflag:s14] =	ssyncset.done $0x0  }
0x5a: {  	s9 =	simm.s32 @!p1 $0x13B80;
	[sflag:s14] =	ssyncadd.s32 $0xFFFFD800  }
0x5b: {  	[spmem:s21] =	stream.linear.scatter @!p1 [tilespmem:s9], [sflag:$0x6], $0x2800, $0x38;
	[tilespmem:$0x17B80] =	vst v63  }
0x5c: {  	s9 =	simm.s32 @!p1 $0x6  }
0x5d: {  	_ =	swait.ge @!p1 [sflag:s9], $0x2800  }
0x5e: {  	[sflag:s9] =	ssyncset.done @!p1 $0x0  }
0x5f: {  	[sflag:s9] =	ssyncadd.s32 @!p1 $0xFFFFD800  }
0x60: {  	[bflag:$0x0] =	sbarrier.arrive $0xFFFF  }
0x61: {  	s28 =	simm.s32 $0x0;
	s10 =	rddreg [dreg:$0xe]  }
0x62: {  	[tilespmem:s15], [sflag:$0x1] =	stream.linear.gather [hbm4b:s10+s28], $0x80, $0x38;
	[tilespmem:$0x17B80] =	vst v63  }
0x63: {  	s29 =	rddreg [dreg:$0xf]  }
0x64: {  	[tilespmem:s16], [sflag:$0x3] =	stream.linear.gather [hbm4b:s29+s28], $0x80, $0x38;
	[tilespmem:$0x17B80] =	vst v63  }
0x65: {  	s11 =	sadd.s32 $0x0, s5  }
0x66: {  	[tilespmem:s17], [sflag:$0x2] =	stream.linear.gather [hbm4b:s11+s2], $0x80, $0x38;
	[tilespmem:$0x17B80] =	vst v63  }
0x67: {  	s12 =	sadd.s32 $0x0, s0  }
0x68: {  	[tilespmem:s19], [sflag:$0x4] =	stream.linear.gather [hbm4b:s12+s2], $0x80, $0x38;
	[tilespmem:$0x17B80] =	vst v63  }
0x69: {  	_ =	swait.ge [sflag:s20], $0x80  }
0x6a: {  	[sflag:s20] =	ssyncset.done $0x0  }
0x6b: {  	[sflag:s20] =	ssyncadd.s32 $0xFFFFFF80  }
0x6c: {  	_ =	swait.ge [sflag:s22], $0x80  }
0x6d: {  	[sflag:s22] =	ssyncset.done $0x0  }
0x6e: {  	[sflag:s22] =	ssyncadd.s32 $0xFFFFFF80  }
0x6f: {  	[tilespmem:s13], [sflag:$0x5] =	stream.indirect.gather [hbm4b:s3+s23], $0x80, s15, s23, $0xb8;
	[tilespmem:$0x17B80] =	vst v63  }
0x70: {  	_ =	swait.ge [sflag:s24], $0x4000  }
0x71: {  	[sflag:s24] =	ssyncset.done $0x0  }
0x72: {  	[sflag:s24] =	ssyncadd.s32 $0xFFFFC000  }
0x73: {  	[spmem:s1] =	stream.indirect.scatter.add.f32 [tilespmem:s13], [sflag:$0x6], $0x80, s16, s23, $0xb8;
	[tilespmem:$0x17B80] =	vst v63  }
0x74: {  	_ =	swait.ge [sflag:s14], $0x4000  }
0x75: {  	s28 =	sshrl.u32 s31, $0x3;
	[sflag:s14] =	ssyncset.done $0x0  }
0x76: {  	s29 =	sadd.s32 s4, s28;
	[sflag:s14] =	ssyncadd.s32 $0xFFFFC000  }
0x77: {  	[tilespmem:s15], [sflag:$0x1] =	stream.linear.gather [hbm4b:s29+s2], $0x80, $0x38;
	[tilespmem:$0x17B80] =	vst v63  }
0x78: {  	s9 =	sadd.s32 s6, s28  }
0x79: {  	[tilespmem:s16], [sflag:$0x3] =	stream.linear.gather [hbm4b:s9+s2], $0x80, $0x38;
	[tilespmem:$0x17B80] =	vst v63  }
0x7a: {  	_ =	swait.ge [sflag:s25], $0x80  }
0x7b: {  	[sflag:s25] =	ssyncset.done $0x0  }
0x7c: {  	[sflag:s25] =	ssyncadd.s32 $0xFFFFFF80  }
0x7d: {  	_ =	swait.ge [sflag:s26], $0x80  }
0x7e: {  	[sflag:s26] =	ssyncset.done $0x0  }
0x7f: {  	[sflag:s26] =	ssyncadd.s32 $0xFFFFFF80  }
0x80: {  	[tilespmem:s13], [sflag:$0x5] =	stream.indirect.gather [hbm4b:s3+s23], $0x80, s17, s23, $0xb8;
	[tilespmem:$0x17B80] =	vst v63  }
0x81: {  	_ =	swait.ge [sflag:s24], $0x4000  }
0x82: {  	[sflag:s24] =	ssyncset.done $0x0  }
0x83: {  	[sflag:s24] =	ssyncadd.s32 $0xFFFFC000  }
0x84: {  	[spmem:s1] =	stream.indirect.scatter.add.f32 [tilespmem:s13], [sflag:$0x6], $0x80, s19, s23, $0xb8;
	[tilespmem:$0x17B80] =	vst v63  }
0x85: {  	s10 =	simm.s32 $0x20;
	_ =	swait.ge [sflag:s14], $0x4000  }
0x86: {  	s11 =	simm.s32 $0x40;
	s9 =	sadd.s32 $0x100, s31;
	[sflag:s14] =	ssyncset.done $0x0  }
.LBB2_4:
0x87: {  	s28 =	sadd.s32 s10, s5  }
0x88: {  	[sflag:s14] =	ssyncadd.s32 $0xFFFFC000;
	s29 =	smov.u32 s11;
	s12 =	sadd.s32 $0x20, s11  }
0x89: {  	[tilespmem:s17], [sflag:$0x2] =	stream.linear.gather [hbm4b:s28+s2], $0x80, $0x38;
	[tilespmem:$0x17B80] =	vst v63  }
0x8a: {  	p2 =	sne.s32 s11, $0x4A0;
	s11 =	sadd.s32 s10, s0;
	s10 =	smov.u32 s29  }
0x8b: {  	[tilespmem:s19], [sflag:$0x4] =	stream.linear.gather [hbm4b:s11+s2], $0x80, $0x38;
	[tilespmem:$0x17B80] =	vst v63  }
0x8c: {  	_ =	swait.ge [sflag:s20], $0x80  }
0x8d: {  	[sflag:s20] =	ssyncset.done $0x0  }
0x8e: {  	[sflag:s20] =	ssyncadd.s32 $0xFFFFFF80  }
0x8f: {  	_ =	swait.ge [sflag:s22], $0x80  }
0x90: {  	[sflag:s22] =	ssyncset.done $0x0  }
0x91: {  	[sflag:s22] =	ssyncadd.s32 $0xFFFFFF80  }
0x92: {  	[tilespmem:s13], [sflag:$0x5] =	stream.indirect.gather [hbm4b:s3+s23], $0x80, s15, s23, $0xb8;
	[tilespmem:$0x17B80] =	vst v63  }
0x93: {  	_ =	swait.ge [sflag:s24], $0x4000  }
0x94: {  	[sflag:s24] =	ssyncset.done $0x0  }
0x95: {  	[sflag:s24] =	ssyncadd.s32 $0xFFFFC000  }
0x96: {  	[spmem:s1] =	stream.indirect.scatter.add.f32 [tilespmem:s13], [sflag:$0x6], $0x80, s16, s23, $0xb8;
	[tilespmem:$0x17B80] =	vst v63  }
0x97: {  	_ =	swait.ge [sflag:s14], $0x4000  }
0x98: {  	s11 =	sshrl.u32 s9, $0x3;
	[sflag:s14] =	ssyncset.done $0x0  }
0x99: {  	s28 =	sadd.s32 s4, s11;
	[sflag:s14] =	ssyncadd.s32 $0xFFFFC000  }
0x9a: {  	[tilespmem:s15], [sflag:$0x1] =	stream.linear.gather [hbm4b:s28+s2], $0x80, $0x38;
	[tilespmem:$0x17B80] =	vst v63  }
0x9b: {  	s11 =	sadd.s32 s6, s11  }
0x9c: {  	[tilespmem:s16], [sflag:$0x3] =	stream.linear.gather [hbm4b:s11+s2], $0x80, $0x38;
	[tilespmem:$0x17B80] =	vst v63  }
0x9d: {  	_ =	swait.ge [sflag:s25], $0x80  }
0x9e: {  	[sflag:s25] =	ssyncset.done $0x0  }
0x9f: {  	[sflag:s25] =	ssyncadd.s32 $0xFFFFFF80  }
0xa0: {  	_ =	swait.ge [sflag:s26], $0x80  }
0xa1: {  	[sflag:s26] =	ssyncset.done $0x0  }
0xa2: {  	[sflag:s26] =	ssyncadd.s32 $0xFFFFFF80  }
0xa3: {  	[tilespmem:s13], [sflag:$0x5] =	stream.indirect.gather [hbm4b:s3+s23], $0x80, s17, s23, $0xb8;
	[tilespmem:$0x17B80] =	vst v63  }
0xa4: {  	_ =	swait.ge [sflag:s24], $0x4000  }
.Ltmp1:
0xa5: {  	[sflag:s24] =	ssyncset.done $0x0;
	(pc) =	sbr.rel @p2 .LBB2_4-.Ltmp1, $4  }
0xa6: {  	[sflag:s24] =	ssyncadd.s32 $0xFFFFC000  }
0xa7: {  	[spmem:s1] =	stream.indirect.scatter.add.f32 [tilespmem:s13], [sflag:$0x6], $0x80, s19, s23, $0xb8;
	[tilespmem:$0x17B80] =	vst v63  }
0xa8: {  	_ =	swait.ge [sflag:s14], $0x4000  }
0xa9: {  	s9 =	sadd.s32 $0x100, s9;
	s11 =	smov.u32 s12;
	[sflag:s14] =	ssyncset.done $0x0  }
0xaa: {  	s11 =	sadd.s32 s10, s5;
	[sflag:s14] =	ssyncadd.s32 $0xFFFFC000  }
0xab: {  	[tilespmem:s17], [sflag:$0x2] =	stream.linear.gather [hbm4b:s11+s2], $0x80, $0x38;
	[tilespmem:$0x17B80] =	vst v63  }
0xac: {  	s28 =	sadd.s32 s10, s0  }
0xad: {  	[tilespmem:s19], [sflag:$0x4] =	stream.linear.gather [hbm4b:s28+s2], $0x80, $0x38;
	[tilespmem:$0x17B80] =	vst v63  }
0xae: {  	_ =	swait.ge [sflag:s20], $0x80  }
0xaf: {  	[sflag:s20] =	ssyncset.done $0x0  }
0xb0: {  	[sflag:s20] =	ssyncadd.s32 $0xFFFFFF80  }
0xb1: {  	_ =	swait.ge [sflag:s22], $0x80  }
0xb2: {  	[sflag:s22] =	ssyncset.done $0x0  }
0xb3: {  	[sflag:s22] =	ssyncadd.s32 $0xFFFFFF80  }
0xb4: {  	[tilespmem:s13], [sflag:$0x5] =	stream.indirect.gather [hbm4b:s3+s23], $0x80, s15, s23, $0xb8;
	[tilespmem:$0x17B80] =	vst v63  }
0xb5: {  	_ =	swait.ge [sflag:s24], $0x4000  }
0xb6: {  	[sflag:s24] =	ssyncset.done $0x0  }
0xb7: {  	[sflag:s24] =	ssyncadd.s32 $0xFFFFC000  }
0xb8: {  	[spmem:s1] =	stream.indirect.scatter.add.f32 [tilespmem:s13], [sflag:$0x6], $0x80, s16, s23, $0xb8;
	[tilespmem:$0x17B80] =	vst v63  }
0xb9: {  	_ =	swait.ge [sflag:s14], $0x4000  }
0xba: {  	s9 =	sshrl.u32 s9, $0x3;
	[sflag:s14] =	ssyncset.done $0x0  }
0xbb: {  	s29 =	sadd.s32 s4, s9;
	[sflag:s14] =	ssyncadd.s32 $0xFFFFC000  }
0xbc: {  	[tilespmem:s15], [sflag:$0x1] =	stream.linear.gather [hbm4b:s29+s2], $0x80, $0x38;
	[tilespmem:$0x17B80] =	vst v63  }
0xbd: {  	s9 =	sadd.s32 s6, s9  }
0xbe: {  	[tilespmem:s16], [sflag:$0x3] =	stream.linear.gather [hbm4b:s9+s2], $0x80, $0x38;
	[tilespmem:$0x17B80] =	vst v63  }
0xbf: {  	_ =	swait.ge [sflag:s25], $0x80  }
0xc0: {  	[sflag:s25] =	ssyncset.done $0x0  }
0xc1: {  	[sflag:s25] =	ssyncadd.s32 $0xFFFFFF80  }
0xc2: {  	_ =	swait.ge [sflag:s26], $0x80  }
0xc3: {  	[sflag:s26] =	ssyncset.done $0x0  }
0xc4: {  	[sflag:s26] =	ssyncadd.s32 $0xFFFFFF80  }
0xc5: {  	[tilespmem:s13], [sflag:$0x5] =	stream.indirect.gather [hbm4b:s3+s23], $0x80, s17, s23, $0xb8;
	[tilespmem:$0x17B80] =	vst v63  }
0xc6: {  	_ =	swait.ge [sflag:s24], $0x4000  }
0xc7: {  	[sflag:s24] =	ssyncset.done $0x0  }
0xc8: {  	[sflag:s24] =	ssyncadd.s32 $0xFFFFC000  }
0xc9: {  	[spmem:s1] =	stream.indirect.scatter.add.f32 [tilespmem:s13], [sflag:$0x6], $0x80, s19, s23, $0xb8;
	[tilespmem:$0x17B80] =	vst v63  }
0xca: {  	_ =	swait.ge [sflag:s14], $0x4000  }
0xcb: {  	[sflag:s14] =	ssyncset.done $0x0  }
0xcc: {  	s11 =	rddreg [dreg:$0x10];
	[sflag:s14] =	ssyncadd.s32 $0xFFFFC000  }
0xcd: {  	[tilespmem:s17], [sflag:$0x2] =	stream.linear.gather [hbm4b:s11+s2], $0x80, $0x38;
	[tilespmem:$0x17B80] =	vst v63  }
0xce: {  	s12 =	rddreg [dreg:$0x11]  }
0xcf: {  	[tilespmem:s19], [sflag:$0x4] =	stream.linear.gather [hbm4b:s12+s2], $0x80, $0x38;
	[tilespmem:$0x17B80] =	vst v63  }
0xd0: {  	_ =	swait.ge [sflag:s20], $0x80  }
0xd1: {  	[sflag:s20] =	ssyncset.done $0x0  }
0xd2: {  	[sflag:s20] =	ssyncadd.s32 $0xFFFFFF80  }
0xd3: {  	_ =	swait.ge [sflag:s22], $0x80  }
0xd4: {  	[sflag:s22] =	ssyncset.done $0x0  }
0xd5: {  	[sflag:s22] =	ssyncadd.s32 $0xFFFFFF80  }
0xd6: {  	[tilespmem:s13], [sflag:$0x5] =	stream.indirect.gather [hbm4b:s3+s23], $0x80, s15, s23, $0xb8;
	[tilespmem:$0x17B80] =	vst v63  }
0xd7: {  	_ =	swait.ge [sflag:s24], $0x4000  }
0xd8: {  	[sflag:s24] =	ssyncset.done $0x0  }
0xd9: {  	[sflag:s24] =	ssyncadd.s32 $0xFFFFC000  }
0xda: {  	[spmem:s1] =	stream.indirect.scatter.add.f32 [tilespmem:s13], [sflag:$0x6], $0x80, s16, s23, $0xb8;
	[tilespmem:$0x17B80] =	vst v63  }
0xdb: {  	_ =	swait.ge [sflag:s14], $0x4000  }
0xdc: {  	[sflag:s14] =	ssyncset.done $0x0  }
0xdd: {  	[sflag:s14] =	ssyncadd.s32 $0xFFFFC000  }
0xde: {  	_ =	swait.ge [sflag:s25], $0x80  }
0xdf: {  	[sflag:s25] =	ssyncset.done $0x0  }
0xe0: {  	[sflag:s25] =	ssyncadd.s32 $0xFFFFFF80  }
0xe1: {  	_ =	swait.ge [sflag:s26], $0x80  }
0xe2: {  	[sflag:s26] =	ssyncset.done $0x0  }
0xe3: {  	[sflag:s26] =	ssyncadd.s32 $0xFFFFFF80  }
0xe4: {  	[tilespmem:s13], [sflag:$0x5] =	stream.indirect.gather [hbm4b:s3+s23], $0x80, s17, s23, $0xb8;
	[tilespmem:$0x17B80] =	vst v63  }
0xe5: {  	_ =	swait.ge [sflag:s24], $0x4000  }
0xe6: {  	[sflag:s24] =	ssyncset.done $0x0  }
0xe7: {  	[sflag:s24] =	ssyncadd.s32 $0xFFFFC000  }
0xe8: {  	[spmem:s1] =	stream.indirect.scatter.add.f32 [tilespmem:s13], [sflag:$0x6], $0x80, s19, s23, $0xb8;
	[tilespmem:$0x17B80] =	vst v63  }
0xe9: {  	_ =	swait.ge [sflag:s14], $0x4000  }
0xea: {  	[sflag:s14] =	ssyncset.done $0x0  }
0xeb: {  	s29 =	simm.s32 $0x13A80;
	s28 =	rddreg [dreg:$0xb];
	[sflag:s14] =	ssyncadd.s32 $0xFFFFC000  }
0xec: {  	[tilespmem:s29], [sflag:$0x6] =	stream.linear.gather [hbm4b:s28+s2], $0x10, $0x38;
	[tilespmem:$0x17B80] =	vst v63  }
0xed: {  	_ =	swait.ge [sflag:s14], $0x10  }
0xee: {  	[sflag:s14] =	ssyncset.done $0x0  }
0xef: {  	s12 =	simm.s32 $0x13B00;
	s11 =	rddreg [dreg:$0xc];
	[sflag:s14] =	ssyncadd.s32 $0xFFFFFFF0  }
0xf0: {  	[tilespmem:s12], [sflag:$0x6] =	stream.linear.gather [hbm4b:s11+s2], $0x10, $0x38;
	[tilespmem:$0x17B80] =	vst v63  }
0xf1: {  	_ =	swait.ge [sflag:s14], $0x10  }
0xf2: {  	[sflag:s14] =	ssyncset.done $0x0  }
0xf3: {  	[sflag:s14] =	ssyncadd.s32 $0xFFFFFFF0  }
0xf4: {  	[tilespmem:s13], [sflag:$0x5] =	stream.indirect.gather [hbm4b:s3+s30], $0x80, s29, s30, $0xb8;
	[tilespmem:$0x17B80] =	vst v63  }
0xf5: {  	_ =	swait.ge [sflag:s24], $0x800  }
0xf6: {  	[sflag:s24] =	ssyncset.done $0x0  }
0xf7: {  	[sflag:s24] =	ssyncadd.s32 $0xFFFFF800  }
0xf8: {  	[spmem:s1] =	stream.indirect.scatter.add.f32 [tilespmem:s13], [sflag:$0x6], $0x80, s12, s30, $0xb8;
	[tilespmem:$0x17B80] =	vst v63  }
0xf9: {  	_ =	swait.ge [sflag:s14], $0x800  }
0xfa: {  	[sflag:s14] =	ssyncset.done $0x0  }
0xfb: {  	[sflag:s14] =	ssyncadd.s32 $0xFFFFF800  }
0xfc: {  	[bflag:$0x0] =	sbarrier.arrive $0xFFFF  }
0xfd: {  	[tilespmem:s13], [sflag:$0x7] =	stream.linear.gather [spmem:s18], $0x2800, $0x38;
	[tilespmem:$0x17B80] =	vst v63  }
0xfe: {  	_ =	swait.ge [sflag:s7], $0x2800  }
0xff: {  	s9 =	simm.s32 $0x6;
	[sflag:s7] =	ssyncset.done $0x0  }
0x100: {  	s9 =	simm.s32 @!p0 $0x7;
	s28 =	rddreg [dreg:$0x3];
	[sflag:s7] =	ssyncadd.s32 $0xFFFFD800  }
0x101: {  	[hbm4b:s28+s2] =	stream.linear.scatter [tilespmem:s13], [sflag:s9], $0x2800, $0x38;
	[tilespmem:$0x17B80] =	vst v63  }
0x102: {  	_ =	swait.ge [sflag:s9], $0x2800  }
0x103: {  	[sflag:s9] =	ssyncset.done $0x0  }
0x104: {  	s29 =	rddreg [dreg:$0x12];
	[sflag:s9] =	ssyncadd.s32 $0xFFFFD800  }
0x105: {  	[tilespmem:s13], [sflag:$0x7] =	stream.linear.gather [spmem:s29], $0x2800, $0x38;
	[tilespmem:$0x17B80] =	vst v63  }
0x106: {  	_ =	swait.ge [sflag:s7], $0x2800  }
0x107: {  	[sflag:s7] =	ssyncset.done $0x0  }
0x108: {  	s11 =	rddreg [dreg:$0x4];
	[sflag:s7] =	ssyncadd.s32 $0xFFFFD800  }
0x109: {  	[hbm4b:s11+s2] =	stream.linear.scatter [tilespmem:s13], [sflag:s9], $0x2800, $0x38;
	[tilespmem:$0x17B80] =	vst v63  }
0x10a: {  	_ =	swait.ge [sflag:s9], $0x2800  }
0x10b: {  	[sflag:s9] =	ssyncset.done $0x0  }
0x10c: {  	s12 =	rddreg [dreg:$0x13];
	[sflag:s9] =	ssyncadd.s32 $0xFFFFD800  }
0x10d: {  	[tilespmem:s13], [sflag:$0x7] =	stream.linear.gather [spmem:s12], $0x2800, $0x38;
	[tilespmem:$0x17B80] =	vst v63  }
0x10e: {  	_ =	swait.ge [sflag:s7], $0x2800  }
0x10f: {  	[sflag:s7] =	ssyncset.done $0x0  }
0x110: {  	s28 =	rddreg [dreg:$0x5];
	[sflag:s7] =	ssyncadd.s32 $0xFFFFD800  }
0x111: {  	[hbm4b:s28+s2] =	stream.linear.scatter [tilespmem:s13], [sflag:s9], $0x2800, $0x38;
	[tilespmem:$0x17B80] =	vst v63  }
0x112: {  	_ =	swait.ge [sflag:s9], $0x2800  }
0x113: {  	[sflag:s9] =	ssyncset.done $0x0  }
0x114: {  	s29 =	rddreg [dreg:$0x14];
	[sflag:s9] =	ssyncadd.s32 $0xFFFFD800  }
0x115: {  	[tilespmem:s13], [sflag:$0x7] =	stream.linear.gather [spmem:s29], $0x2800, $0x38;
	[tilespmem:$0x17B80] =	vst v63  }
0x116: {  	_ =	swait.ge [sflag:s7], $0x2800  }
0x117: {  	[sflag:s7] =	ssyncset.done $0x0  }
0x118: {  	s11 =	rddreg [dreg:$0x6];
	[sflag:s7] =	ssyncadd.s32 $0xFFFFD800  }
0x119: {  	[hbm4b:s11+s2] =	stream.linear.scatter [tilespmem:s13], [sflag:s9], $0x2800, $0x38;
	[tilespmem:$0x17B80] =	vst v63  }
0x11a: {  	_ =	swait.ge [sflag:s9], $0x2800  }
0x11b: {  	[sflag:s9] =	ssyncset.done $0x0  }
0x11c: {  	s12 =	rddreg [dreg:$0x15];
	[sflag:s9] =	ssyncadd.s32 $0xFFFFD800  }
0x11d: {  	[tilespmem:s13], [sflag:$0x7] =	stream.linear.gather [spmem:s12], $0x2800, $0x38;
	[tilespmem:$0x17B80] =	vst v63  }
0x11e: {  	_ =	swait.ge [sflag:s7], $0x2800  }
0x11f: {  	[sflag:s7] =	ssyncset.done $0x0  }
0x120: {  	s28 =	rddreg [dreg:$0x7];
	[sflag:s7] =	ssyncadd.s32 $0xFFFFD800  }
0x121: {  	[hbm4b:s28+s2] =	stream.linear.scatter [tilespmem:s13], [sflag:s9], $0x2800, $0x38;
	[tilespmem:$0x17B80] =	vst v63  }
0x122: {  	_ =	swait.ge [sflag:s9], $0x2800  }
0x123: {  	[sflag:s9] =	ssyncset.done $0x0  }
0x124: {  	s29 =	rddreg [dreg:$0x16];
	[sflag:s9] =	ssyncadd.s32 $0xFFFFD800  }
0x125: {  	[tilespmem:s13], [sflag:$0x7] =	stream.linear.gather [spmem:s29], $0x2800, $0x38;
	[tilespmem:$0x17B80] =	vst v63  }
0x126: {  	_ =	swait.ge [sflag:s7], $0x2800  }
0x127: {  	[sflag:s7] =	ssyncset.done $0x0  }
0x128: {  	s11 =	rddreg [dreg:$0x8];
	[sflag:s7] =	ssyncadd.s32 $0xFFFFD800  }
0x129: {  	[hbm4b:s11+s2] =	stream.linear.scatter [tilespmem:s13], [sflag:s9], $0x2800, $0x38;
	[tilespmem:$0x17B80] =	vst v63  }
0x12a: {  	_ =	swait.ge [sflag:s9], $0x2800  }
0x12b: {  	[sflag:s9] =	ssyncset.done $0x0  }
0x12c: {  	s12 =	rddreg [dreg:$0x17];
	[sflag:s9] =	ssyncadd.s32 $0xFFFFD800  }
0x12d: {  	[tilespmem:s13], [sflag:$0x7] =	stream.linear.gather [spmem:s12], $0x2800, $0x38;
	[tilespmem:$0x17B80] =	vst v63  }
0x12e: {  	_ =	swait.ge [sflag:s7], $0x2800  }
0x12f: {  	[sflag:s7] =	ssyncset.done $0x0  }
0x130: {  	s28 =	rddreg [dreg:$0x9];
	[sflag:s7] =	ssyncadd.s32 $0xFFFFD800  }
0x131: {  	[hbm4b:s28+s2] =	stream.linear.scatter [tilespmem:s13], [sflag:s9], $0x2800, $0x38;
	[tilespmem:$0x17B80] =	vst v63  }
0x132: {  	_ =	swait.ge [sflag:s9], $0x2800  }
0x133: {  	[sflag:s9] =	ssyncset.done $0x0  }
0x134: {  	s10 =	simm.s32 @!p1 $0x13B80;
	s11 =	simm.s32 @!p1 $0x7;
	[sflag:s9] =	ssyncadd.s32 $0xFFFFD800  }
0x135: {  	[tilespmem:s10], [sflag:$0x7] =	stream.linear.gather @!p1 [spmem:s21], $0x2800, $0x38;
	[tilespmem:$0x17B80] =	vst v63  }
0x136: {  	_ =	swait.ge @!p1 [sflag:s11], $0x2800  }
0x137: {  	[sflag:s11] =	ssyncset.done @!p1 $0x0  }
0x138: {  	s12 =	rddreg [dreg:$0xa];
	[sflag:s11] =	ssyncadd.s32 @!p1 $0xFFFFD800;
	s11 =	simm.s32 @!p1 $0x0  }
0x139: {  	[hbm4b:s12+s11] =	stream.linear.scatter @!p1 [tilespmem:s10], [sflag:s9], $0x2800, $0x38;
	[tilespmem:$0x17B80] =	vst v63  }
0x13a: {  	_ =	swait.ge @!p1 [sflag:s9], $0x2800  }
0x13b: {  	s8 =	sadd.s32 $0x1, s8;
	s29 =	rddreg [dreg:$0xd]  }
0x13c: {  	p2 =	sne.s32 s8, s29  }
.Ltmp2:
0x13d: {  	_ = 	snop;
	(pc) =	sbr.rel @p2 .LBB2_1-.Ltmp2, $3  }
0x13e: {  	_ =	sdelay $0x1  }
0x13f: {  	[sflag:s9] =	ssyncset.done @!p1 $0x0  }
0x140: {  	[sflag:s9] =	ssyncadd.s32 @!p1 $0xFFFFD800  }
0x141: {  	_ =	sfence.sel $0x180000  }
0x142: {  	[bflag:$0x0] =	sbarrier.arrive $0xFFFF  }
0x143: {  	_ =	strace $0x9000004D  }
0x144: {  	s0 =	stileid.u32;
	[bflag:$0x2] =	sbarrier.arrive $0xFFFF  }
0x145: {  	p0 =	sne.s32 s0, $0x0;
	s0 =	rddreg [dreg:$0x2]  }
0x146: {  	s0 =	sadd.s32 @!p0 $0x100000, s0  }
0x147: {  	[sflag:s0] =	ssyncadd.tile.s32 @!p0 $0x1;
	_ =	shalt  }
.Lfunc_end2:
_tile_overlayer_lowered:
.L_overlay_start_2:
0x148: {  	(tag) =	ssettag $0x2  }
0x149: {  	s0 =	rddreg [dreg:$0x0];
	s2 =	stileid.u32  }
0x14a: {  	s1 =	rddreg [dreg:$0x1];
	p0 =	sne.s32 s2, $0x0  }
0x14b: {  	s3 =	rddreg [dreg:$0x2];
	[bflag:$0x3] =	sbarrier.arrive $0xFFFF;
	s2 =	simm.s32 @!p0 $0x1C06  }
0x14c: {  	[timem:s3], [sflag:s2] =	dma.local @!p0 [hbm:s0], s1  }
0x14d: {  	s0 =	simm.s32 @!p0 $0x6  }
0x14e: {  	_ =	swait.ge @!p0 [sflag:s0], s1  }
0x14f: {  	s1 =	ssub.s32 @!p0 $0x0, s1;
	[sflag:s0] =	ssyncset.done @!p0 $0x0  }
0x150: {  	[sflag:s0] =	ssyncadd.s32 @!p0 s1  }
0x151: {  	[bflag:$0x3] =	sbarrier.arrive $0xFFFF  }
0x152: {  	_ =	shalt  }

// kernel: kernel.17.cloned.1.call-start
scs
__scs_entry_jumppad:
0x0: {  	(pc) =	sbr.rel $0x88, $3  }
0x1: {  	(tag) =	ssettag $0x0;
	lr =	simm.s32 $0x1  }
0x2: {  	[smem:$0x3F98] =	sst lr;
	_ =	strace $0xD0000000  }
0x3: {  	_ = 	snop  }
0x4: {  	_ = 	snop  }
0x5: {  	_ = 	snop  }
0x6: {  	_ = 	snop  }
0x7: {  	_ = 	snop  }
__scs_overlays_trampoline_lowered:
0x8: {  	[smem:$0x3FA7] =	sst s0  }
0x9: {  	[smem:$0x3FA8] =	sst s1  }
0xa: {  	[smem:$0x3FA9] =	sst s2  }
0xb: {  	[smem:$0x3FAA] =	sst s3  }
0xc: {  	[smem:$0x3FAB] =	sst s4  }
0xd: {  	[smem:$0x3FAC] =	sst s5  }
0xe: {  	[smem:$0x3FAD] =	sst s6  }
0xf: {  	[smem:$0x3FAE] =	sst s7  }
0x10: {  	[smem:$0x3FAF] =	sst s8  }
0x11: {  	[smem:$0x3FB0] =	sst s9;
	s0 =	simm.s32 @!p0 $0x0  }
0x12: {  	s1 =	sld [smem:$0x3F96];
	s0 =	simm.s32 @p0 $0x1  }
0x13: {  	[smem:$0x3FB1] =	sst s0;
	s0 =	simm.s32 @!p1 $0x0  }
0x14: {  	s2 =	sld [smem:$0x3F95];
	s0 =	simm.s32 @p1 $0x1  }
0x15: {  	[smem:$0x3FB2] =	sst s0;
	s0 =	simm.s32 @!p2 $0x0  }
0x16: {  	s3 =	sld [smem:$0x3FDB];
	s0 =	simm.s32 @p2 $0x1  }
0x17: {  	s4 =	simm.s32 $0x1BF5;
	[smem:$0x3FB4] =	sst s0  }
0x18: {  	s0 =	sld [smem:$0x3F97];
	_ =	swait.ge [sflag:s4], $0x0  }
0x19: {  	s7 =	sld [smem:$0x3F98]  }
0x1a: {  	s8 =	sadd.s32 $0xFFFFE003, lr  }
0x1b: {  	s9 =	sadd.s32 $0xFFFFFEF7, lr;
	s5 =	simm.s32 $0xFFFFFFFF;
	p2 =	slt.u32 s8, $0xFFFFF086  }
0x1c: {  	p1 =	slt.u32 s9, $0xF7A;
	s5 =	simm.s32 @!p2 $0x0  }
0x1d: {  	s5 =	simm.s32 @p1 $0x1;
	p0 =	seq.s32 s7, s2  }
0x1e: {  	s7 =	smul.u32 @!p0 $0xF7A, s2;
	p2 =	seq.s32 @!p0 s5, $0x0  }
0x1f: {  	s9 =	smul.u32 $0xF7A, s1;
	s8 =	simm.s32 @!p0 $0x1BF5;
	p2 =	por !p2, p0  }
0x20: {  	[sflag:s8] =	ssyncset.s32 @!p0 $0xFFFFF086;
	s6 =	sadd.s32 @!p0 s3, s7;
	s7 =	simm.s32 @!p0 $0x108  }
0x21: {  	s3 =	sadd.s32 s3, s9;
	s6 =	sadd.s32 @!p0 $0x88, s6;
	s7 =	simm.s32 @p2 $0x1082  }
0x22: {  	[simem:s7], [sflag:s8] =	dma.local @!p0 [hbm:s6], $0xF7A  }
0x23: {  	s9 =	sor.u32 $0xD0000000, s2;
	s6 =	simm.s32 $0x108;
	_ =	swait.ge @!p0 [sflag:s8], $0x0  }
0x24: {  	s3 =	sadd.s32 $0x88, s3;
	s6 =	simm.s32 @!p1 $0x1082;
	[sflag:s4] =	ssyncset.s32 $0xFFFFF086  }
0x25: {  	[simem:s6], [sflag:s4] =	dma.local [hbm:s3], $0xF7A  }
0x26: {  	[smem:$0x3F98] =	sst s1;
	(tag) =	ssettag s2;
	_ =	strace s9  }
0x27: {  	s1 =	sld [smem:$0x3FA8]  }
0x28: {  	s2 =	sld [smem:$0x3FA9]  }
0x29: {  	s4 =	sld [smem:$0x3FAB]  }
0x2a: {  	p0 =	seq.s32 s5, $0x0;
	s5 =	sld [smem:$0x3FAC]  }
0x2b: {  	s6 =	sld [smem:$0x3FAD]  }
0x2c: {  	s7 =	sld [smem:$0x3FAE]  }
0x2d: {  	s3 =	simm.s32 $0x108;
	s8 =	sld [smem:$0x3FAF]  }
0x2e: {  	s3 =	simm.s32 @!p0 $0x1082;
	s9 =	sld [smem:$0x3FB0]  }
0x2f: {  	lr =	sadd.s32 s0, s3;
	s0 =	sld [smem:$0x3FA7]  }
0x30: {  	s3 =	sld [smem:$0x3FAA]  }
0x31: {  	[smem:$0x3FB3] =	sst s10  }
0x32: {  	s10 =	sld [smem:$0x3FB1];
	_ =	sdelay $0x3  }
0x33: {  	p0 =	seq.s32 s10, $0x1;
	s10 =	sld [smem:$0x3FB3];
	_ =	sdelay $0x3  }
0x34: {  	[smem:$0x3FB3] =	sst s10  }
0x35: {  	s10 =	sld [smem:$0x3FB2];
	_ =	sdelay $0x3  }
0x36: {  	p1 =	seq.s32 s10, $0x1;
	s10 =	sld [smem:$0x3FB3];
	_ =	sdelay $0x3  }
0x37: {  	[smem:$0x3FB3] =	sst s10  }
0x38: {  	s10 =	sld [smem:$0x3FB4]  }
0x39: {  	_ = 	snop;
	(pc) =	sbr.ind lr, $3  }
0x3a: {  	_ = 	snop  }
0x3b: {  	_ = 	snop  }
0x3c: {  	p2 =	seq.s32 s10, $0x1;
	s10 =	sld [smem:$0x3FB3]  }
0x3d: {  	_ =	shalt  }
0x3e: {  	_ =	shalt  }
0x3f: {  	_ =	shalt  }
0x40: {  	_ =	shalt  }
0x41: {  	_ =	shalt  }
0x42: {  	_ =	shalt  }
0x43: {  	_ =	shalt  }
0x44: {  	_ =	shalt  }
0x45: {  	_ =	shalt  }
0x46: {  	_ =	shalt  }
0x47: {  	_ =	shalt  }
0x48: {  	_ =	shalt  }
0x49: {  	_ =	shalt  }
0x4a: {  	_ =	shalt  }
0x4b: {  	_ =	shalt  }
0x4c: {  	_ =	shalt  }
0x4d: {  	_ =	shalt  }
0x4e: {  	_ =	shalt  }
0x4f: {  	_ =	shalt  }
0x50: {  	_ =	shalt  }
0x51: {  	_ =	shalt  }
0x52: {  	_ =	shalt  }
0x53: {  	_ =	shalt  }
0x54: {  	_ =	shalt  }
0x55: {  	_ =	shalt  }
0x56: {  	_ =	shalt  }
0x57: {  	_ =	shalt  }
0x58: {  	_ =	shalt  }
0x59: {  	_ =	shalt  }
0x5a: {  	_ =	shalt  }
0x5b: {  	_ =	shalt  }
0x5c: {  	_ =	shalt  }
0x5d: {  	_ =	shalt  }
0x5e: {  	_ =	shalt  }
0x5f: {  	_ =	shalt  }
0x60: {  	_ =	shalt  }
0x61: {  	_ =	shalt  }
0x62: {  	_ =	shalt  }
0x63: {  	_ =	shalt  }
0x64: {  	_ =	shalt  }
0x65: {  	_ =	shalt  }
0x66: {  	_ =	shalt  }
0x67: {  	_ =	shalt  }
0x68: {  	_ =	shalt  }
0x69: {  	_ =	shalt  }
0x6a: {  	_ =	shalt  }
0x6b: {  	_ =	shalt  }
0x6c: {  	_ =	shalt  }
0x6d: {  	_ =	shalt  }
0x6e: {  	_ =	shalt  }
0x6f: {  	_ =	shalt  }
0x70: {  	_ =	shalt  }
0x71: {  	_ =	shalt  }
0x72: {  	_ =	shalt  }
0x73: {  	_ =	shalt  }
0x74: {  	_ =	shalt  }
0x75: {  	_ =	shalt  }
0x76: {  	_ =	shalt  }
0x77: {  	_ =	shalt  }
0x78: {  	_ =	shalt  }
0x79: {  	_ =	shalt  }
0x7a: {  	_ =	shalt  }
0x7b: {  	_ =	shalt  }
0x7c: {  	_ =	shalt  }
0x7d: {  	_ =	shalt  }
0x7e: {  	_ =	shalt  }
0x7f: {  	_ =	shalt  }
0x80: {  	_ =	shalt  }
0x81: {  	_ =	shalt  }
0x82: {  	_ =	shalt  }
0x83: {  	_ =	shalt  }
0x84: {  	_ =	shalt  }
0x85: {  	_ =	shalt  }
0x86: {  	_ =	shalt  }
0x87: {  	_ =	shalt  }
.Lfunc_end0:
.L_simem_size_0:
called_computation.3_lowered:
.L_overlay_start_0:
0x88: {  	s2 =	sld [smem:$0x3FD9]  }
0x89: {  	s3 =	sld [smem:$0x3FFE];
	_ =	sdelay $0x1  }
0x8a: {  	s1 =	srdreg.scid  }
0x8b: {  	s0 =	sand.u32 $0x1, s1  }
0x8c: {  	s17 =	sshll.u32 s0, $0xA;
	s2 =	sadd.s32 s3, s2  }
0x8d: {  	s2 =	sadd.s32 s2, s17  }
0x8e: {  	[smem:$0x3FBF] =	sst s2  }
0x8f: {  	_ = 	snop  }
0x90: {  	s2 =	sld [smem:$0x3FC5];
	(tm) =	ssettm $0x1  }
0x91: {  	s18 =	sld [smem:$0x3FFB];
	_ =	sdelay $0x3  }
0x92: {  	_ =	strace s18  }
0x93: {  	s3 =	sld [smem:$0x3FFC];
	_ =	sdelay $0x3  }
0x94: {  	_ =	strace s3  }
0x95: {  	s3 =	sld [smem:$0x3FFD];
	_ =	sdelay $0x3  }
0x96: {  	_ =	strace s3  }
0x97: {  	_ =	strace $0x8FFFFFFF  }
0x98: {  	s19 =	sld [smem:$0x3FDB];
	_ =	sdelay $0x1  }
0x99: {  	s4 =	simm.s32 $_scs_section_size  }
0x9a: {  	s5 =	simm.s32 $_size__tile_overlayer_lowered;
	s6 =	simm.s32 $_tile_overlayer_lowered  }
0x9b: {  	s22 =	simm.s32 $0x1BFF;
	s21 =	sshll.u32 s6, $0x1;
	s3 =	sadd.s32 s4, s19  }
0x9c: {  	s7 =	simm.s32 $0x0;
	s20 =	sshll.u32 s5, $0x1;
	s5 =	sadd.s32 s21, s3  }
0x9d: {  	[timem:s7], [sflag:s22] =	dma.local [hbm:s5], s20  }
0x9e: {  	_ =	swait.ge [sflag:s22], s20  }
0x9f: {  	s4 =	ssub.s32 $0x0, s20;
	[sflag:s22] =	ssyncset.done $0x0  }
0xa0: {  	[sflag:s22] =	ssyncadd.s32 s4;
	_ =	sdelay $0x1  }
0xa1: {  	s23 =	simm.s32 $0x1B8B  }
0xa2: {  	_ =	swait.ge [sflag:s23], $0x1  }
0xa3: {  	[sflag:s23] =	ssyncset.done $0x0  }
0xa4: {  	s25 =	simm.s32 $0x1B8E;
	s24 =	sld [smem:$0x3FFE];
	[sflag:s23] =	ssyncadd.s32 $0xFFFFFFFF  }
0xa5: {  	s26 =	simm.s32 $execute0_lowered;
	[smem:$0x3FD2] =	sst s25  }
0xa6: {  	s5 =	sshll.u32 s26, $0x1;
	_ =	strace $0x8000004F;
	[dreg:$0x1] =	wrdreg $0xFFFFFFFF  }
0xa7: {  	s28 =	simm.s32 $_size_execute0_lowered;
	s3 =	sadd.s32 s3, s5;
	[dreg:$0x0] =	wrdreg $0x0  }
0xa8: {  	s5 =	sshll.u32 s28, $0x1;
	[dreg:$0x2] =	wrdreg s3  }
0xa9: {  	[dreg:$0x3] =	wrdreg s5  }
0xaa: {  	[dreg:$0x4] =	wrdreg $0xC0  }
0xab: {  	_ =	task [dreg:s7], $0x5FFFF  }
0xac: {  	[dreg:$0x1] =	wrdreg $0xFFFFFFFF  }
0xad: {  	[dreg:$0x0] =	wrdreg $0x60  }
0xae: {  	[dreg:$0x2] =	wrdreg s24  }
0xaf: {  	[dreg:$0x3] =	wrdreg s2  }
0xb0: {  	[dreg:$0x4] =	wrdreg $0x0  }
0xb1: {  	[dreg:$0x5] =	wrdreg $0x9  }
0xb2: {  	_ =	task.clear_ibuf [dreg:s7], $0x6FFFF;
	_ =	strace $0x9000004F  }
0xb3: {  	s29 =	simm.s32 $0x9;
	_ =	strace $0x80000051  }
0xb4: {  	_ =	swait.ge [sflag:s29], $0x1  }
0xb5: {  	[sflag:s29] =	ssyncadd.s32 $0xFFFFFFFF  }
0xb6: {  	_ =	strace $0x90000051  }
0xb7: {  	_ =	sfence  }
0xb8: {  	s30 =	sld [smem:$0x0];
	_ =	sdelay $0x2  }
0xb9: {  	s31 =	sshll.u32 s1, $0xD;
	s1 =	sshrl.u32 s1, $0x2  }
0xba: {  	s3 =	sand.u32 $0x4000, s31;
	s1 =	sadd.s32 s1, s30  }
0xbb: {  	s0 =	sor.u32 s3, s0;
	s1 =	sshll.u32 s1, $0x11  }
0xbc: {  	s0 =	sor.u32 s1, s0  }
0xbd: {  	s0 =	sadd.s32 $0x8F2B, s0  }
0xbe: {  	[sflag:s0] =	ssyncadd.remote.s32 $0x1  }
0xbf: {  	_ =	sfence.sel $0xFFFF  }
0xc0: {  	[dreg:$0x0] =	wrdreg $0xFFFFFFFF;
	(pc) =	sbr.abs _section_cstart, $3  }
0xc1: {  	[dreg:$0x1] =	wrdreg $0xFFFFFFFF  }
0xc2: {  	_ =	task.clear_ibuf [dreg:s7], $0x2FFFF;
	_ =	strace $0x9FFFFFFF  }
0xc3: {  	(tm) =	ssettm $0x7FFFFFFF  }
tec
execute0_lowered:
.L_overlay_start_1:
0x0: {  	(tag) =	ssettag $0x1  }
0x1: {  	s4 =	rddreg [dreg:$0x0]  }
0x2: {  	s8 =	rddreg [dreg:$0x1]  }
0x3: {  	s2 =	rddreg [dreg:$0x2]  }
0x4: {  	s0 =	rddreg [dreg:$0x3];
	s3 =	simm.s32 $0x0;
	s1 =	stileid.u32  }
0x5: {  	s6 =	srdreg.scid;
	s10 =	simm.s32 $0x1;
	[smem:$0x7FF] =	sst s3  }
0x6: {  	s5 =	smul.u32 $0x500, s1;
	s11 =	sand.u32 $0x1, s6;
	s29 =	sshll.u32 s1, $0xB  }
0x7: {  	p1 =	slt.u32 s1, $0x4;
	s30 =	sshll.u32 s1, $0xE;
	s31 =	smul.u32 $0xA, s1  }
0x8: {  	_ =	strace $0x80000050;
	s6 =	ssub.s32 $0x2, s11;
	p0 =	seq.s32 s11, $0x0  }
.Ltmp0:
0x9: {  	s7 =	sadd.s32 s5, s4;
	s9 =	sshrl.u32 s6, $0x1;
	(pc) =	sbr.rel .LBB2_1-.Ltmp0, $4  }
0xa: {  	s5 =	sadd.s32 s29, s4;
	p0 =	por !p0, !p1;
	s4 =	sadd.s32 s30, s2  }
0xb: {  	s8 =	sadd.s32 s31, s8;
	p1 =	sne.s32 s11, $0x0;
	s11 =	simm.s32 $0x0  }
0xc: {  	s6 =	ssub.s32 s6, s9;
	p0 =	por !p0, !p0;
	s5 =	sadd.s32 $0x29E00, s5  }
0xd: {  	v0 =	vimm.f32 $0.0e+00;
	s7 =	sadd.s32 $0x2C00, s7;
	s9 =	simm.s32 $0x3880;
	s6 =	smax.u32 s6, $0x1  }
.LBB2_9:
0xe: {  	[bflag:$0x0] =	sbarrier.arrive $0xFFFF  }
.LBB2_10:
0xf: {  	s11 =	sadd.s32 $0x1, s11  }
0x10: {  	p2 =	sne.s32 s11, s6  }
.Ltmp1:
0x11: {  	_ = 	snop;
	(pc) =	sbr.rel @!p2 .LBB2_11-.Ltmp1, $1  }
0x12: {  	_ =	sdelay $0x3  }
.LBB2_1:
.Ltmp2:
0x13: {  	(pc) =	sbr.rel @!p0 .LBB2_8-.Ltmp2, $1  }
0x14: {  	_ =	sdelay $0x3  }
0x15: {  	s12 =	sshra.s32 s3, $0x2;
	s13 =	sadd.s32 $0x200, s3  }
.LBB2_3:
0x16: {  	p2 =	sne.s32 s13, $0xFE00;
	[tilespmem:s12+$0x38F0] =	vst v0  }
0x17: {  	[tilespmem:s12+$0x3880] =	vst v0  }
0x18: {  	[tilespmem:s12+$0x3890] =	vst v0  }
.Ltmp3:
0x19: {  	[tilespmem:s12+$0x38A0] =	vst v0;
	(pc) =	sbr.rel @p2 .LBB2_3-.Ltmp3, $4  }
0x1a: {  	[tilespmem:s12+$0x38B0] =	vst v0  }
0x1b: {  	[tilespmem:s12+$0x38C0] =	vst v0  }
0x1c: {  	[tilespmem:s12+$0x38D0] =	vst v0  }
0x1d: {  	[tilespmem:s12+$0x38E0] =	vst v0;
	s12 =	sshra.s32 s13, $0x2;
	s13 =	sadd.s32 $0x200, s13  }
0x1e: {  	[tilespmem:s12+$0x38F0] =	vst v0  }
0x1f: {  	[tilespmem:s12+$0x3880] =	vst v0  }
0x20: {  	[tilespmem:s12+$0x3890] =	vst v0  }
0x21: {  	[tilespmem:s12+$0x38A0] =	vst v0  }
0x22: {  	[tilespmem:s12+$0x38B0] =	vst v0  }
0x23: {  	[tilespmem:s12+$0x38C0] =	vst v0  }
0x24: {  	[tilespmem:s12+$0x38D0] =	vst v0  }
0x25: {  	[tilespmem:s12+$0x38E0] =	vst v0  }
0x26: {  	[spmem:s4] =	stream.linear.scatter [tilespmem:s9], [sflag:$0x1], $0x4000, $0x38;
	[tilespmem:$0x7880] =	vst v63  }
.Ltmp4:
0x27: {  	_ =	swait.ge [sflag:s10], $0x4000;
	(pc) =	sbr.rel .LBB2_5-.Ltmp4, $3  }
0x28: {  	[sflag:s10] =	ssyncset.done $0x0  }
0x29: {  	[sflag:s10] =	ssyncadd.s32 $0xFFFFC000  }
0x2a: {  	[bflag:$0x0] =	sbarrier.arrive $0xFFFF;
	_ =	sdelay $0x1  }
.LBB2_8:
.Ltmp5:
0x2b: {  	(pc) =	sbr.rel @p1 .LBB2_9-.Ltmp5, $2  }
0x2c: {  	_ =	sdelay $0x1  }
0x2d: {  	[bflag:$0x0] =	sbarrier.arrive $0xFFFF;
	_ =	sdelay $0x1  }
.LBB2_5:
0x2e: {  	s12 =	sadd.s32 $0x0, s1  }
0x2f: {  	p2 =	sgt.u32 s12, $0x7C  }
0x30: {  	s12 =	simm.s32 @!p2 $0x0;
	s14 =	simm.s32 @!p2 $0x1080;
	s15 =	simm.s32 @!p2 $0x2  }
0x31: {  	[tilespmem:s14], [sflag:$0x2] =	stream.linear.gather @!p2 [hbm4b:s7+s12], $0x2800, $0x38;
	[tilespmem:$0x7880] =	vst v63  }
0x32: {  	_ =	swait.ge @!p2 [sflag:s15], $0x2800;
	p2 =	por p2, p2  }
0x33: {  	[sflag:s15] =	ssyncset.done @!p2 $0x0  }
0x34: {  	s16 =	simm.s32 @!p2 $0x1000;
	[sflag:s15] =	ssyncadd.s32 @!p2 $0xFFFFD800  }
0x35: {  	[tilespmem:s16], [sflag:$0x2] =	stream.linear.gather @!p2 [hbm4b:s8+s12], $0x50, $0x38;
	[tilespmem:$0x7880] =	vst v63  }
0x36: {  	s31 =	sadd.s32 $0x10, s1;
	_ =	swait.ge @!p2 [sflag:s15], $0x50  }
0x37: {  	s13 =	simm.s32 $0x20;
	p3 =	sgt.u32 s31, $0x7C;
	[sflag:s15] =	ssyncset.done @!p2 $0x0  }
0x38: {  	s12 =	simm.s32 @!p2 $0x50;
	[sflag:s15] =	ssyncadd.s32 @!p2 $0xFFFFFFB0;
	s15 =	simm.s32 @!p2 $0x1  }
0x39: {  	[spmem:s2] =	stream.indirect.scatter.add.f32 @!p2 [tilespmem:s14], [sflag:$0x1], $0x80, s16, s12, $0xb8;
	[tilespmem:$0x7880] =	vst v63  }
0x3a: {  	s12 =	sadd.s32 $0xA0, s8;
	s14 =	sadd.s32 $0x5000, s7;
	_ =	swait.ge @!p2 [sflag:s15], $0x2800  }
.LBB2_6:
0x3b: {  	s16 =	simm.s32 @!p3 $0x0  }
0x3c: {  	s17 =	simm.s32 @!p3 $0x1080;
	[sflag:s15] =	ssyncset.done @!p2 $0x0;
	s18 =	smov.u32 s13  }
0x3d: {  	s13 =	sadd.s32 $0x10, s13;
	s19 =	simm.s32 @!p3 $0x2;
	[sflag:s15] =	ssyncadd.s32 @!p2 $0xFFFFD800  }
0x3e: {  	[tilespmem:s17], [sflag:$0x2] =	stream.linear.gather @!p3 [hbm4b:s14+s16], $0x2800, $0x38;
	[tilespmem:$0x7880] =	vst v63  }
0x3f: {  	p4 =	sne.s32 s13, $0x80;
	p2 =	por p3, p3;
	_ =	swait.ge @!p3 [sflag:s19], $0x2800  }
0x40: {  	[sflag:s19] =	ssyncset.done @!p2 $0x0  }
0x41: {  	s20 =	simm.s32 @!p2 $0x1000;
	[sflag:s19] =	ssyncadd.s32 @!p2 $0xFFFFD800  }
0x42: {  	[tilespmem:s20], [sflag:$0x2] =	stream.linear.gather @!p2 [hbm4b:s12+s16], $0x50, $0x38;
	[tilespmem:$0x7880] =	vst v63  }
.Ltmp6:
0x43: {  	_ =	swait.ge @!p2 [sflag:s19], $0x50;
	(pc) =	sbr.rel @p4 .LBB2_6-.Ltmp6, $4  }
0x44: {  	s15 =	simm.s32 @!p2 $0x1;
	s12 =	sadd.s32 $0xA0, s12;
	[sflag:s19] =	ssyncset.done @!p2 $0x0  }
0x45: {  	s16 =	sadd.s32 s18, s1;
	s18 =	simm.s32 @!p2 $0x50;
	[sflag:s19] =	ssyncadd.s32 @!p2 $0xFFFFFFB0  }
0x46: {  	[spmem:s2] =	stream.indirect.scatter.add.f32 @!p2 [tilespmem:s17], [sflag:$0x1], $0x80, s20, s18, $0xb8;
	[tilespmem:$0x7880] =	vst v63  }
0x47: {  	s14 =	sadd.s32 $0x5000, s14;
	p3 =	sgt.u32 s16, $0x7C;
	_ =	swait.ge @!p2 [sflag:s15], $0x2800  }
0x48: {  	s13 =	simm.s32 @!p3 $0x0;
	[sflag:s15] =	ssyncset.done @!p2 $0x0  }
0x49: {  	s16 =	simm.s32 @!p3 $0x1080;
	s17 =	simm.s32 @!p3 $0x2;
	[sflag:s15] =	ssyncadd.s32 @!p2 $0xFFFFD800  }
0x4a: {  	[tilespmem:s16], [sflag:$0x2] =	stream.linear.gather @!p3 [hbm4b:s14+s13], $0x2800, $0x38;
	[tilespmem:$0x7880] =	vst v63  }
0x4b: {  	p2 =	por p3, p3;
	_ =	swait.ge @!p3 [sflag:s17], $0x2800  }
0x4c: {  	[sflag:s17] =	ssyncset.done @!p2 $0x0  }
0x4d: {  	s14 =	simm.s32 @!p2 $0x1000;
	[sflag:s17] =	ssyncadd.s32 @!p2 $0xFFFFD800  }
0x4e: {  	[tilespmem:s14], [sflag:$0x2] =	stream.linear.gather @!p2 [hbm4b:s12+s13], $0x50, $0x38;
	[tilespmem:$0x7880] =	vst v63  }
0x4f: {  	_ =	swait.ge @!p2 [sflag:s17], $0x50  }
0x50: {  	[sflag:s17] =	ssyncset.done @!p2 $0x0  }
0x51: {  	s12 =	simm.s32 @!p2 $0x1;
	s13 =	simm.s32 @!p2 $0x50;
	[sflag:s17] =	ssyncadd.s32 @!p2 $0xFFFFFFB0  }
0x52: {  	[spmem:s2] =	stream.indirect.scatter.add.f32 @!p2 [tilespmem:s16], [sflag:$0x1], $0x80, s14, s13, $0xb8;
	[tilespmem:$0x7880] =	vst v63  }
0x53: {  	_ =	swait.ge @!p2 [sflag:s12], $0x2800  }
0x54: {  	[sflag:s12] =	ssyncset.done @!p2 $0x0  }
0x55: {  	[sflag:s12] =	ssyncadd.s32 @!p2 $0xFFFFD800  }
0x56: {  	s13 =	simm.s32 @p0 $0x1;
	s12 =	simm.s32 @p0 $0x3880;
	[bflag:$0x0] =	sbarrier.arrive $0xFFFF  }
0x57: {  	[tilespmem:s12], [sflag:$0x1] =	stream.linear.gather @p0 [spmem:s4], $0x4000, $0x38;
	[tilespmem:$0x7880] =	vst v63  }
0x58: {  	_ =	swait.ge @p0 [sflag:s13], $0x4000  }
0x59: {  	[sflag:s13] =	ssyncset.done @p0 $0x0  }
.Ltmp7:
0x5a: {  	s14 =	simm.s32 @p0 $0x0;
	[sflag:s13] =	ssyncadd.s32 @p0 $0xFFFFC000;
	(pc) =	sbr.rel .LBB2_10-.Ltmp7, $4  }
0x5b: {  	[hbm4b:s5+s14] =	stream.linear.scatter @p0 [tilespmem:s12], [sflag:$0x1], $0x4000, $0x38;
	[tilespmem:$0x7880] =	vst v63  }
0x5c: {  	_ =	swait.ge @p0 [sflag:s13], $0x4000  }
0x5d: {  	[sflag:s13] =	ssyncset.done @p0 $0x0  }
0x5e: {  	[sflag:s13] =	ssyncadd.s32 @p0 $0xFFFFC000  }
.LBB2_11:
0x5f: {  	_ =	sfence.sel $0x180000  }
0x60: {  	[bflag:$0x0] =	sbarrier.arrive $0xFFFF  }
0x61: {  	p0 =	sne.s32 s1, $0x0;
	_ =	strace $0x90000050  }
0x62: {  	s0 =	sadd.s32 @!p0 $0x100000, s0;
	[bflag:$0x2] =	sbarrier.arrive $0xFFFF  }
0x63: {  	[sflag:s0] =	ssyncadd.tile.s32 @!p0 $0x1;
	_ =	shalt  }
.Lfunc_end2:
_tile_overlayer_lowered:
.L_overlay_start_2:
0x64: {  	(tag) =	ssettag $0x2  }
0x65: {  	s0 =	rddreg [dreg:$0x0];
	s2 =	stileid.u32  }
0x66: {  	s1 =	rddreg [dreg:$0x1];
	p0 =	sne.s32 s2, $0x0  }
0x67: {  	s3 =	rddreg [dreg:$0x2];
	[bflag:$0x3] =	sbarrier.arrive $0xFFFF;
	s2 =	simm.s32 @!p0 $0x1C01  }
0x68: {  	[timem:s3], [sflag:s2] =	dma.local @!p0 [hbm:s0], s1  }
0x69: {  	s0 =	simm.s32 @!p0 $0x1  }
0x6a: {  	_ =	swait.ge @!p0 [sflag:s0], s1  }
0x6b: {  	s1 =	ssub.s32 @!p0 $0x0, s1;
	[sflag:s0] =	ssyncset.done @!p0 $0x0  }
0x6c: {  	[sflag:s0] =	ssyncadd.s32 @!p0 s1  }
0x6d: {  	[bflag:$0x3] =	sbarrier.arrive $0xFFFF  }
0x6e: {  	_ =	shalt  }

// kernel: kernel.8.cloned.1.call-start
scs
__scs_entry_jumppad:
0x0: {  	(pc) =	sbr.rel $0x88, $3  }
0x1: {  	(tag) =	ssettag $0x0;
	lr =	simm.s32 $0x1  }
0x2: {  	[smem:$0x3F98] =	sst lr;
	_ =	strace $0xD0000000  }
0x3: {  	_ = 	snop  }
0x4: {  	_ = 	snop  }
0x5: {  	_ = 	snop  }
0x6: {  	_ = 	snop  }
0x7: {  	_ = 	snop  }
__scs_overlays_trampoline_lowered:
0x8: {  	[smem:$0x3FA7] =	sst s0  }
0x9: {  	[smem:$0x3FA8] =	sst s1  }
0xa: {  	[smem:$0x3FA9] =	sst s2  }
0xb: {  	[smem:$0x3FAA] =	sst s3  }
0xc: {  	[smem:$0x3FAB] =	sst s4  }
0xd: {  	[smem:$0x3FAC] =	sst s5  }
0xe: {  	[smem:$0x3FAD] =	sst s6  }
0xf: {  	[smem:$0x3FAE] =	sst s7  }
0x10: {  	[smem:$0x3FAF] =	sst s8  }
0x11: {  	[smem:$0x3FB0] =	sst s9;
	s0 =	simm.s32 @!p0 $0x0  }
0x12: {  	s1 =	sld [smem:$0x3F96];
	s0 =	simm.s32 @p0 $0x1  }
0x13: {  	[smem:$0x3FB1] =	sst s0;
	s0 =	simm.s32 @!p1 $0x0  }
0x14: {  	s2 =	sld [smem:$0x3F95];
	s0 =	simm.s32 @p1 $0x1  }
0x15: {  	[smem:$0x3FB2] =	sst s0;
	s0 =	simm.s32 @!p2 $0x0  }
0x16: {  	s3 =	sld [smem:$0x3FDB];
	s0 =	simm.s32 @p2 $0x1  }
0x17: {  	s4 =	simm.s32 $0x1BF5;
	[smem:$0x3FB4] =	sst s0  }
0x18: {  	s0 =	sld [smem:$0x3F97];
	_ =	swait.ge [sflag:s4], $0x0  }
0x19: {  	s7 =	sld [smem:$0x3F98]  }
0x1a: {  	s8 =	sadd.s32 $0xFFFFE003, lr  }
0x1b: {  	s9 =	sadd.s32 $0xFFFFFEF7, lr;
	s5 =	simm.s32 $0xFFFFFFFF;
	p2 =	slt.u32 s8, $0xFFFFF086  }
0x1c: {  	p1 =	slt.u32 s9, $0xF7A;
	s5 =	simm.s32 @!p2 $0x0  }
0x1d: {  	s5 =	simm.s32 @p1 $0x1;
	p0 =	seq.s32 s7, s2  }
0x1e: {  	s7 =	smul.u32 @!p0 $0xF7A, s2;
	p2 =	seq.s32 @!p0 s5, $0x0  }
0x1f: {  	s9 =	smul.u32 $0xF7A, s1;
	s8 =	simm.s32 @!p0 $0x1BF5;
	p2 =	por !p2, p0  }
0x20: {  	[sflag:s8] =	ssyncset.s32 @!p0 $0xFFFFF086;
	s6 =	sadd.s32 @!p0 s3, s7;
	s7 =	simm.s32 @!p0 $0x108  }
0x21: {  	s3 =	sadd.s32 s3, s9;
	s6 =	sadd.s32 @!p0 $0x88, s6;
	s7 =	simm.s32 @p2 $0x1082  }
0x22: {  	[simem:s7], [sflag:s8] =	dma.local @!p0 [hbm:s6], $0xF7A  }
0x23: {  	s9 =	sor.u32 $0xD0000000, s2;
	s6 =	simm.s32 $0x108;
	_ =	swait.ge @!p0 [sflag:s8], $0x0  }
0x24: {  	s3 =	sadd.s32 $0x88, s3;
	s6 =	simm.s32 @!p1 $0x1082;
	[sflag:s4] =	ssyncset.s32 $0xFFFFF086  }
0x25: {  	[simem:s6], [sflag:s4] =	dma.local [hbm:s3], $0xF7A  }
0x26: {  	[smem:$0x3F98] =	sst s1;
	(tag) =	ssettag s2;
	_ =	strace s9  }
0x27: {  	s1 =	sld [smem:$0x3FA8]  }
0x28: {  	s2 =	sld [smem:$0x3FA9]  }
0x29: {  	s4 =	sld [smem:$0x3FAB]  }
0x2a: {  	p0 =	seq.s32 s5, $0x0;
	s5 =	sld [smem:$0x3FAC]  }
0x2b: {  	s6 =	sld [smem:$0x3FAD]  }
0x2c: {  	s7 =	sld [smem:$0x3FAE]  }
0x2d: {  	s3 =	simm.s32 $0x108;
	s8 =	sld [smem:$0x3FAF]  }
0x2e: {  	s3 =	simm.s32 @!p0 $0x1082;
	s9 =	sld [smem:$0x3FB0]  }
0x2f: {  	lr =	sadd.s32 s0, s3;
	s0 =	sld [smem:$0x3FA7]  }
0x30: {  	s3 =	sld [smem:$0x3FAA]  }
0x31: {  	[smem:$0x3FB3] =	sst s10  }
0x32: {  	s10 =	sld [smem:$0x3FB1];
	_ =	sdelay $0x3  }
0x33: {  	p0 =	seq.s32 s10, $0x1;
	s10 =	sld [smem:$0x3FB3];
	_ =	sdelay $0x3  }
0x34: {  	[smem:$0x3FB3] =	sst s10  }
0x35: {  	s10 =	sld [smem:$0x3FB2];
	_ =	sdelay $0x3  }
0x36: {  	p1 =	seq.s32 s10, $0x1;
	s10 =	sld [smem:$0x3FB3];
	_ =	sdelay $0x3  }
0x37: {  	[smem:$0x3FB3] =	sst s10  }
0x38: {  	s10 =	sld [smem:$0x3FB4]  }
0x39: {  	_ = 	snop;
	(pc) =	sbr.ind lr, $3  }
0x3a: {  	_ = 	snop  }
0x3b: {  	_ = 	snop  }
0x3c: {  	p2 =	seq.s32 s10, $0x1;
	s10 =	sld [smem:$0x3FB3]  }
0x3d: {  	_ =	shalt  }
0x3e: {  	_ =	shalt  }
0x3f: {  	_ =	shalt  }
0x40: {  	_ =	shalt  }
0x41: {  	_ =	shalt  }
0x42: {  	_ =	shalt  }
0x43: {  	_ =	shalt  }
0x44: {  	_ =	shalt  }
0x45: {  	_ =	shalt  }
0x46: {  	_ =	shalt  }
0x47: {  	_ =	shalt  }
0x48: {  	_ =	shalt  }
0x49: {  	_ =	shalt  }
0x4a: {  	_ =	shalt  }
0x4b: {  	_ =	shalt  }
0x4c: {  	_ =	shalt  }
0x4d: {  	_ =	shalt  }
0x4e: {  	_ =	shalt  }
0x4f: {  	_ =	shalt  }
0x50: {  	_ =	shalt  }
0x51: {  	_ =	shalt  }
0x52: {  	_ =	shalt  }
0x53: {  	_ =	shalt  }
0x54: {  	_ =	shalt  }
0x55: {  	_ =	shalt  }
0x56: {  	_ =	shalt  }
0x57: {  	_ =	shalt  }
0x58: {  	_ =	shalt  }
0x59: {  	_ =	shalt  }
0x5a: {  	_ =	shalt  }
0x5b: {  	_ =	shalt  }
0x5c: {  	_ =	shalt  }
0x5d: {  	_ =	shalt  }
0x5e: {  	_ =	shalt  }
0x5f: {  	_ =	shalt  }
0x60: {  	_ =	shalt  }
0x61: {  	_ =	shalt  }
0x62: {  	_ =	shalt  }
0x63: {  	_ =	shalt  }
0x64: {  	_ =	shalt  }
0x65: {  	_ =	shalt  }
0x66: {  	_ =	shalt  }
0x67: {  	_ =	shalt  }
0x68: {  	_ =	shalt  }
0x69: {  	_ =	shalt  }
0x6a: {  	_ =	shalt  }
0x6b: {  	_ =	shalt  }
0x6c: {  	_ =	shalt  }
0x6d: {  	_ =	shalt  }
0x6e: {  	_ =	shalt  }
0x6f: {  	_ =	shalt  }
0x70: {  	_ =	shalt  }
0x71: {  	_ =	shalt  }
0x72: {  	_ =	shalt  }
0x73: {  	_ =	shalt  }
0x74: {  	_ =	shalt  }
0x75: {  	_ =	shalt  }
0x76: {  	_ =	shalt  }
0x77: {  	_ =	shalt  }
0x78: {  	_ =	shalt  }
0x79: {  	_ =	shalt  }
0x7a: {  	_ =	shalt  }
0x7b: {  	_ =	shalt  }
0x7c: {  	_ =	shalt  }
0x7d: {  	_ =	shalt  }
0x7e: {  	_ =	shalt  }
0x7f: {  	_ =	shalt  }
0x80: {  	_ =	shalt  }
0x81: {  	_ =	shalt  }
0x82: {  	_ =	shalt  }
0x83: {  	_ =	shalt  }
0x84: {  	_ =	shalt  }
0x85: {  	_ =	shalt  }
0x86: {  	_ =	shalt  }
0x87: {  	_ =	shalt  }
.Lfunc_end0:
.L_simem_size_0:
called_computation_lowered:
.L_overlay_start_0:
0x88: {  	s2 =	sld [smem:$0x3FD9]  }
0x89: {  	s3 =	sld [smem:$0x3FFE];
	_ =	sdelay $0x1  }
0x8a: {  	s1 =	srdreg.scid  }
0x8b: {  	s0 =	sand.u32 $0x1, s1  }
0x8c: {  	s17 =	sshll.u32 s0, $0xA;
	s2 =	sadd.s32 s3, s2  }
0x8d: {  	s2 =	sadd.s32 s2, s17  }
0x8e: {  	[smem:$0x3FBF] =	sst s2  }
0x8f: {  	_ = 	snop  }
0x90: {  	(tm) =	ssettm $0x1  }
0x91: {  	s18 =	sld [smem:$0x3FFB];
	_ =	sdelay $0x3  }
0x92: {  	_ =	strace s18  }
0x93: {  	s2 =	sld [smem:$0x3FFC];
	_ =	sdelay $0x3  }
0x94: {  	_ =	strace s2  }
0x95: {  	s2 =	sld [smem:$0x3FFD];
	_ =	sdelay $0x3  }
0x96: {  	_ =	strace s2  }
0x97: {  	_ =	strace $0x8FFFFFFF  }
0x98: {  	s19 =	sld [smem:$0x3FDB];
	_ =	sdelay $0x1  }
0x99: {  	s20 =	simm.s32 $_scs_section_size  }
0x9a: {  	s4 =	simm.s32 $_size__tile_overlayer_lowered;
	s5 =	simm.s32 $_tile_overlayer_lowered  }
0x9b: {  	s6 =	simm.s32 $0x1BFF;
	s21 =	sshll.u32 s5, $0x1;
	s3 =	sadd.s32 s20, s19  }
0x9c: {  	s22 =	simm.s32 $0x0;
	s4 =	sshll.u32 s4, $0x1;
	s5 =	sadd.s32 s21, s3  }
0x9d: {  	[timem:s22], [sflag:s6] =	dma.local [hbm:s5], s4  }
0x9e: {  	_ =	swait.ge [sflag:s6], s4  }
0x9f: {  	s4 =	ssub.s32 $0x0, s4;
	[sflag:s6] =	ssyncset.done $0x0  }
0xa0: {  	[sflag:s6] =	ssyncadd.s32 s4;
	_ =	sdelay $0x1  }
0xa1: {  	s23 =	simm.s32 $0x1B8B  }
0xa2: {  	_ =	swait.ge [sflag:s23], $0x1  }
0xa3: {  	[sflag:s23] =	ssyncset.done $0x0  }
0xa4: {  	[sflag:s23] =	ssyncadd.s32 $0xFFFFFFFF  }
0xa5: {  	s4 =	sld [smem:$0x0]  }
0xa6: {  	s5 =	sand.u32 $0xFFFFFFFE, s1  }
0xa7: {  	p0 =	sne.s32 s1, s5  }
0xa8: {  	s5 =	sshll.u32 @p0 s5, $0xE  }
0xa9: {  	s5 =	sadd.s32 @p0 $0x11B8D, s5;
	s6 =	sshll.u32 @p0 s4, $0x11  }
0xaa: {  	s5 =	sor.u32 @p0 s6, s5  }
0xab: {  	[sflag:s5] =	ssyncadd.remote.s32 @p0 $0x1;
	_ =	sdelay $0x1  }
0xac: {  	s5 =	simm.s32 @p0 $0x1B8D  }
0xad: {  	_ =	swait.eq @p0 [sflag:s5], $0x1  }
0xae: {  	[sflag:s5] =	ssyncadd.s32 @p0 $0xFFFFFFFF  }
0xaf: {  	s6 =	sshll.u32 @!p0 s1, $0xE  }
0xb0: {  	s6 =	sor.u32 @!p0 $0x4000, s6;
	s5 =	simm.s32 @!p0 $0x1B8D  }
0xb1: {  	s4 =	sshll.u32 @!p0 s4, $0x11;
	s6 =	sadd.s32 @!p0 $0x11B8D, s6;
	_ =	swait.eq @!p0 [sflag:s5], $0x1  }
0xb2: {  	s4 =	sor.u32 @!p0 s4, s6;
	[sflag:s5] =	ssyncadd.s32 @!p0 $0xFFFFFFFF  }
0xb3: {  	s25 =	simm.s32 $0x1B8E;
	s24 =	sld [smem:$0x3FFE];
	[sflag:s4] =	ssyncadd.remote.s32 @!p0 $0x1  }
0xb4: {  	s26 =	simm.s32 $execute0_lowered;
	[smem:$0x3FD2] =	sst s25  }
0xb5: {  	s5 =	sshll.u32 s26, $0x1;
	_ =	strace $0x80000049;
	[dreg:$0x1] =	wrdreg $0xFFFFFFFF  }
0xb6: {  	s28 =	simm.s32 $_size_execute0_lowered;
	s3 =	sadd.s32 s3, s5;
	[dreg:$0x0] =	wrdreg $0x0  }
0xb7: {  	s5 =	sshll.u32 s28, $0x1;
	[dreg:$0x2] =	wrdreg s3  }
0xb8: {  	[dreg:$0x3] =	wrdreg s5  }
0xb9: {  	[dreg:$0x4] =	wrdreg $0xC0  }
0xba: {  	_ =	task [dreg:s22], $0x5FFFF  }
0xbb: {  	[dreg:$0x1] =	wrdreg $0xFFFFFFFF  }
0xbc: {  	[dreg:$0x0] =	wrdreg $0x60  }
0xbd: {  	[dreg:$0x2] =	wrdreg s24  }
0xbe: {  	[dreg:$0x3] =	wrdreg $0x0  }
0xbf: {  	[dreg:$0x4] =	wrdreg $0x9  }
0xc0: {  	_ =	task.clear_ibuf [dreg:s22], $0x5FFFF;
	_ =	strace $0x90000049  }
0xc1: {  	s29 =	simm.s32 $0x9;
	_ =	strace $0x8000004B  }
0xc2: {  	_ =	swait.ge [sflag:s29], $0x1  }
0xc3: {  	[sflag:s29] =	ssyncadd.s32 $0xFFFFFFFF  }
0xc4: {  	_ =	strace $0x9000004B  }
0xc5: {  	_ =	sfence  }
0xc6: {  	s30 =	sld [smem:$0x0];
	_ =	sdelay $0x2  }
0xc7: {  	s31 =	sshll.u32 s1, $0xD;
	s1 =	sshrl.u32 s1, $0x2  }
0xc8: {  	s4 =	sand.u32 $0x4000, s31;
	s1 =	sadd.s32 s1, s30  }
0xc9: {  	s0 =	sor.u32 s4, s0;
	s1 =	sshll.u32 s1, $0x11  }
0xca: {  	s0 =	sor.u32 s1, s0  }
0xcb: {  	s0 =	sadd.s32 $0x8F2B, s0  }
0xcc: {  	[sflag:s0] =	ssyncadd.remote.s32 $0x1  }
0xcd: {  	_ =	sfence.sel $0xFFFF  }
0xce: {  	[dreg:$0x0] =	wrdreg $0xFFFFFFFF;
	(pc) =	sbr.abs _section_cstart, $3  }
0xcf: {  	[dreg:$0x1] =	wrdreg $0xFFFFFFFF  }
0xd0: {  	_ =	task.clear_ibuf [dreg:s22], $0x2FFFF;
	_ =	strace $0x9FFFFFFF  }
0xd1: {  	(tm) =	ssettm $0x7FFFFFFF  }
tec
execute0_lowered:
.L_overlay_start_1:
0x0: {  	(tag) =	ssettag $0x1  }
0x1: {  	s0 =	rddreg [dreg:$0x0];
	s20 =	stileid.u32  }
0x2: {  	s1 =	rddreg [dreg:$0x1];
	s7 =	smul.u32 $0x2710, s20  }
0x3: {  	s3 =	srdreg.scid;
	s9 =	smul.u32 $0xA000, s20  }
0x4: {  	s2 =	simm.s32 $0x0;
	s3 =	sand.u32 $0x1, s3;
	s26 =	smul.u32 $0x500, s20  }
0x5: {  	[smem:$0x7FF] =	sst s2;
	s10 =	sor.u32 $0x70, s20;
	s5 =	smul.u32 $0x27100, s3  }
0x6: {  	s4 =	sadd.s32 $0x2C00, s0;
	s13 =	sor.u32 $0x10, s20;
	s12 =	smul.u32 $0xA000, s10  }
0x7: {  	s6 =	sadd.s32 $0x64C00, s0;
	s14 =	sor.u32 $0x20, s20;
	s23 =	smul.u32 $0x500, s13  }
0x8: {  	s0 =	sadd.s32 $0x8BE00, s0;
	s17 =	sor.u32 $0x30, s20;
	s16 =	smul.u32 $0x500, s14  }
0x9: {  	s18 =	sor.u32 $0x40, s20;
	s19 =	sor.u32 $0x50, s20;
	s24 =	smul.u32 $0x500, s17  }
0xa: {  	s8 =	ssub.s32 $0x2, s3;
	p0 =	seq.s32 s3, $0x1;
	s3 =	smul.u32 $0x500, s18  }
0xb: {  	s22 =	sor.u32 $0x60, s20;
	_ =	strace $0x8000004A;
	s25 =	smul.u32 $0x500, s19  }
0xc: {  	s19 =	smul.u32 $0xA000, s19;
	s11 =	sshrl.u32 s8, $0x1;
	s6 =	smov.u32 @p0 s0  }
0xd: {  	p1 =	sgt.u32 s10, $0x7C;
	s8 =	ssub.s32 s8, s11;
	s11 =	sadd.s32 s6, s26  }
0xe: {  	s5 =	sadd.s32 s7, s5;
	s7 =	sadd.s32 s6, s23;
	[dreg:$0x3] =	wrdreg s11  }
0xf: {  	s26 =	smul.u32 $0x500, s22;
	s20 =	sadd.s32 s6, s16;
	[dreg:$0x4] =	wrdreg s7  }
0x10: {  	s23 =	sadd.s32 s6, s24;
	s24 =	smul.u32 $0x500, s10;
	[dreg:$0x5] =	wrdreg s20  }
0x11: {  	s3 =	sadd.s32 s6, s3;
	s0 =	sadd.s32 s6, s25;
	[dreg:$0x6] =	wrdreg s23  }
0x12: {  	s10 =	simm.s32 $0x1;
	s15 =	sshrl.u32 s5, $0x3;
	[dreg:$0x7] =	wrdreg s3  }
0x13: {  	s7 =	smax.u32 s8, $0x1;
	s8 =	sshrl.u32 s9, $0x2;
	s9 =	smul.u32 $0xA000, s14  }
0x14: {  	[dreg:$0x8] =	wrdreg s0;
	s11 =	sshrl.u32 s12, $0x2;
	s12 =	smul.u32 $0xA000, s17  }
0x15: {  	s23 =	smul.u32 $0xA000, s22;
	s21 =	sadd.s32 s4, s15;
	s25 =	sadd.s32 s6, s26  }
0x16: {  	s26 =	sadd.s32 s6, s24;
	s6 =	smul.u32 $0xA000, s13;
	[dreg:$0xc] =	wrdreg s7  }
0x17: {  	s16 =	sadd.s32 s8, s1;
	s13 =	smul.u32 $0xA000, s18;
	s17 =	sadd.s32 s11, s1  }
0x18: {  	s24 =	sshrl.u32 s19, $0x2;
	s7 =	simm.s32 $0x3;
	[dreg:$0x9] =	wrdreg s25  }
0x19: {  	s8 =	simm.s32 $0x13880;
	s11 =	simm.s32 $0x80;
	[dreg:$0xa] =	wrdreg s26  }
0x1a: {  	s3 =	sadd.s32 $0x4E0, s21;
	s15 =	sshrl.u32 s12, $0x2;
	s25 =	sadd.s32 $0x80, s5  }
0x1b: {  	s28 =	sadd.s32 $0x50000, s16;
	s29 =	sadd.s32 $0x78000, s16;
	s30 =	sadd.s32 $0xA0000, s16  }
0x1c: {  	s31 =	sadd.s32 $0xC8000, s16;
	s22 =	smov.u32 s21;
	s12 =	simm.s32 $0x2  }
0x1d: {  	[dreg:$0xb] =	wrdreg s3;
	s0 =	sshrl.u32 s6, $0x2;
	s6 =	sshrl.u32 s9, $0x2  }
0x1e: {  	s18 =	sshrl.u32 s13, $0x2;
	s3 =	sadd.s32 s24, s1;
	s26 =	sshrl.u32 s25, $0x3  }
0x1f: {  	s24 =	sadd.s32 $0x100, s5;
	s9 =	simm.s32 $0x13900;
	s13 =	simm.s32 $0x13980  }
0x20: {  	s0 =	sadd.s32 s0, s1;
	s14 =	sadd.s32 s6, s1;
	[dreg:$0x11] =	wrdreg s3  }
0x21: {  	s20 =	sadd.s32 s18, s1;
	s25 =	sadd.s32 s26, s4;
	[dreg:$0xd] =	wrdreg s0  }
0x22: {  	s26 =	sadd.s32 $0x28000, s16;
	s3 =	sadd.s32 $0x4D0, s21;
	[dreg:$0xe] =	wrdreg s14  }
0x23: {  	s6 =	simm.s32 $0x13A00;
	s0 =	sadd.s32 s15, s1;
	[dreg:$0x10] =	wrdreg s20  }
0x24: {  	s14 =	simm.s32 $0x4;
	[dreg:$0xf] =	wrdreg s0;
	s0 =	sshrl.u32 s23, $0x2  }
0x25: {  	v0 =	vimm.f32 $0.0e+00;
	v1 =	vimm.f32 $1.000000000e+00;
	s15 =	simm.s32 $0x0;
	s23 =	sadd.s32 s0, s1;
	s0 =	sadd.s32 $0xF0000, s16  }
.LBB2_1:
0x26: {  	s5 =	simm.s32 $0x70;
	s18 =	simm.s32 $0x3C0  }
.LBB2_2:
0x27: {  	p2 =	sne.s32 s18, $0x9FC0;
	[tilespmem:s5+$0x13A00] =	vst v0  }
0x28: {  	[tilespmem:s5+$0x13990] =	vst v0  }
0x29: {  	[tilespmem:s5+$0x139A0] =	vst v0  }
.Ltmp0:
0x2a: {  	[tilespmem:s5+$0x139B0] =	vst v0;
	(pc) =	sbr.rel @p2 .LBB2_2-.Ltmp0, $4  }
0x2b: {  	[tilespmem:s5+$0x139C0] =	vst v0  }
0x2c: {  	[tilespmem:s5+$0x139D0] =	vst v0  }
0x2d: {  	[tilespmem:s5+$0x139E0] =	vst v0  }
0x2e: {  	[tilespmem:s5+$0x139F0] =	vst v0;
	s5 =	sshra.s32 s18, $0x2;
	s18 =	sadd.s32 $0x200, s18  }
0x2f: {  	[tilespmem:s5+$0x13A00] =	vst v0  }
0x30: {  	[tilespmem:s5+$0x13990] =	vst v0  }
0x31: {  	[tilespmem:s5+$0x139A0] =	vst v0  }
0x32: {  	[tilespmem:s5+$0x139B0] =	vst v0  }
0x33: {  	[tilespmem:s5+$0x139C0] =	vst v0  }
0x34: {  	[tilespmem:s5+$0x139D0] =	vst v0  }
0x35: {  	[tilespmem:s5+$0x139E0] =	vst v0  }
0x36: {  	[tilespmem:s5+$0x139F0] =	vst v0  }
0x37: {  	[spmem:s16] =	stream.linear.scatter [tilespmem:s6], [sflag:$0x3], $0x2800, $0x38;
	[tilespmem:$0x17A00] =	vst v63  }
0x38: {  	_ =	swait.ge [sflag:s7], $0x2800  }
0x39: {  	[sflag:s7] =	ssyncset.done $0x0  }
0x3a: {  	[sflag:s7] =	ssyncadd.s32 $0xFFFFD800  }
0x3b: {  	[spmem:s26] =	stream.linear.scatter [tilespmem:s6], [sflag:$0x3], $0x2800, $0x38;
	[tilespmem:$0x17A00] =	vst v63  }
0x3c: {  	_ =	swait.ge [sflag:s7], $0x2800  }
0x3d: {  	[sflag:s7] =	ssyncset.done $0x0  }
0x3e: {  	[sflag:s7] =	ssyncadd.s32 $0xFFFFD800  }
0x3f: {  	[spmem:s28] =	stream.linear.scatter [tilespmem:s6], [sflag:$0x3], $0x2800, $0x38;
	[tilespmem:$0x17A00] =	vst v63  }
0x40: {  	_ =	swait.ge [sflag:s7], $0x2800  }
0x41: {  	[sflag:s7] =	ssyncset.done $0x0  }
0x42: {  	[sflag:s7] =	ssyncadd.s32 $0xFFFFD800  }
0x43: {  	[spmem:s29] =	stream.linear.scatter [tilespmem:s6], [sflag:$0x3], $0x2800, $0x38;
	[tilespmem:$0x17A00] =	vst v63  }
0x44: {  	_ =	swait.ge [sflag:s7], $0x2800  }
0x45: {  	[sflag:s7] =	ssyncset.done $0x0  }
0x46: {  	[sflag:s7] =	ssyncadd.s32 $0xFFFFD800  }
0x47: {  	[spmem:s30] =	stream.linear.scatter [tilespmem:s6], [sflag:$0x3], $0x2800, $0x38;
	[tilespmem:$0x17A00] =	vst v63  }
0x48: {  	_ =	swait.ge [sflag:s7], $0x2800  }
0x49: {  	[sflag:s7] =	ssyncset.done $0x0  }
0x4a: {  	[sflag:s7] =	ssyncadd.s32 $0xFFFFD800  }
0x4b: {  	[spmem:s31] =	stream.linear.scatter [tilespmem:s6], [sflag:$0x3], $0x2800, $0x38;
	[tilespmem:$0x17A00] =	vst v63  }
0x4c: {  	_ =	swait.ge [sflag:s7], $0x2800  }
0x4d: {  	[sflag:s7] =	ssyncset.done $0x0  }
0x4e: {  	[sflag:s7] =	ssyncadd.s32 $0xFFFFD800  }
0x4f: {  	[spmem:s0] =	stream.linear.scatter [tilespmem:s6], [sflag:$0x3], $0x2800, $0x38;
	[tilespmem:$0x17A00] =	vst v63  }
0x50: {  	_ =	swait.ge [sflag:s7], $0x2800  }
0x51: {  	[sflag:s7] =	ssyncset.done $0x0  }
0x52: {  	s5 =	simm.s32 @!p1 $0x13A00;
	[sflag:s7] =	ssyncadd.s32 $0xFFFFD800  }
0x53: {  	[spmem:s17] =	stream.linear.scatter @!p1 [tilespmem:s5], [sflag:$0x3], $0x2800, $0x38;
	[tilespmem:$0x17A00] =	vst v63  }
0x54: {  	s5 =	simm.s32 @!p1 $0x3  }
0x55: {  	_ =	swait.ge @!p1 [sflag:s5], $0x2800  }
0x56: {  	[sflag:s5] =	ssyncset.done @!p1 $0x0  }
0x57: {  	[sflag:s5] =	ssyncadd.s32 @!p1 $0xFFFFD800  }
0x58: {  	s18 =	simm.s32 $0x200;
	s5 =	simm.s32 $0x0;
	[bflag:$0x0] =	sbarrier.arrive $0xFFFF  }
.LBB2_4:
0x59: {  	p2 =	sne.s32 s18, $0xFE00;
	[tilespmem:s5+$0x13A70] =	vst v1  }
0x5a: {  	[tilespmem:s5+$0x13A00] =	vst v1  }
0x5b: {  	[tilespmem:s5+$0x13A10] =	vst v1  }
.Ltmp1:
0x5c: {  	[tilespmem:s5+$0x13A20] =	vst v1;
	(pc) =	sbr.rel @p2 .LBB2_4-.Ltmp1, $4  }
0x5d: {  	[tilespmem:s5+$0x13A30] =	vst v1  }
0x5e: {  	[tilespmem:s5+$0x13A40] =	vst v1  }
0x5f: {  	[tilespmem:s5+$0x13A50] =	vst v1  }
0x60: {  	[tilespmem:s5+$0x13A60] =	vst v1;
	s5 =	sshra.s32 s18, $0x2;
	s18 =	sadd.s32 $0x200, s18  }
0x61: {  	[tilespmem:s5+$0x13A70] =	vst v1  }
0x62: {  	[tilespmem:s5+$0x13A00] =	vst v1  }
0x63: {  	[tilespmem:s5+$0x13A10] =	vst v1  }
0x64: {  	[tilespmem:s5+$0x13A20] =	vst v1  }
0x65: {  	[tilespmem:s5+$0x13A30] =	vst v1  }
0x66: {  	[tilespmem:s5+$0x13A40] =	vst v1  }
0x67: {  	[tilespmem:s5+$0x13A50] =	vst v1  }
0x68: {  	[tilespmem:s5+$0x13A60] =	vst v1;
	s19 =	simm.s32 $0x0  }
0x69: {  	[tilespmem:s8], [sflag:$0x1] =	stream.linear.gather [hbm4b:s22+s19], $0x80, $0x38;
	[tilespmem:$0x17A00] =	vst v63  }
0x6a: {  	s20 =	sadd.s32 $0x0, s25  }
0x6b: {  	[tilespmem:s9], [sflag:$0x2] =	stream.linear.gather [hbm4b:s20+s2], $0x80, $0x38;
	[tilespmem:$0x17A00] =	vst v63  }
0x6c: {  	_ =	swait.ge [sflag:s10], $0x80  }
0x6d: {  	[sflag:s10] =	ssyncset.done $0x0  }
0x6e: {  	[sflag:s10] =	ssyncadd.s32 $0xFFFFFF80  }
0x6f: {  	[spmem:s1] =	stream.indirect.scatter.add.f32 [tilespmem:s6], [sflag:$0x3], $0x80, s8, s11, $0xb8;
	[tilespmem:$0x17A00] =	vst v63  }
0x70: {  	_ =	swait.ge [sflag:s7], $0x4000  }
0x71: {  	s21 =	sshrl.u32 s24, $0x3;
	[sflag:s7] =	ssyncset.done $0x0  }
0x72: {  	s5 =	sadd.s32 s4, s21;
	[sflag:s7] =	ssyncadd.s32 $0xFFFFC000  }
0x73: {  	[tilespmem:s8], [sflag:$0x1] =	stream.linear.gather [hbm4b:s5+s2], $0x80, $0x38;
	[tilespmem:$0x17A00] =	vst v63  }
0x74: {  	_ =	swait.ge [sflag:s12], $0x80  }
0x75: {  	[sflag:s12] =	ssyncset.done $0x0  }
0x76: {  	[sflag:s12] =	ssyncadd.s32 $0xFFFFFF80  }
0x77: {  	[spmem:s1] =	stream.indirect.scatter.add.f32 [tilespmem:s6], [sflag:$0x3], $0x80, s9, s11, $0xb8;
	[tilespmem:$0x17A00] =	vst v63  }
0x78: {  	s18 =	simm.s32 $0x20;
	_ =	swait.ge [sflag:s7], $0x4000  }
0x79: {  	s19 =	simm.s32 $0x40;
	s5 =	sadd.s32 $0x100, s24;
	[sflag:s7] =	ssyncset.done $0x0  }
.LBB2_6:
0x7a: {  	s20 =	sadd.s32 s18, s25  }
0x7b: {  	[sflag:s7] =	ssyncadd.s32 $0xFFFFC000;
	s18 =	smov.u32 s19;
	s21 =	sadd.s32 $0x20, s19  }
0x7c: {  	[tilespmem:s9], [sflag:$0x2] =	stream.linear.gather [hbm4b:s20+s2], $0x80, $0x38;
	[tilespmem:$0x17A00] =	vst v63  }
0x7d: {  	p2 =	sne.s32 s19, $0x4A0;
	_ =	swait.ge [sflag:s10], $0x80  }
0x7e: {  	[sflag:s10] =	ssyncset.done $0x0  }
0x7f: {  	[sflag:s10] =	ssyncadd.s32 $0xFFFFFF80  }
0x80: {  	[spmem:s1] =	stream.indirect.scatter.add.f32 [tilespmem:s6], [sflag:$0x3], $0x80, s8, s11, $0xb8;
	[tilespmem:$0x17A00] =	vst v63  }
0x81: {  	_ =	swait.ge [sflag:s7], $0x4000  }
0x82: {  	s19 =	sshrl.u32 s5, $0x3;
	[sflag:s7] =	ssyncset.done $0x0  }
0x83: {  	s19 =	sadd.s32 s4, s19;
	[sflag:s7] =	ssyncadd.s32 $0xFFFFC000  }
0x84: {  	[tilespmem:s8], [sflag:$0x1] =	stream.linear.gather [hbm4b:s19+s2], $0x80, $0x38;
	[tilespmem:$0x17A00] =	vst v63  }
0x85: {  	_ =	swait.ge [sflag:s12], $0x80  }
.Ltmp2:
0x86: {  	[sflag:s12] =	ssyncset.done $0x0;
	(pc) =	sbr.rel @p2 .LBB2_6-.Ltmp2, $4  }
0x87: {  	[sflag:s12] =	ssyncadd.s32 $0xFFFFFF80  }
0x88: {  	[spmem:s1] =	stream.indirect.scatter.add.f32 [tilespmem:s6], [sflag:$0x3], $0x80, s9, s11, $0xb8;
	[tilespmem:$0x17A00] =	vst v63  }
0x89: {  	_ =	swait.ge [sflag:s7], $0x4000  }
0x8a: {  	s5 =	sadd.s32 $0x100, s5;
	s19 =	smov.u32 s21;
	[sflag:s7] =	ssyncset.done $0x0  }
0x8b: {  	s18 =	sadd.s32 s18, s25;
	[sflag:s7] =	ssyncadd.s32 $0xFFFFC000  }
0x8c: {  	[tilespmem:s9], [sflag:$0x2] =	stream.linear.gather [hbm4b:s18+s2], $0x80, $0x38;
	[tilespmem:$0x17A00] =	vst v63  }
0x8d: {  	_ =	swait.ge [sflag:s10], $0x80  }
0x8e: {  	[sflag:s10] =	ssyncset.done $0x0  }
0x8f: {  	[sflag:s10] =	ssyncadd.s32 $0xFFFFFF80  }
0x90: {  	[spmem:s1] =	stream.indirect.scatter.add.f32 [tilespmem:s6], [sflag:$0x3], $0x80, s8, s11, $0xb8;
	[tilespmem:$0x17A00] =	vst v63  }
0x91: {  	_ =	swait.ge [sflag:s7], $0x4000  }
0x92: {  	s5 =	sshrl.u32 s5, $0x3;
	[sflag:s7] =	ssyncset.done $0x0  }
0x93: {  	s5 =	sadd.s32 s4, s5;
	[sflag:s7] =	ssyncadd.s32 $0xFFFFC000  }
0x94: {  	[tilespmem:s8], [sflag:$0x1] =	stream.linear.gather [hbm4b:s5+s2], $0x80, $0x38;
	[tilespmem:$0x17A00] =	vst v63  }
0x95: {  	_ =	swait.ge [sflag:s12], $0x80  }
0x96: {  	[sflag:s12] =	ssyncset.done $0x0  }
0x97: {  	[sflag:s12] =	ssyncadd.s32 $0xFFFFFF80  }
0x98: {  	[spmem:s1] =	stream.indirect.scatter.add.f32 [tilespmem:s6], [sflag:$0x3], $0x80, s9, s11, $0xb8;
	[tilespmem:$0x17A00] =	vst v63  }
0x99: {  	_ =	swait.ge [sflag:s7], $0x4000  }
0x9a: {  	[sflag:s7] =	ssyncset.done $0x0  }
0x9b: {  	[sflag:s7] =	ssyncadd.s32 $0xFFFFC000  }
0x9c: {  	[tilespmem:s9], [sflag:$0x2] =	stream.linear.gather [hbm4b:s3+s2], $0x80, $0x38;
	[tilespmem:$0x17A00] =	vst v63  }
0x9d: {  	_ =	swait.ge [sflag:s10], $0x80  }
0x9e: {  	[sflag:s10] =	ssyncset.done $0x0  }
0x9f: {  	[sflag:s10] =	ssyncadd.s32 $0xFFFFFF80  }
0xa0: {  	[spmem:s1] =	stream.indirect.scatter.add.f32 [tilespmem:s6], [sflag:$0x3], $0x80, s8, s11, $0xb8;
	[tilespmem:$0x17A00] =	vst v63  }
0xa1: {  	_ =	swait.ge [sflag:s7], $0x4000  }
0xa2: {  	[sflag:s7] =	ssyncset.done $0x0  }
0xa3: {  	[sflag:s7] =	ssyncadd.s32 $0xFFFFC000  }
0xa4: {  	_ =	swait.ge [sflag:s12], $0x80  }
0xa5: {  	[sflag:s12] =	ssyncset.done $0x0  }
0xa6: {  	[sflag:s12] =	ssyncadd.s32 $0xFFFFFF80  }
0xa7: {  	[spmem:s1] =	stream.indirect.scatter.add.f32 [tilespmem:s6], [sflag:$0x3], $0x80, s9, s11, $0xb8;
	[tilespmem:$0x17A00] =	vst v63  }
0xa8: {  	_ =	swait.ge [sflag:s7], $0x4000  }
0xa9: {  	[sflag:s7] =	ssyncset.done $0x0  }
0xaa: {  	s19 =	rddreg [dreg:$0xb];
	[sflag:s7] =	ssyncadd.s32 $0xFFFFC000  }
0xab: {  	[tilespmem:s13], [sflag:$0x3] =	stream.linear.gather [hbm4b:s19+s2], $0x10, $0x38;
	[tilespmem:$0x17A00] =	vst v63  }
0xac: {  	_ =	swait.ge [sflag:s7], $0x10  }
0xad: {  	[sflag:s7] =	ssyncset.done $0x0  }
0xae: {  	s20 =	simm.s32 $0x10;
	[sflag:s7] =	ssyncadd.s32 $0xFFFFFFF0  }
0xaf: {  	[spmem:s1] =	stream.indirect.scatter.add.f32 [tilespmem:s6], [sflag:$0x3], $0x80, s13, s20, $0xb8;
	[tilespmem:$0x17A00] =	vst v63  }
0xb0: {  	_ =	swait.ge [sflag:s7], $0x800  }
0xb1: {  	[sflag:s7] =	ssyncset.done $0x0  }
0xb2: {  	[sflag:s7] =	ssyncadd.s32 $0xFFFFF800  }
0xb3: {  	[bflag:$0x0] =	sbarrier.arrive $0xFFFF  }
0xb4: {  	[tilespmem:s6], [sflag:$0x4] =	stream.linear.gather [spmem:s16], $0x2800, $0x38;
	[tilespmem:$0x17A00] =	vst v63  }
0xb5: {  	_ =	swait.ge [sflag:s14], $0x2800  }
0xb6: {  	s5 =	simm.s32 $0x3;
	[sflag:s14] =	ssyncset.done $0x0  }
0xb7: {  	s5 =	simm.s32 @!p0 $0x4;
	s21 =	rddreg [dreg:$0x3];
	[sflag:s14] =	ssyncadd.s32 $0xFFFFD800  }
0xb8: {  	[hbm4b:s21+s2] =	stream.linear.scatter [tilespmem:s6], [sflag:s5], $0x2800, $0x38;
	[tilespmem:$0x17A00] =	vst v63  }
0xb9: {  	_ =	swait.ge [sflag:s5], $0x2800  }
0xba: {  	[sflag:s5] =	ssyncset.done $0x0  }
0xbb: {  	s19 =	rddreg [dreg:$0xd];
	[sflag:s5] =	ssyncadd.s32 $0xFFFFD800  }
0xbc: {  	[tilespmem:s6], [sflag:$0x4] =	stream.linear.gather [spmem:s19], $0x2800, $0x38;
	[tilespmem:$0x17A00] =	vst v63  }
0xbd: {  	_ =	swait.ge [sflag:s14], $0x2800  }
0xbe: {  	[sflag:s14] =	ssyncset.done $0x0  }
0xbf: {  	s20 =	rddreg [dreg:$0x4];
	[sflag:s14] =	ssyncadd.s32 $0xFFFFD800  }
0xc0: {  	[hbm4b:s20+s2] =	stream.linear.scatter [tilespmem:s6], [sflag:s5], $0x2800, $0x38;
	[tilespmem:$0x17A00] =	vst v63  }
0xc1: {  	_ =	swait.ge [sflag:s5], $0x2800  }
0xc2: {  	[sflag:s5] =	ssyncset.done $0x0  }
0xc3: {  	s21 =	rddreg [dreg:$0xe];
	[sflag:s5] =	ssyncadd.s32 $0xFFFFD800  }
0xc4: {  	[tilespmem:s6], [sflag:$0x4] =	stream.linear.gather [spmem:s21], $0x2800, $0x38;
	[tilespmem:$0x17A00] =	vst v63  }
0xc5: {  	_ =	swait.ge [sflag:s14], $0x2800  }
0xc6: {  	[sflag:s14] =	ssyncset.done $0x0  }
0xc7: {  	s19 =	rddreg [dreg:$0x5];
	[sflag:s14] =	ssyncadd.s32 $0xFFFFD800  }
0xc8: {  	[hbm4b:s19+s2] =	stream.linear.scatter [tilespmem:s6], [sflag:s5], $0x2800, $0x38;
	[tilespmem:$0x17A00] =	vst v63  }
0xc9: {  	_ =	swait.ge [sflag:s5], $0x2800  }
0xca: {  	[sflag:s5] =	ssyncset.done $0x0  }
0xcb: {  	s20 =	rddreg [dreg:$0xf];
	[sflag:s5] =	ssyncadd.s32 $0xFFFFD800  }
0xcc: {  	[tilespmem:s6], [sflag:$0x4] =	stream.linear.gather [spmem:s20], $0x2800, $0x38;
	[tilespmem:$0x17A00] =	vst v63  }
0xcd: {  	_ =	swait.ge [sflag:s14], $0x2800  }
0xce: {  	[sflag:s14] =	ssyncset.done $0x0  }
0xcf: {  	s21 =	rddreg [dreg:$0x6];
	[sflag:s14] =	ssyncadd.s32 $0xFFFFD800  }
0xd0: {  	[hbm4b:s21+s2] =	stream.linear.scatter [tilespmem:s6], [sflag:s5], $0x2800, $0x38;
	[tilespmem:$0x17A00] =	vst v63  }
0xd1: {  	_ =	swait.ge [sflag:s5], $0x2800  }
0xd2: {  	[sflag:s5] =	ssyncset.done $0x0  }
0xd3: {  	s19 =	rddreg [dreg:$0x10];
	[sflag:s5] =	ssyncadd.s32 $0xFFFFD800  }
0xd4: {  	[tilespmem:s6], [sflag:$0x4] =	stream.linear.gather [spmem:s19], $0x2800, $0x38;
	[tilespmem:$0x17A00] =	vst v63  }
0xd5: {  	_ =	swait.ge [sflag:s14], $0x2800  }
0xd6: {  	[sflag:s14] =	ssyncset.done $0x0  }
0xd7: {  	s20 =	rddreg [dreg:$0x7];
	[sflag:s14] =	ssyncadd.s32 $0xFFFFD800  }
0xd8: {  	[hbm4b:s20+s2] =	stream.linear.scatter [tilespmem:s6], [sflag:s5], $0x2800, $0x38;
	[tilespmem:$0x17A00] =	vst v63  }
0xd9: {  	_ =	swait.ge [sflag:s5], $0x2800  }
0xda: {  	[sflag:s5] =	ssyncset.done $0x0  }
0xdb: {  	s21 =	rddreg [dreg:$0x11];
	[sflag:s5] =	ssyncadd.s32 $0xFFFFD800  }
0xdc: {  	[tilespmem:s6], [sflag:$0x4] =	stream.linear.gather [spmem:s21], $0x2800, $0x38;
	[tilespmem:$0x17A00] =	vst v63  }
0xdd: {  	_ =	swait.ge [sflag:s14], $0x2800  }
0xde: {  	[sflag:s14] =	ssyncset.done $0x0  }
0xdf: {  	s19 =	rddreg [dreg:$0x8];
	[sflag:s14] =	ssyncadd.s32 $0xFFFFD800  }
0xe0: {  	[hbm4b:s19+s2] =	stream.linear.scatter [tilespmem:s6], [sflag:s5], $0x2800, $0x38;
	[tilespmem:$0x17A00] =	vst v63  }
0xe1: {  	_ =	swait.ge [sflag:s5], $0x2800  }
0xe2: {  	[sflag:s5] =	ssyncset.done $0x0  }
0xe3: {  	[sflag:s5] =	ssyncadd.s32 $0xFFFFD800  }
0xe4: {  	[tilespmem:s6], [sflag:$0x4] =	stream.linear.gather [spmem:s23], $0x2800, $0x38;
	[tilespmem:$0x17A00] =	vst v63  }
0xe5: {  	_ =	swait.ge [sflag:s14], $0x2800  }
0xe6: {  	[sflag:s14] =	ssyncset.done $0x0  }
0xe7: {  	s20 =	rddreg [dreg:$0x9];
	[sflag:s14] =	ssyncadd.s32 $0xFFFFD800  }
0xe8: {  	[hbm4b:s20+s2] =	stream.linear.scatter [tilespmem:s6], [sflag:s5], $0x2800, $0x38;
	[tilespmem:$0x17A00] =	vst v63  }
0xe9: {  	_ =	swait.ge [sflag:s5], $0x2800  }
0xea: {  	[sflag:s5] =	ssyncset.done $0x0  }
0xeb: {  	s18 =	simm.s32 @!p1 $0x13A00;
	s19 =	simm.s32 @!p1 $0x4;
	[sflag:s5] =	ssyncadd.s32 $0xFFFFD800  }
0xec: {  	[tilespmem:s18], [sflag:$0x4] =	stream.linear.gather @!p1 [spmem:s17], $0x2800, $0x38;
	[tilespmem:$0x17A00] =	vst v63  }
0xed: {  	_ =	swait.ge @!p1 [sflag:s19], $0x2800  }
0xee: {  	[sflag:s19] =	ssyncset.done @!p1 $0x0  }
0xef: {  	s20 =	rddreg [dreg:$0xa];
	[sflag:s19] =	ssyncadd.s32 @!p1 $0xFFFFD800;
	s19 =	simm.s32 @!p1 $0x0  }
0xf0: {  	[hbm4b:s20+s19] =	stream.linear.scatter @!p1 [tilespmem:s18], [sflag:s5], $0x2800, $0x38;
	[tilespmem:$0x17A00] =	vst v63  }
0xf1: {  	_ =	swait.ge @!p1 [sflag:s5], $0x2800  }
0xf2: {  	s15 =	sadd.s32 $0x1, s15;
	s21 =	rddreg [dreg:$0xc]  }
0xf3: {  	p2 =	sne.s32 s15, s21  }
.Ltmp3:
0xf4: {  	_ = 	snop;
	(pc) =	sbr.rel @p2 .LBB2_1-.Ltmp3, $3  }
0xf5: {  	_ =	sdelay $0x1  }
0xf6: {  	[sflag:s5] =	ssyncset.done @!p1 $0x0  }
0xf7: {  	[sflag:s5] =	ssyncadd.s32 @!p1 $0xFFFFD800  }
0xf8: {  	_ =	sfence.sel $0x180000  }
0xf9: {  	[bflag:$0x0] =	sbarrier.arrive $0xFFFF  }
0xfa: {  	_ =	strace $0x9000004A  }
0xfb: {  	s0 =	stileid.u32;
	[bflag:$0x2] =	sbarrier.arrive $0xFFFF  }
0xfc: {  	p0 =	sne.s32 s0, $0x0;
	s0 =	rddreg [dreg:$0x2]  }
0xfd: {  	s0 =	sadd.s32 @!p0 $0x100000, s0  }
0xfe: {  	[sflag:s0] =	ssyncadd.tile.s32 @!p0 $0x1;
	_ =	shalt  }
.Lfunc_end2:
_tile_overlayer_lowered:
.L_overlay_start_2:
0xff: {  	(tag) =	ssettag $0x2  }
0x100: {  	s0 =	rddreg [dreg:$0x0];
	s2 =	stileid.u32  }
0x101: {  	s1 =	rddreg [dreg:$0x1];
	p0 =	sne.s32 s2, $0x0  }
0x102: {  	s3 =	rddreg [dreg:$0x2];
	[bflag:$0x3] =	sbarrier.arrive $0xFFFF;
	s2 =	simm.s32 @!p0 $0x1C03  }
0x103: {  	[timem:s3], [sflag:s2] =	dma.local @!p0 [hbm:s0], s1  }
0x104: {  	s0 =	simm.s32 @!p0 $0x3  }
0x105: {  	_ =	swait.ge @!p0 [sflag:s0], s1  }
0x106: {  	s1 =	ssub.s32 @!p0 $0x0, s1;
	[sflag:s0] =	ssyncset.done @!p0 $0x0  }
0x107: {  	[sflag:s0] =	ssyncadd.s32 @!p0 s1  }
0x108: {  	[bflag:$0x3] =	sbarrier.arrive $0xFFFF  }
0x109: {  	_ =	shalt  }

</sc_bundles>
